<compile_context>
chip_gen: v7x
topology: tpu7x:2x2x1
jax: 0.10.2.dev20260603
libtpu: 0.0.44.dev20260713+nightly
codegen_flags: <defaults>
</compile_context>

<pallas_src>
import jax
import jax.numpy as jnp
from jax import lax
from jax.experimental import pallas as pl
from jax.experimental.pallas import tpu as pltpu
from jax.experimental.pallas import tpu_sc as plsc

N = 10000
E = 320000
D = 128
H = 4
C = 32
NC = 2
NS = 16
HPC = H // NC
DH = D // NC
NACC = 10240
RPT = NACC // NS
EPW = E // NS
K = 80
NCHUNK = EPW // K
DROWS = NACC // 16
DRPT = DROWS // NS
ROWBLK = 1000


def _pre_body(x_ref, w_ref, acat_ref, h_ref, sd_ref):
    h = jnp.dot(x_ref[...], w_ref[...], preferred_element_type=jnp.float32)
    h_ref[...] = h
    sd_ref[...] = jnp.dot(h, acat_ref[...], preferred_element_type=jnp.float32)


def _pre(x, W, acat):
    return pl.pallas_call(
        _pre_body,
        grid=(N // ROWBLK,),
        in_specs=[
            pl.BlockSpec((ROWBLK, D), lambda i: (i, 0)),
            pl.BlockSpec((D, D), lambda i: (0, 0)),
            pl.BlockSpec((D, 2 * H), lambda i: (0, 0)),
        ],
        out_specs=[
            pl.BlockSpec((ROWBLK, D), lambda i: (i, 0)),
            pl.BlockSpec((ROWBLK, 2 * H), lambda i: (i, 0)),
        ],
        out_shape=[
            jax.ShapeDtypeStruct((N, D), jnp.float32),
            jax.ShapeDtypeStruct((N, 2 * H), jnp.float32),
        ],
    )(x, W, acat)


def _sc_body(hsplit_hbm, asrc_hbm, adst_hbm, src_hbm, dst_hbm,
             num_hbm, den_hbm,
             asrc_v, adst_v, srcc_v, src2_v, dst2_v, idx_v, rows_v,
             den_t, num_sp, den_sp, gsem0, gsem1):
    cid = lax.axis_index("c")
    sid = lax.axis_index("s")
    iota = lax.iota(jnp.int32, 16)
    zeros16 = jnp.zeros((16,), jnp.float32)
    gsems = (gsem0, gsem1)

    pltpu.sync_copy(asrc_hbm.at[cid], asrc_v)
    pltpu.sync_copy(adst_hbm.at[cid], adst_v)

    @pl.loop(0, K * DH // 16)
    def _zz(r):
        rows_v[0, r // (DH // 16), pl.ds((r % (DH // 16)) * 16, 16)] = zeros16

    @pl.loop(0, DROWS * 32 // 16)
    def _zd(r):
        den_t[r // 2, pl.ds((r % 2) * 16, 16)] = zeros16

    @pl.loop(0, DROWS // 16)
    def _zi(g):
        idx_v[g // 8, pl.ds((g % 8) * 16, 16)] = iota + g * 16

    @pl.loop(0, RPT // K)
    def _zacc(j):
        pltpu.sync_copy(rows_v.at[0], num_sp.at[pl.ds(sid * RPT + j * K, K)])
    pltpu.sync_copy(den_t.at[pl.ds(0, DRPT)],
                    den_sp.at[pl.ds(sid * DRPT, DRPT)])

    def _stage(c, b):
        off = sid * EPW + c * K
        pltpu.sync_copy(src_hbm.at[pl.ds(off, K)], srcc_v.at[b])
        pltpu.sync_copy(dst_hbm.at[pl.ds(off, K)], dst2_v.at[b])
        for g in range(K // 16):
            sl = pl.ds(g * 16, 16)
            src2_v[b, sl] = srcc_v[b, sl] * NC + cid
        pltpu.make_async_copy(hsplit_hbm.at[src2_v.at[b]], rows_v.at[b],
                              gsems[b]).start()

    _stage(0, 0)
    _stage(1, 1)
    plsc.subcore_barrier()

    @pl.loop(0, NCHUNK, step=2)
    def _chunk(i):
        for b in range(2):
            c = i + b
            pltpu.make_async_copy(hsplit_hbm.at[src2_v.at[b]], rows_v.at[b],
                                  gsems[b]).wait()

            @pl.loop(0, K // 16)
            def _group(g):
                kvec = iota + (g * 16)
                srcv = srcc_v[b, pl.ds(g * 16, 16)]
                dstv = dst2_v[b, pl.ds(g * 16, 16)]
                for hh in range(HPC):
                    sv = plsc.load_gather(asrc_v, [srcv * HPC + hh])
                    dv = plsc.load_gather(adst_v, [dstv * HPC + hh])
                    al = sv + dv
                    al = jnp.where(al >= 0.0, al, al * 0.2)
                    exv = jnp.exp(al)
                    plsc.addupdate_scatter(
                        den_t,
                        [lax.shift_right_logical(dstv, 4),
                         lax.shift_left(dstv & 15, 1) + hh],
                        exv)

                    @pl.loop(0, C, unroll=4)
                    def _col(cc):
                        colv = jnp.full((16,), hh * C, jnp.int32) + cc
                        v = plsc.load_gather(rows_v.at[b], [kvec, colv])
                        plsc.store_scatter(rows_v.at[b], [kvec, colv],
                                           v * exv)

            pltpu.sync_copy(rows_v.at[b], num_sp.at[dst2_v.at[b]], add=True)

            @pl.when(c + 2 < NCHUNK)
            def _pf():
                _stage(c + 2, b)

    for bb in range(DROWS // 128):
        pltpu.sync_copy(den_t.at[pl.ds(bb * 128, 128)],
                        den_sp.at[idx_v.at[bb]], add=True)
    plsc.subcore_barrier()
    pltpu.sync_copy(num_sp.at[pl.ds(sid * RPT, RPT)],
                    num_hbm.at[cid, pl.ds(sid * RPT, RPT)])
    pltpu.sync_copy(den_sp.at[pl.ds(sid * DRPT, DRPT)],
                    den_hbm.at[cid, pl.ds(sid * DRPT, DRPT)])


def _sc(hsplit, asrc2, adst2, src, dst):
    mesh = plsc.VectorSubcoreMesh(core_axis_name="c", subcore_axis_name="s",
                                  num_cores=NC, num_subcores=NS)
    f = pl.kernel(
        _sc_body,
        out_type=[
            jax.ShapeDtypeStruct((NC, NACC, DH), jnp.float32),
            jax.ShapeDtypeStruct((NC, DROWS, 32), jnp.float32),
        ],
        mesh=mesh,
        compiler_params=pltpu.CompilerParams(use_tc_tiling_on_sc=False,
                                             needs_layout_passes=False),
        scratch_types=[
            pltpu.VMEM((N * HPC,), jnp.float32),
            pltpu.VMEM((N * HPC,), jnp.float32),
            pltpu.VMEM((2, K), jnp.int32),
            pltpu.VMEM((2, K), jnp.int32),
            pltpu.VMEM((2, K), jnp.int32),
            pltpu.VMEM((DROWS // 128, 128), jnp.int32),
            pltpu.VMEM((2, K, DH), jnp.float32),
            pltpu.VMEM((DROWS, 32), jnp.float32),
            pltpu.VMEM_SHARED((NACC, DH), jnp.float32),
            pltpu.VMEM_SHARED((DROWS, 32), jnp.float32),
            pltpu.SemaphoreType.DMA,
            pltpu.SemaphoreType.DMA,
        ],
    )
    return f(hsplit, asrc2, adst2, src, dst)


def _post_body(part_ref, den4_ref, h_ref, sd_ref, eh_ref, bias_ref,
               gamma_ref, beta_ref, out_ref):
    sd = sd_ref[...]
    a = sd[:, :H] + sd[:, H:]
    ex_self = jnp.exp(jnp.where(a >= 0.0, a, a * 0.2))
    eh = eh_ref[...]
    p0 = part_ref[0]
    p1 = part_ref[1]
    hm = h_ref[...]
    num = jnp.concatenate([p0, p1], axis=-1)
    num = num + jnp.dot(ex_self, eh, preferred_element_type=jnp.float32) * hm
    den4 = den4_ref[...] + ex_self
    den = jnp.dot(den4, eh, preferred_element_type=jnp.float32)
    y = num / den + bias_ref[...]
    mu = jnp.mean(y, axis=-1, keepdims=True)
    d = y - mu
    var = jnp.mean(d * d, axis=-1, keepdims=True)
    out_ref[...] = d * lax.rsqrt(var + 1e-5) * gamma_ref[...] + beta_ref[...]


def _post(part, den4, h, sd, eh, bias, gamma, beta):
    return pl.pallas_call(
        _post_body,
        grid=(N // ROWBLK,),
        in_specs=[
            pl.BlockSpec((NC, ROWBLK, DH), lambda i: (0, i, 0)),
            pl.BlockSpec((ROWBLK, H), lambda i: (i, 0)),
            pl.BlockSpec((ROWBLK, D), lambda i: (i, 0)),
            pl.BlockSpec((ROWBLK, 2 * H), lambda i: (i, 0)),
            pl.BlockSpec((H, D), lambda i: (0, 0)),
            pl.BlockSpec((1, D), lambda i: (0, 0)),
            pl.BlockSpec((1, D), lambda i: (0, 0)),
            pl.BlockSpec((1, D), lambda i: (0, 0)),
        ],
        out_specs=pl.BlockSpec((ROWBLK, D), lambda i: (i, 0)),
        out_shape=jax.ShapeDtypeStruct((N, D), jnp.float32),
    )(part, den4, h, sd, eh, bias, gamma, beta)


def kernel(x, edge_index, W, att_src, att_dst, bias, gamma, beta):
    src = edge_index[0].astype(jnp.int32)
    dst = edge_index[1].astype(jnp.int32)
    m = (jnp.arange(D, dtype=jnp.int32)[:, None] // C
         == jnp.arange(H, dtype=jnp.int32)[None, :]).astype(jnp.float32)
    acat = jnp.concatenate(
        [m * att_src.reshape(D)[:, None], m * att_dst.reshape(D)[:, None]],
        axis=1)
    eh = m.T

    h, sd = _pre(x, W, acat)
    hsplit = h.reshape(N * NC, DH)
    asrc2 = sd[:, :H].reshape(N, NC, HPC).transpose(1, 0, 2).reshape(NC, N * HPC)
    adst2 = sd[:, H:].reshape(N, NC, HPC).transpose(1, 0, 2).reshape(NC, N * HPC)
    num, den = _sc(hsplit, asrc2, adst2, src, dst)
    den4 = jnp.concatenate(
        [den[0].reshape(DROWS * 16, HPC), den[1].reshape(DROWS * 16, HPC)],
        axis=-1)[:N]
    return _post(num, den4, h, sd, eh, bias.reshape(1, D), gamma.reshape(1, D),
                 beta.reshape(1, D))

# --- scband reference (transcript-rebuilt; emitter-appended) ---
"""Pipeline reference for scband-temporal-attention-layer-36026185678966 (READ-ONLY COPY).

The authoritative reference and input builder live on the scoring server;
editing this copy changes nothing except your own understanding.
"""

import jax, jax.numpy as jnp
import numpy as np

N = 10000
E = 320000
IN_DIM = 128
OUT_DIM = 128
HEADS = 4
C = OUT_DIM // HEADS  # 32 per head


def setup_inputs(seed: int = 0) -> dict:
    key = jax.random.key(seed)
    ks = jax.random.split(key, 8)
    x = jax.random.normal(ks[0], (N, IN_DIM), dtype=jnp.float32)
    edge_index = jax.random.randint(ks[1], (2, E), 0, N, dtype=jnp.int64)
    # GATConv parameters (PyG-style): lin weight, attention vectors, bias
    W = jax.random.normal(ks[2], (IN_DIM, HEADS * C), dtype=jnp.float32) * (1.0 / np.sqrt(IN_DIM))
    att_src = jax.random.normal(ks[3], (1, HEADS, C), dtype=jnp.float32) * 0.1
    att_dst = jax.random.normal(ks[4], (1, HEADS, C), dtype=jnp.float32) * 0.1
    bias = jnp.zeros((HEADS * C,), dtype=jnp.float32)
    # LayerNorm parameters
    gamma = jnp.ones((OUT_DIM,), dtype=jnp.float32)
    beta = jnp.zeros((OUT_DIM,), dtype=jnp.float32)
    return {"x": x, "edge_index": edge_index, "W": W, "att_src": att_src,
            "att_dst": att_dst, "bias": bias, "gamma": gamma, "beta": beta}


def _gat_forward(x, edge_index, W, att_src, att_dst, bias):
    n = x.shape[0]
    # PyG GATConv default: add self loops
    loops = jnp.arange(n, dtype=edge_index.dtype)
    src = jnp.concatenate([edge_index[0], loops])
    dst = jnp.concatenate([edge_index[1], loops])
    # linear projection, per-head view
    h = (x @ W).reshape(n, HEADS, C)
    # attention logits per node
    a_src = (h * att_src).sum(axis=-1)  # [N, H]
    a_dst = (h * att_dst).sum(axis=-1)  # [N, H]
    alpha = a_src[src] + a_dst[dst]     # [E+N, H]
    alpha = jax.nn.leaky_relu(alpha, negative_slope=0.2)
    # segment softmax over destination nodes
    amax = jax.ops.segment_max(alpha, dst, num_segments=n)
    amax = jnp.where(jnp.isfinite(amax), amax, 0.0)
    ex = jnp.exp(alpha - amax[dst])
    denom = jax.ops.segment_sum(ex, dst, num_segments=n)
    attn = ex / (denom[dst] + 1e-16)    # [E+N, H]
    # weighted message aggregation (scatter-add)
    msg = h[src] * attn[:, :, None]     # [E+N, H, C]
    out = jax.ops.segment_sum(msg, dst, num_segments=n)  # [N, H, C]
    out = out.reshape(n, HEADS * C) + bias
    return out


def _layer_norm(y, gamma, beta):
    mu = jnp.mean(y, axis=-1, keepdims=True)
    var = jnp.var(y, axis=-1, keepdims=True)
    return (y - mu) / jnp.sqrt(var + 1e-5) * gamma + beta


def reference(x, edge_index, W, att_src, att_dst, bias, gamma, beta):
    out = _gat_forward(x, edge_index, W, att_src, att_dst, bias)
    return _layer_norm(out, gamma, beta)

if __name__ == "__main__":
    import jax
    _d = setup_inputs()
    print(jax.jit(kernel)(*tuple(_d.values())))

</pallas_src>

<mosaic_0001>
#map = affine_map<(d0, d1) -> (0, 0)>
#map1 = affine_map<(d0, d1) -> (0)>
#map2 = affine_map<(d0, d1) -> (0, 0, 0)>
module attributes {stable_mosaic.version = 14 : i64} {
  func.func @_sc_body(%arg0: i32, %arg1: i32, %arg2: memref<20000x64xf32, #tpu.memory_space<hbm>>, %arg3: memref<2x20000xf32, #tpu.memory_space<hbm>>, %arg4: memref<2x20000xf32, #tpu.memory_space<hbm>>, %arg5: memref<320000xi32, #tpu.memory_space<hbm>>, %arg6: memref<320000xi32, #tpu.memory_space<hbm>>, %arg7: memref<2x10240x64xf32, #tpu.memory_space<hbm>>, %arg8: memref<2x640x32xf32, #tpu.memory_space<hbm>>, %arg9: memref<20000xf32, #tpu.memory_space<vmem>>, %arg10: memref<20000xf32, #tpu.memory_space<vmem>>, %arg11: memref<2x80xi32, #tpu.memory_space<vmem>>, %arg12: memref<2x80xi32, #tpu.memory_space<vmem>>, %arg13: memref<2x80xi32, #tpu.memory_space<vmem>>, %arg14: memref<5x128xi32, #tpu.memory_space<vmem>>, %arg15: memref<2x80x64xf32, #tpu.memory_space<vmem>>, %arg16: memref<640x32xf32, #tpu.memory_space<vmem>>, %arg17: memref<10240x64xf32, #tpu.memory_space<vmem_shared>>, %arg18: memref<640x32xf32, #tpu.memory_space<vmem_shared>>, %arg19: memref<!tpu.dma_semaphore, #tpu.memory_space<semaphore_mem>>, %arg20: memref<!tpu.dma_semaphore, #tpu.memory_space<semaphore_mem>>) attributes {dimension_semantics = [#tpu.dimension_semantics<core_parallel>, #tpu.dimension_semantics<subcore_parallel>], iteration_bounds = array<i64: 2, 16>, scalar_prefetch = 0 : i64, scratch_operands = 12 : i64, tpu.core_type = #tpu.core_type<sc_vector_subcore>, window_params = [{transform_indices = #map}, {transform_indices = #map}, {transform_indices = #map}, {transform_indices = #map1}, {transform_indices = #map1}, {transform_indices = #map2}, {transform_indices = #map2}]} {
    %iota3A = tpu.iota {dimensions = array<i32: 0>} : vector<16xi32>
    %broadcast_in_dim3A = arith.constant 0.000000e+00 : f32
    %broadcast_in_dim3A_0 = vector.broadcast %broadcast_in_dim3A : f32 to vector<16xf32>
    "tpu.region"() ({
      %run_scoped3A_201 = tpu.sem_alloc : memref<!tpu.dma_semaphore, #tpu.memory_space<semaphore_mem>>
      %dma_start3A_202 = arith.constant 0 : i32
      %dma_start3A_203 = tpu.memref_slice %arg3[%arg0, %dma_start3A_202] : memref<2x20000xf32, #tpu.memory_space<hbm>> -> memref<1x20000xf32, #tpu.memory_space<hbm>>
      %dma_start3A_204 = tpu.memref_squeeze %dma_start3A_203 : memref<1x20000xf32, #tpu.memory_space<hbm>> -> memref<20000xf32, #tpu.memory_space<hbm>>
      %dma_start3A_205 = arith.constant 0 : i32
      %dma_start3A_206 = tpu.memref_slice %arg3[%arg0, %dma_start3A_205] : memref<2x20000xf32, #tpu.memory_space<hbm>> -> memref<1x20000xf32, #tpu.memory_space<hbm>>
      %dma_start3A_207 = tpu.memref_squeeze %dma_start3A_206 : memref<1x20000xf32, #tpu.memory_space<hbm>> -> memref<20000xf32, #tpu.memory_space<hbm>>
      tpu.enqueue_dma source(%dma_start3A_207 : memref<20000xf32, #tpu.memory_space<hbm>>) target(%arg9 : memref<20000xf32, #tpu.memory_space<vmem>>) target_semaphore(%run_scoped3A_201 : memref<!tpu.dma_semaphore, #tpu.memory_space<semaphore_mem>>)
      %dma_wait3A = arith.constant 0 : i32
      %dma_wait3A_208 = tpu.memref_slice %arg3[%arg0, %dma_wait3A] : memref<2x20000xf32, #tpu.memory_space<hbm>> -> memref<1x20000xf32, #tpu.memory_space<hbm>>
      %dma_wait3A_209 = tpu.memref_squeeze %dma_wait3A_208 : memref<1x20000xf32, #tpu.memory_space<hbm>> -> memref<20000xf32, #tpu.memory_space<hbm>>
      %dma_wait3A_210 = arith.constant 0 : i32
      %dma_wait3A_211 = tpu.memref_slice %arg3[%arg0, %dma_wait3A_210] : memref<2x20000xf32, #tpu.memory_space<hbm>> -> memref<1x20000xf32, #tpu.memory_space<hbm>>
      %dma_wait3A_212 = tpu.memref_squeeze %dma_wait3A_211 : memref<1x20000xf32, #tpu.memory_space<hbm>> -> memref<20000xf32, #tpu.memory_space<hbm>>
      tpu.wait_dma2 semaphore(%run_scoped3A_201 : memref<!tpu.dma_semaphore, #tpu.memory_space<semaphore_mem>>) src(%dma_wait3A_212 : memref<20000xf32, #tpu.memory_space<hbm>>) dst(%arg9 : memref<20000xf32, #tpu.memory_space<vmem>>)
      tpu.yield
    }) : () -> ()
    "tpu.region"() ({
      %run_scoped3A_201 = tpu.sem_alloc : memref<!tpu.dma_semaphore, #tpu.memory_space<semaphore_mem>>
      %dma_start3A_202 = arith.constant 0 : i32
      %dma_start3A_203 = tpu.memref_slice %arg4[%arg0, %dma_start3A_202] : memref<2x20000xf32, #tpu.memory_space<hbm>> -> memref<1x20000xf32, #tpu.memory_space<hbm>>
      %dma_start3A_204 = tpu.memref_squeeze %dma_start3A_203 : memref<1x20000xf32, #tpu.memory_space<hbm>> -> memref<20000xf32, #tpu.memory_space<hbm>>
      %dma_start3A_205 = arith.constant 0 : i32
      %dma_start3A_206 = tpu.memref_slice %arg4[%arg0, %dma_start3A_205] : memref<2x20000xf32, #tpu.memory_space<hbm>> -> memref<1x20000xf32, #tpu.memory_space<hbm>>
      %dma_start3A_207 = tpu.memref_squeeze %dma_start3A_206 : memref<1x20000xf32, #tpu.memory_space<hbm>> -> memref<20000xf32, #tpu.memory_space<hbm>>
      tpu.enqueue_dma source(%dma_start3A_207 : memref<20000xf32, #tpu.memory_space<hbm>>) target(%arg10 : memref<20000xf32, #tpu.memory_space<vmem>>) target_semaphore(%run_scoped3A_201 : memref<!tpu.dma_semaphore, #tpu.memory_space<semaphore_mem>>)
      %dma_wait3A = arith.constant 0 : i32
      %dma_wait3A_208 = tpu.memref_slice %arg4[%arg0, %dma_wait3A] : memref<2x20000xf32, #tpu.memory_space<hbm>> -> memref<1x20000xf32, #tpu.memory_space<hbm>>
      %dma_wait3A_209 = tpu.memref_squeeze %dma_wait3A_208 : memref<1x20000xf32, #tpu.memory_space<hbm>> -> memref<20000xf32, #tpu.memory_space<hbm>>
      %dma_wait3A_210 = arith.constant 0 : i32
      %dma_wait3A_211 = tpu.memref_slice %arg4[%arg0, %dma_wait3A_210] : memref<2x20000xf32, #tpu.memory_space<hbm>> -> memref<1x20000xf32, #tpu.memory_space<hbm>>
      %dma_wait3A_212 = tpu.memref_squeeze %dma_wait3A_211 : memref<1x20000xf32, #tpu.memory_space<hbm>> -> memref<20000xf32, #tpu.memory_space<hbm>>
      tpu.wait_dma2 semaphore(%run_scoped3A_201 : memref<!tpu.dma_semaphore, #tpu.memory_space<semaphore_mem>>) src(%dma_wait3A_212 : memref<20000xf32, #tpu.memory_space<hbm>>) dst(%arg10 : memref<20000xf32, #tpu.memory_space<vmem>>)
      tpu.yield
    }) : () -> ()
    %scan3A = arith.constant 0 : i32
    %scan3A_1 = arith.constant 320 : i32
    %scan3A_2 = arith.addi %scan3A, %scan3A_1 : i32
    %scan3A_3 = arith.constant 1 : i32
    scf.for %scan3A_201 = %scan3A to %scan3A_2 step %scan3A_3  : i32 {
      %mul3A_202 = arith.constant 1 : i32
      %mul3A_203 = arith.muli %scan3A_201, %mul3A_202 : i32
      %add3A_204 = arith.constant 0 : i32
      %add3A_205 = arith.addi %add3A_204, %mul3A_203 : i32
      %jit3A = arith.constant 4 : i32
      %div3A = arith.divsi %add3A_205, %jit3A : i32
      %sign3A = arith.constant 0 : i32
      %sign3A_206 = arith.cmpi sgt, %add3A_205, %sign3A : i32
      %sign3A_207 = arith.extui %sign3A_206 : i1 to i32
      %sign3A_208 = arith.constant 0 : i32
      %sign3A_209 = arith.cmpi slt, %add3A_205, %sign3A_208 : i32
      %sign3A_210 = arith.extui %sign3A_209 : i1 to i32
      %sign3A_211 = arith.subi %sign3A_207, %sign3A_210 : i32
      %sign3A_212 = arith.constant 0 : i32
      %sign3A_213 = arith.cmpi sgt, %jit3A, %sign3A_212 : i32
      %sign3A_214 = arith.extui %sign3A_213 : i1 to i32
      %sign3A_215 = arith.constant 0 : i32
      %sign3A_216 = arith.cmpi slt, %jit3A, %sign3A_215 : i32
      %sign3A_217 = arith.extui %sign3A_216 : i1 to i32
      %sign3A_218 = arith.subi %sign3A_214, %sign3A_217 : i32
      %ne3A = arith.cmpi ne, %sign3A_211, %sign3A_218 : i32
      %rem3A = arith.remsi %add3A_205, %jit3A : i32
      %ne3A_219 = arith.constant 0 : i32
      %ne3A_220 = arith.cmpi ne, %rem3A, %ne3A_219 : i32
      %and3A = arith.andi %ne3A, %ne3A_220 : i1
      %sub3A = arith.constant 1 : i32
      %sub3A_221 = arith.subi %div3A, %sub3A : i32
      %select_n3A = arith.select %and3A, %sub3A_221, %div3A : i32
      %jit3A_222 = arith.constant 4 : i32
      %eq3A = arith.constant 0 : i32
      %eq3A_223 = arith.cmpi eq, %jit3A_222, %eq3A : i32
      %jit3A_224 = arith.constant 1 : i32
      %select_n3A_225 = arith.select %eq3A_223, %jit3A_224, %jit3A_222 : i32
      %rem3A_226 = arith.remsi %add3A_205, %select_n3A_225 : i32
      %ne3A_227 = arith.constant 0 : i32
      %ne3A_228 = arith.cmpi ne, %rem3A_226, %ne3A_227 : i32
      %lt3A = arith.constant 0 : i32
      %lt3A_229 = arith.cmpi slt, %rem3A_226, %lt3A : i32
      %lt3A_230 = arith.constant 0 : i32
      %lt3A_231 = arith.cmpi slt, %select_n3A_225, %lt3A_230 : i32
      %ne3A_232 = arith.xori %lt3A_229, %lt3A_231 : i1
      %and3A_233 = arith.andi %ne3A_232, %ne3A_228 : i1
      %add3A_234 = arith.addi %rem3A_226, %select_n3A_225 : i32
      %select_n3A_235 = arith.select %and3A_233, %add3A_234, %rem3A_226 : i32
      %mul3A_236 = arith.constant 16 : i32
      %mul3A_237 = arith.muli %select_n3A_235, %mul3A_236 : i32
      %swap3A_238 = arith.constant 0 : i32
      %swap3A_239 = arith.index_cast %swap3A_238 : i32 to index
      %swap3A_240 = arith.index_cast %select_n3A : i32 to index
      %swap3A_241 = arith.index_cast %mul3A_237 : i32 to index
      %swap3A_242 = tpu.vector_load %arg15[%swap3A_239, %swap3A_240, %swap3A_241] {strides = array<i32>} : memref<2x80x64xf32, #tpu.memory_space<vmem>>, vector<16xf32>,
      tpu.vector_store %arg15[%swap3A_239, %swap3A_240, %swap3A_241], %broadcast_in_dim3A_0 {strides = array<i32>} : memref<2x80x64xf32, #tpu.memory_space<vmem>>, vector<16xf32>,
    }
    %scan3A_4 = arith.constant 320 : i32
    %scan3A_5 = arith.constant 0 : i32
    %scan3A_6 = arith.constant 1280 : i32
    %scan3A_7 = arith.addi %scan3A_5, %scan3A_6 : i32
    %scan3A_8 = arith.constant 1 : i32
    scf.for %scan3A_201 = %scan3A_5 to %scan3A_7 step %scan3A_8  : i32 {
      %mul3A_202 = arith.constant 1 : i32
      %mul3A_203 = arith.muli %scan3A_201, %mul3A_202 : i32
      %add3A_204 = arith.constant 0 : i32
      %add3A_205 = arith.addi %add3A_204, %mul3A_203 : i32
      %jit3A = arith.constant 2 : i32
      %div3A = arith.divsi %add3A_205, %jit3A : i32
      %sign3A = arith.constant 0 : i32
      %sign3A_206 = arith.cmpi sgt, %add3A_205, %sign3A : i32
      %sign3A_207 = arith.extui %sign3A_206 : i1 to i32
      %sign3A_208 = arith.constant 0 : i32
      %sign3A_209 = arith.cmpi slt, %add3A_205, %sign3A_208 : i32
      %sign3A_210 = arith.extui %sign3A_209 : i1 to i32
      %sign3A_211 = arith.subi %sign3A_207, %sign3A_210 : i32
      %sign3A_212 = arith.constant 0 : i32
      %sign3A_213 = arith.cmpi sgt, %jit3A, %sign3A_212 : i32
      %sign3A_214 = arith.extui %sign3A_213 : i1 to i32
      %sign3A_215 = arith.constant 0 : i32
      %sign3A_216 = arith.cmpi slt, %jit3A, %sign3A_215 : i32
      %sign3A_217 = arith.extui %sign3A_216 : i1 to i32
      %sign3A_218 = arith.subi %sign3A_214, %sign3A_217 : i32
      %ne3A = arith.cmpi ne, %sign3A_211, %sign3A_218 : i32
      %rem3A = arith.remsi %add3A_205, %jit3A : i32
      %ne3A_219 = arith.constant 0 : i32
      %ne3A_220 = arith.cmpi ne, %rem3A, %ne3A_219 : i32
      %and3A = arith.andi %ne3A, %ne3A_220 : i1
      %sub3A = arith.constant 1 : i32
      %sub3A_221 = arith.subi %div3A, %sub3A : i32
      %select_n3A = arith.select %and3A, %sub3A_221, %div3A : i32
      %jit3A_222 = arith.constant 2 : i32
      %eq3A = arith.constant 0 : i32
      %eq3A_223 = arith.cmpi eq, %jit3A_222, %eq3A : i32
      %jit3A_224 = arith.constant 1 : i32
      %select_n3A_225 = arith.select %eq3A_223, %jit3A_224, %jit3A_222 : i32
      %rem3A_226 = arith.remsi %add3A_205, %select_n3A_225 : i32
      %ne3A_227 = arith.constant 0 : i32
      %ne3A_228 = arith.cmpi ne, %rem3A_226, %ne3A_227 : i32
      %lt3A = arith.constant 0 : i32
      %lt3A_229 = arith.cmpi slt, %rem3A_226, %lt3A : i32
      %lt3A_230 = arith.constant 0 : i32
      %lt3A_231 = arith.cmpi slt, %select_n3A_225, %lt3A_230 : i32
      %ne3A_232 = arith.xori %lt3A_229, %lt3A_231 : i1
      %and3A_233 = arith.andi %ne3A_232, %ne3A_228 : i1
      %add3A_234 = arith.addi %rem3A_226, %select_n3A_225 : i32
      %select_n3A_235 = arith.select %and3A_233, %add3A_234, %rem3A_226 : i32
      %mul3A_236 = arith.constant 16 : i32
      %mul3A_237 = arith.muli %select_n3A_235, %mul3A_236 : i32
      %swap3A_238 = arith.index_cast %select_n3A : i32 to index
      %swap3A_239 = arith.index_cast %mul3A_237 : i32 to index
      %swap3A_240 = tpu.vector_load %arg16[%swap3A_238, %swap3A_239] {strides = array<i32>} : memref<640x32xf32, #tpu.memory_space<vmem>>, vector<16xf32>,
      tpu.vector_store %arg16[%swap3A_238, %swap3A_239], %broadcast_in_dim3A_0 {strides = array<i32>} : memref<640x32xf32, #tpu.memory_space<vmem>>, vector<16xf32>,
    }
    %scan3A_9 = arith.constant 1280 : i32
    %scan3A_10 = arith.constant 0 : i32
    %scan3A_11 = arith.constant 40 : i32
    %scan3A_12 = arith.addi %scan3A_10, %scan3A_11 : i32
    %scan3A_13 = arith.constant 1 : i32
    scf.for %scan3A_201 = %scan3A_10 to %scan3A_12 step %scan3A_13  : i32 {
      %mul3A_202 = arith.constant 1 : i32
      %mul3A_203 = arith.muli %scan3A_201, %mul3A_202 : i32
      %add3A_204 = arith.constant 0 : i32
      %add3A_205 = arith.addi %add3A_204, %mul3A_203 : i32
      %mul3A_206 = arith.constant 16 : i32
      %mul3A_207 = arith.muli %add3A_205, %mul3A_206 : i32
      %add3A_208 = vector.broadcast %mul3A_207 : i32 to vector<16xi32>
      %add3A_209 = arith.addi %iota3A, %add3A_208 : vector<16xi32>
      %jit3A = arith.constant 8 : i32
      %div3A = arith.divsi %add3A_205, %jit3A : i32
      %sign3A = arith.constant 0 : i32
      %sign3A_210 = arith.cmpi sgt, %add3A_205, %sign3A : i32
      %sign3A_211 = arith.extui %sign3A_210 : i1 to i32
      %sign3A_212 = arith.constant 0 : i32
      %sign3A_213 = arith.cmpi slt, %add3A_205, %sign3A_212 : i32
      %sign3A_214 = arith.extui %sign3A_213 : i1 to i32
      %sign3A_215 = arith.subi %sign3A_211, %sign3A_214 : i32
      %sign3A_216 = arith.constant 0 : i32
      %sign3A_217 = arith.cmpi sgt, %jit3A, %sign3A_216 : i32
      %sign3A_218 = arith.extui %sign3A_217 : i1 to i32
      %sign3A_219 = arith.constant 0 : i32
      %sign3A_220 = arith.cmpi slt, %jit3A, %sign3A_219 : i32
      %sign3A_221 = arith.extui %sign3A_220 : i1 to i32
      %sign3A_222 = arith.subi %sign3A_218, %sign3A_221 : i32
      %ne3A = arith.cmpi ne, %sign3A_215, %sign3A_222 : i32
      %rem3A = arith.remsi %add3A_205, %jit3A : i32
      %ne3A_223 = arith.constant 0 : i32
      %ne3A_224 = arith.cmpi ne, %rem3A, %ne3A_223 : i32
      %and3A = arith.andi %ne3A, %ne3A_224 : i1
      %sub3A = arith.constant 1 : i32
      %sub3A_225 = arith.subi %div3A, %sub3A : i32
      %select_n3A = arith.select %and3A, %sub3A_225, %div3A : i32
      %jit3A_226 = arith.constant 8 : i32
      %eq3A = arith.constant 0 : i32
      %eq3A_227 = arith.cmpi eq, %jit3A_226, %eq3A : i32
      %jit3A_228 = arith.constant 1 : i32
      %select_n3A_229 = arith.select %eq3A_227, %jit3A_228, %jit3A_226 : i32
      %rem3A_230 = arith.remsi %add3A_205, %select_n3A_229 : i32
      %ne3A_231 = arith.constant 0 : i32
      %ne3A_232 = arith.cmpi ne, %rem3A_230, %ne3A_231 : i32
      %lt3A = arith.constant 0 : i32
      %lt3A_233 = arith.cmpi slt, %rem3A_230, %lt3A : i32
      %lt3A_234 = arith.constant 0 : i32
      %lt3A_235 = arith.cmpi slt, %select_n3A_229, %lt3A_234 : i32
      %ne3A_236 = arith.xori %lt3A_233, %lt3A_235 : i1
      %and3A_237 = arith.andi %ne3A_236, %ne3A_232 : i1
      %add3A_238 = arith.addi %rem3A_230, %select_n3A_229 : i32
      %select_n3A_239 = arith.select %and3A_237, %add3A_238, %rem3A_230 : i32
      %mul3A_240 = arith.constant 16 : i32
      %mul3A_241 = arith.muli %select_n3A_239, %mul3A_240 : i32
      %swap3A_242 = arith.index_cast %select_n3A : i32 to index
      %swap3A_243 = arith.index_cast %mul3A_241 : i32 to index
      %swap3A_244 = tpu.vector_load %arg14[%swap3A_242, %swap3A_243] {strides = array<i32>} : memref<5x128xi32, #tpu.memory_space<vmem>>, vector<16xi32>,
      tpu.vector_store %arg14[%swap3A_242, %swap3A_243], %add3A_209 {strides = array<i32>} : memref<5x128xi32, #tpu.memory_space<vmem>>, vector<16xi32>,
    }
    %scan3A_14 = arith.constant 40 : i32
    %scan3A_15 = arith.constant 0 : i32
    %scan3A_16 = arith.constant 8 : i32
    %scan3A_17 = arith.addi %scan3A_15, %scan3A_16 : i32
    %scan3A_18 = arith.constant 1 : i32
    scf.for %scan3A_201 = %scan3A_15 to %scan3A_17 step %scan3A_18  : i32 {
      %mul3A_202 = arith.constant 1 : i32
      %mul3A_203 = arith.muli %scan3A_201, %mul3A_202 : i32
      %add3A_204 = arith.constant 0 : i32
      %add3A_205 = arith.addi %add3A_204, %mul3A_203 : i32
      %mul3A_206 = arith.constant 640 : i32
      %mul3A_207 = arith.muli %arg1, %mul3A_206 : i32
      %mul3A_208 = arith.constant 80 : i32
      %mul3A_209 = arith.muli %add3A_205, %mul3A_208 : i32
      %add3A_210 = arith.addi %mul3A_207, %mul3A_209 : i32
      %run_scoped3A_211 = arith.constant 0 : i32
      "tpu.region"() ({
        %run_scoped3A_212 = tpu.sem_alloc : memref<!tpu.dma_semaphore, #tpu.memory_space<semaphore_mem>>
        %dma_start3A_213 = arith.constant 0 : i32
        %dma_start3A_214 = arith.constant 0 : i32
        %dma_start3A_215 = tpu.memref_slice %arg15[%run_scoped3A_211, %dma_start3A_213, %dma_start3A_214] : memref<2x80x64xf32, #tpu.memory_space<vmem>> -> memref<1x80x64xf32, #tpu.memory_space<vmem>>
        %dma_start3A_216 = tpu.memref_squeeze %dma_start3A_215 : memref<1x80x64xf32, #tpu.memory_space<vmem>> -> memref<80x64xf32, #tpu.memory_space<vmem>>
        %dma_start3A_217 = arith.constant 0 : i32
        %dma_start3A_218 = tpu.memref_slice %arg17[%add3A_210, %dma_start3A_217] : memref<10240x64xf32, #tpu.memory_space<vmem_shared>> -> memref<80x64xf32, #tpu.memory_space<vmem_shared>>
        %dma_start3A_219 = arith.constant 0 : i32
        %dma_start3A_220 = tpu.memref_slice %arg17[%add3A_210, %dma_start3A_219] : memref<10240x64xf32, #tpu.memory_space<vmem_shared>> -> memref<80x64xf32, #tpu.memory_space<vmem_shared>>
        %dma_start3A_221 = arith.constant 0 : i32
        %dma_start3A_222 = arith.constant 0 : i32
        %dma_start3A_223 = tpu.memref_slice %arg15[%run_scoped3A_211, %dma_start3A_221, %dma_start3A_222] : memref<2x80x64xf32, #tpu.memory_space<vmem>> -> memref<1x80x64xf32, #tpu.memory_space<vmem>>
        %dma_start3A_224 = tpu.memref_squeeze %dma_start3A_223 : memref<1x80x64xf32, #tpu.memory_space<vmem>> -> memref<80x64xf32, #tpu.memory_space<vmem>>
        tpu.enqueue_dma source(%dma_start3A_224 : memref<80x64xf32, #tpu.memory_space<vmem>>) target(%dma_start3A_220 : memref<80x64xf32, #tpu.memory_space<vmem_shared>>) target_semaphore(%run_scoped3A_212 : memref<!tpu.dma_semaphore, #tpu.memory_space<semaphore_mem>>)
        %dma_wait3A = arith.constant 0 : i32
        %dma_wait3A_225 = arith.constant 0 : i32
        %dma_wait3A_226 = tpu.memref_slice %arg15[%run_scoped3A_211, %dma_wait3A, %dma_wait3A_225] : memref<2x80x64xf32, #tpu.memory_space<vmem>> -> memref<1x80x64xf32, #tpu.memory_space<vmem>>
        %dma_wait3A_227 = tpu.memref_squeeze %dma_wait3A_226 : memref<1x80x64xf32, #tpu.memory_space<vmem>> -> memref<80x64xf32, #tpu.memory_space<vmem>>
        %dma_wait3A_228 = arith.constant 0 : i32
        %dma_wait3A_229 = tpu.memref_slice %arg17[%add3A_210, %dma_wait3A_228] : memref<10240x64xf32, #tpu.memory_space<vmem_shared>> -> memref<80x64xf32, #tpu.memory_space<vmem_shared>>
        %dma_wait3A_230 = arith.constant 0 : i32
        %dma_wait3A_231 = tpu.memref_slice %arg17[%add3A_210, %dma_wait3A_230] : memref<10240x64xf32, #tpu.memory_space<vmem_shared>> -> memref<80x64xf32, #tpu.memory_space<vmem_shared>>
        %dma_wait3A_232 = arith.constant 0 : i32
        %dma_wait3A_233 = arith.constant 0 : i32
        %dma_wait3A_234 = tpu.memref_slice %arg15[%run_scoped3A_211, %dma_wait3A_232, %dma_wait3A_233] : memref<2x80x64xf32, #tpu.memory_space<vmem>> -> memref<1x80x64xf32, #tpu.memory_space<vmem>>
        %dma_wait3A_235 = tpu.memref_squeeze %dma_wait3A_234 : memref<1x80x64xf32, #tpu.memory_space<vmem>> -> memref<80x64xf32, #tpu.memory_space<vmem>>
        tpu.wait_dma2 semaphore(%run_scoped3A_212 : memref<!tpu.dma_semaphore, #tpu.memory_space<semaphore_mem>>) src(%dma_wait3A_235 : memref<80x64xf32, #tpu.memory_space<vmem>>) dst(%dma_wait3A_231 : memref<80x64xf32, #tpu.memory_space<vmem_shared>>)
        tpu.yield
      }) : () -> ()
    }
    %scan3A_19 = arith.constant 8 : i32
    %mul3A = arith.constant 40 : i32
    %mul3A_20 = arith.muli %arg1, %mul3A : i32
    "tpu.region"() ({
      %run_scoped3A_201 = tpu.sem_alloc : memref<!tpu.dma_semaphore, #tpu.memory_space<semaphore_mem>>
      %dma_start3A_202 = arith.constant 0 : i32
      %dma_start3A_203 = arith.constant 0 : i32
      %dma_start3A_204 = tpu.memref_slice %arg16[%dma_start3A_202, %dma_start3A_203] : memref<640x32xf32, #tpu.memory_space<vmem>> -> memref<40x32xf32, #tpu.memory_space<vmem>>
      %dma_start3A_205 = arith.constant 0 : i32
      %dma_start3A_206 = tpu.memref_slice %arg18[%mul3A_20, %dma_start3A_205] : memref<640x32xf32, #tpu.memory_space<vmem_shared>> -> memref<40x32xf32, #tpu.memory_space<vmem_shared>>
      %dma_start3A_207 = arith.constant 0 : i32
      %dma_start3A_208 = tpu.memref_slice %arg18[%mul3A_20, %dma_start3A_207] : memref<640x32xf32, #tpu.memory_space<vmem_shared>> -> memref<40x32xf32, #tpu.memory_space<vmem_shared>>
      %dma_start3A_209 = arith.constant 0 : i32
      %dma_start3A_210 = arith.constant 0 : i32
      %dma_start3A_211 = tpu.memref_slice %arg16[%dma_start3A_209, %dma_start3A_210] : memref<640x32xf32, #tpu.memory_space<vmem>> -> memref<40x32xf32, #tpu.memory_space<vmem>>
      tpu.enqueue_dma source(%dma_start3A_211 : memref<40x32xf32, #tpu.memory_space<vmem>>) target(%dma_start3A_208 : memref<40x32xf32, #tpu.memory_space<vmem_shared>>) target_semaphore(%run_scoped3A_201 : memref<!tpu.dma_semaphore, #tpu.memory_space<semaphore_mem>>)
      %dma_wait3A = arith.constant 0 : i32
      %dma_wait3A_212 = arith.constant 0 : i32
      %dma_wait3A_213 = tpu.memref_slice %arg16[%dma_wait3A, %dma_wait3A_212] : memref<640x32xf32, #tpu.memory_space<vmem>> -> memref<40x32xf32, #tpu.memory_space<vmem>>
      %dma_wait3A_214 = arith.constant 0 : i32
      %dma_wait3A_215 = tpu.memref_slice %arg18[%mul3A_20, %dma_wait3A_214] : memref<640x32xf32, #tpu.memory_space<vmem_shared>> -> memref<40x32xf32, #tpu.memory_space<vmem_shared>>
      %dma_wait3A_216 = arith.constant 0 : i32
      %dma_wait3A_217 = tpu.memref_slice %arg18[%mul3A_20, %dma_wait3A_216] : memref<640x32xf32, #tpu.memory_space<vmem_shared>> -> memref<40x32xf32, #tpu.memory_space<vmem_shared>>
      %dma_wait3A_218 = arith.constant 0 : i32
      %dma_wait3A_219 = arith.constant 0 : i32
      %dma_wait3A_220 = tpu.memref_slice %arg16[%dma_wait3A_218, %dma_wait3A_219] : memref<640x32xf32, #tpu.memory_space<vmem>> -> memref<40x32xf32, #tpu.memory_space<vmem>>
      tpu.wait_dma2 semaphore(%run_scoped3A_201 : memref<!tpu.dma_semaphore, #tpu.memory_space<semaphore_mem>>) src(%dma_wait3A_220 : memref<40x32xf32, #tpu.memory_space<vmem>>) dst(%dma_wait3A_217 : memref<40x32xf32, #tpu.memory_space<vmem_shared>>)
      tpu.yield
    }) : () -> ()
    %mul3A_21 = arith.constant 20000 : i32
    %mul3A_22 = arith.muli %arg1, %mul3A_21 : i32
    %add3A = arith.constant 0 : i32
    %add3A_23 = arith.addi %mul3A_22, %add3A : i32
    %run_scoped3A = arith.constant 0 : i32
    "tpu.region"() ({
      %run_scoped3A_201 = tpu.sem_alloc : memref<!tpu.dma_semaphore, #tpu.memory_space<semaphore_mem>>
      %dma_start3A_202 = arith.constant 0 : i32
      %dma_start3A_203 = tpu.memref_slice %arg11[%run_scoped3A, %dma_start3A_202] : memref<2x80xi32, #tpu.memory_space<vmem>> -> memref<1x80xi32, #tpu.memory_space<vmem>>
      %dma_start3A_204 = tpu.memref_squeeze %dma_start3A_203 : memref<1x80xi32, #tpu.memory_space<vmem>> -> memref<80xi32, #tpu.memory_space<vmem>>
      %dma_start3A_205 = tpu.memref_slice %arg5[%add3A_23] : memref<320000xi32, #tpu.memory_space<hbm>> -> memref<80xi32, #tpu.memory_space<hbm>>
      %dma_start3A_206 = arith.constant 0 : i32
      %dma_start3A_207 = tpu.memref_slice %arg11[%run_scoped3A, %dma_start3A_206] : memref<2x80xi32, #tpu.memory_space<vmem>> -> memref<1x80xi32, #tpu.memory_space<vmem>>
      %dma_start3A_208 = tpu.memref_squeeze %dma_start3A_207 : memref<1x80xi32, #tpu.memory_space<vmem>> -> memref<80xi32, #tpu.memory_space<vmem>>
      %dma_start3A_209 = tpu.memref_slice %arg5[%add3A_23] : memref<320000xi32, #tpu.memory_space<hbm>> -> memref<80xi32, #tpu.memory_space<hbm>>
      tpu.enqueue_dma source(%dma_start3A_209 : memref<80xi32, #tpu.memory_space<hbm>>) target(%dma_start3A_208 : memref<80xi32, #tpu.memory_space<vmem>>) target_semaphore(%run_scoped3A_201 : memref<!tpu.dma_semaphore, #tpu.memory_space<semaphore_mem>>)
      %dma_wait3A = arith.constant 0 : i32
      %dma_wait3A_210 = tpu.memref_slice %arg11[%run_scoped3A, %dma_wait3A] : memref<2x80xi32, #tpu.memory_space<vmem>> -> memref<1x80xi32, #tpu.memory_space<vmem>>
      %dma_wait3A_211 = tpu.memref_squeeze %dma_wait3A_210 : memref<1x80xi32, #tpu.memory_space<vmem>> -> memref<80xi32, #tpu.memory_space<vmem>>
      %dma_wait3A_212 = tpu.memref_slice %arg5[%add3A_23] : memref<320000xi32, #tpu.memory_space<hbm>> -> memref<80xi32, #tpu.memory_space<hbm>>
      %dma_wait3A_213 = arith.constant 0 : i32
      %dma_wait3A_214 = tpu.memref_slice %arg11[%run_scoped3A, %dma_wait3A_213] : memref<2x80xi32, #tpu.memory_space<vmem>> -> memref<1x80xi32, #tpu.memory_space<vmem>>
      %dma_wait3A_215 = tpu.memref_squeeze %dma_wait3A_214 : memref<1x80xi32, #tpu.memory_space<vmem>> -> memref<80xi32, #tpu.memory_space<vmem>>
      %dma_wait3A_216 = tpu.memref_slice %arg5[%add3A_23] : memref<320000xi32, #tpu.memory_space<hbm>> -> memref<80xi32, #tpu.memory_space<hbm>>
      tpu.wait_dma2 semaphore(%run_scoped3A_201 : memref<!tpu.dma_semaphore, #tpu.memory_space<semaphore_mem>>) src(%dma_wait3A_216 : memref<80xi32, #tpu.memory_space<hbm>>) dst(%dma_wait3A_215 : memref<80xi32, #tpu.memory_space<vmem>>)
      tpu.yield
    }) : () -> ()
    %run_scoped3A_24 = arith.constant 0 : i32
    "tpu.region"() ({
      %run_scoped3A_201 = tpu.sem_alloc : memref<!tpu.dma_semaphore, #tpu.memory_space<semaphore_mem>>
      %dma_start3A_202 = arith.constant 0 : i32
      %dma_start3A_203 = tpu.memref_slice %arg13[%run_scoped3A_24, %dma_start3A_202] : memref<2x80xi32, #tpu.memory_space<vmem>> -> memref<1x80xi32, #tpu.memory_space<vmem>>
      %dma_start3A_204 = tpu.memref_squeeze %dma_start3A_203 : memref<1x80xi32, #tpu.memory_space<vmem>> -> memref<80xi32, #tpu.memory_space<vmem>>
      %dma_start3A_205 = tpu.memref_slice %arg6[%add3A_23] : memref<320000xi32, #tpu.memory_space<hbm>> -> memref<80xi32, #tpu.memory_space<hbm>>
      %dma_start3A_206 = arith.constant 0 : i32
      %dma_start3A_207 = tpu.memref_slice %arg13[%run_scoped3A_24, %dma_start3A_206] : memref<2x80xi32, #tpu.memory_space<vmem>> -> memref<1x80xi32, #tpu.memory_space<vmem>>
      %dma_start3A_208 = tpu.memref_squeeze %dma_start3A_207 : memref<1x80xi32, #tpu.memory_space<vmem>> -> memref<80xi32, #tpu.memory_space<vmem>>
      %dma_start3A_209 = tpu.memref_slice %arg6[%add3A_23] : memref<320000xi32, #tpu.memory_space<hbm>> -> memref<80xi32, #tpu.memory_space<hbm>>
      tpu.enqueue_dma source(%dma_start3A_209 : memref<80xi32, #tpu.memory_space<hbm>>) target(%dma_start3A_208 : memref<80xi32, #tpu.memory_space<vmem>>) target_semaphore(%run_scoped3A_201 : memref<!tpu.dma_semaphore, #tpu.memory_space<semaphore_mem>>)
      %dma_wait3A = arith.constant 0 : i32
      %dma_wait3A_210 = tpu.memref_slice %arg13[%run_scoped3A_24, %dma_wait3A] : memref<2x80xi32, #tpu.memory_space<vmem>> -> memref<1x80xi32, #tpu.memory_space<vmem>>
      %dma_wait3A_211 = tpu.memref_squeeze %dma_wait3A_210 : memref<1x80xi32, #tpu.memory_space<vmem>> -> memref<80xi32, #tpu.memory_space<vmem>>
      %dma_wait3A_212 = tpu.memref_slice %arg6[%add3A_23] : memref<320000xi32, #tpu.memory_space<hbm>> -> memref<80xi32, #tpu.memory_space<hbm>>
      %dma_wait3A_213 = arith.constant 0 : i32
      %dma_wait3A_214 = tpu.memref_slice %arg13[%run_scoped3A_24, %dma_wait3A_213] : memref<2x80xi32, #tpu.memory_space<vmem>> -> memref<1x80xi32, #tpu.memory_space<vmem>>
      %dma_wait3A_215 = tpu.memref_squeeze %dma_wait3A_214 : memref<1x80xi32, #tpu.memory_space<vmem>> -> memref<80xi32, #tpu.memory_space<vmem>>
      %dma_wait3A_216 = tpu.memref_slice %arg6[%add3A_23] : memref<320000xi32, #tpu.memory_space<hbm>> -> memref<80xi32, #tpu.memory_space<hbm>>
      tpu.wait_dma2 semaphore(%run_scoped3A_201 : memref<!tpu.dma_semaphore, #tpu.memory_space<semaphore_mem>>) src(%dma_wait3A_216 : memref<80xi32, #tpu.memory_space<hbm>>) dst(%dma_wait3A_215 : memref<80xi32, #tpu.memory_space<vmem>>)
      tpu.yield
    }) : () -> ()
    %get3A = arith.constant 0 : i32
    %get3A_25 = arith.index_cast %get3A : i32 to index
    %get3A_26 = arith.constant 0 : index
    %get3A_27 = tpu.vector_load %arg11[%get3A_25, %get3A_26] {strides = array<i32>} : memref<2x80xi32, #tpu.memory_space<vmem>>, vector<16xi32>,
    %mul3A_28 = arith.constant 2 : i32
    %mul3A_29 = vector.broadcast %mul3A_28 : i32 to vector<16xi32>
    %mul3A_30 = arith.muli %get3A_27, %mul3A_29 : vector<16xi32>
    %add3A_31 = vector.broadcast %arg0 : i32 to vector<16xi32>
    %add3A_32 = arith.addi %mul3A_30, %add3A_31 : vector<16xi32>
    %swap3A = arith.constant 0 : i32
    %swap3A_33 = arith.index_cast %swap3A : i32 to index
    %swap3A_34 = arith.constant 0 : index
    %swap3A_35 = tpu.vector_load %arg12[%swap3A_33, %swap3A_34] {strides = array<i32>} : memref<2x80xi32, #tpu.memory_space<vmem>>, vector<16xi32>,
    tpu.vector_store %arg12[%swap3A_33, %swap3A_34], %add3A_32 {strides = array<i32>} : memref<2x80xi32, #tpu.memory_space<vmem>>, vector<16xi32>,
    %get3A_36 = arith.constant 0 : i32
    %get3A_37 = arith.index_cast %get3A_36 : i32 to index
    %get3A_38 = arith.constant 16 : index
    %get3A_39 = tpu.vector_load %arg11[%get3A_37, %get3A_38] {strides = array<i32>} : memref<2x80xi32, #tpu.memory_space<vmem>>, vector<16xi32>,
    %mul3A_40 = arith.constant 2 : i32
    %mul3A_41 = vector.broadcast %mul3A_40 : i32 to vector<16xi32>
    %mul3A_42 = arith.muli %get3A_39, %mul3A_41 : vector<16xi32>
    %add3A_43 = vector.broadcast %arg0 : i32 to vector<16xi32>
    %add3A_44 = arith.addi %mul3A_42, %add3A_43 : vector<16xi32>
    %swap3A_45 = arith.constant 0 : i32
    %swap3A_46 = arith.index_cast %swap3A_45 : i32 to index
    %swap3A_47 = arith.constant 16 : index
    %swap3A_48 = tpu.vector_load %arg12[%swap3A_46, %swap3A_47] {strides = array<i32>} : memref<2x80xi32, #tpu.memory_space<vmem>>, vector<16xi32>,
    tpu.vector_store %arg12[%swap3A_46, %swap3A_47], %add3A_44 {strides = array<i32>} : memref<2x80xi32, #tpu.memory_space<vmem>>, vector<16xi32>,
    %get3A_49 = arith.constant 0 : i32
    %get3A_50 = arith.index_cast %get3A_49 : i32 to index
    %get3A_51 = arith.constant 32 : index
    %get3A_52 = tpu.vector_load %arg11[%get3A_50, %get3A_51] {strides = array<i32>} : memref<2x80xi32, #tpu.memory_space<vmem>>, vector<16xi32>,
    %mul3A_53 = arith.constant 2 : i32
    %mul3A_54 = vector.broadcast %mul3A_53 : i32 to vector<16xi32>
    %mul3A_55 = arith.muli %get3A_52, %mul3A_54 : vector<16xi32>
    %add3A_56 = vector.broadcast %arg0 : i32 to vector<16xi32>
    %add3A_57 = arith.addi %mul3A_55, %add3A_56 : vector<16xi32>
    %swap3A_58 = arith.constant 0 : i32
    %swap3A_59 = arith.index_cast %swap3A_58 : i32 to index
    %swap3A_60 = arith.constant 32 : index
    %swap3A_61 = tpu.vector_load %arg12[%swap3A_59, %swap3A_60] {strides = array<i32>} : memref<2x80xi32, #tpu.memory_space<vmem>>, vector<16xi32>,
    tpu.vector_store %arg12[%swap3A_59, %swap3A_60], %add3A_57 {strides = array<i32>} : memref<2x80xi32, #tpu.memory_space<vmem>>, vector<16xi32>,
    %get3A_62 = arith.constant 0 : i32
    %get3A_63 = arith.index_cast %get3A_62 : i32 to index
    %get3A_64 = arith.constant 48 : index
    %get3A_65 = tpu.vector_load %arg11[%get3A_63, %get3A_64] {strides = array<i32>} : memref<2x80xi32, #tpu.memory_space<vmem>>, vector<16xi32>,
    %mul3A_66 = arith.constant 2 : i32
    %mul3A_67 = vector.broadcast %mul3A_66 : i32 to vector<16xi32>
    %mul3A_68 = arith.muli %get3A_65, %mul3A_67 : vector<16xi32>
    %add3A_69 = vector.broadcast %arg0 : i32 to vector<16xi32>
    %add3A_70 = arith.addi %mul3A_68, %add3A_69 : vector<16xi32>
    %swap3A_71 = arith.constant 0 : i32
    %swap3A_72 = arith.index_cast %swap3A_71 : i32 to index
    %swap3A_73 = arith.constant 48 : index
    %swap3A_74 = tpu.vector_load %arg12[%swap3A_72, %swap3A_73] {strides = array<i32>} : memref<2x80xi32, #tpu.memory_space<vmem>>, vector<16xi32>,
    tpu.vector_store %arg12[%swap3A_72, %swap3A_73], %add3A_70 {strides = array<i32>} : memref<2x80xi32, #tpu.memory_space<vmem>>, vector<16xi32>,
    %get3A_75 = arith.constant 0 : i32
    %get3A_76 = arith.index_cast %get3A_75 : i32 to index
    %get3A_77 = arith.constant 64 : index
    %get3A_78 = tpu.vector_load %arg11[%get3A_76, %get3A_77] {strides = array<i32>} : memref<2x80xi32, #tpu.memory_space<vmem>>, vector<16xi32>,
    %mul3A_79 = arith.constant 2 : i32
    %mul3A_80 = vector.broadcast %mul3A_79 : i32 to vector<16xi32>
    %mul3A_81 = arith.muli %get3A_78, %mul3A_80 : vector<16xi32>
    %add3A_82 = vector.broadcast %arg0 : i32 to vector<16xi32>
    %add3A_83 = arith.addi %mul3A_81, %add3A_82 : vector<16xi32>
    %swap3A_84 = arith.constant 0 : i32
    %swap3A_85 = arith.index_cast %swap3A_84 : i32 to index
    %swap3A_86 = arith.constant 64 : index
    %swap3A_87 = tpu.vector_load %arg12[%swap3A_85, %swap3A_86] {strides = array<i32>} : memref<2x80xi32, #tpu.memory_space<vmem>>, vector<16xi32>,
    tpu.vector_store %arg12[%swap3A_85, %swap3A_86], %add3A_83 {strides = array<i32>} : memref<2x80xi32, #tpu.memory_space<vmem>>, vector<16xi32>,
    %dma_start3A = arith.constant 0 : i32
    %dma_start3A_88 = arith.constant 0 : i32
    %dma_start3A_89 = arith.constant 0 : i32
    %dma_start3A_90 = arith.constant 0 : i32
    %dma_start3A_91 = tpu.memref_slice %arg15[%dma_start3A_88, %dma_start3A_89, %dma_start3A_90] : memref<2x80x64xf32, #tpu.memory_space<vmem>> -> memref<1x80x64xf32, #tpu.memory_space<vmem>>
    %dma_start3A_92 = tpu.memref_squeeze %dma_start3A_91 : memref<1x80x64xf32, #tpu.memory_space<vmem>> -> memref<80x64xf32, #tpu.memory_space<vmem>>
    %dma_start3A_93 = arith.constant 0 : i32
    %dma_start3A_94 = tpu.memref_slice %arg12[%dma_start3A, %dma_start3A_93] : memref<2x80xi32, #tpu.memory_space<vmem>> -> memref<1x80xi32, #tpu.memory_space<vmem>>
    %dma_start3A_95 = tpu.memref_squeeze %dma_start3A_94 : memref<1x80xi32, #tpu.memory_space<vmem>> -> memref<80xi32, #tpu.memory_space<vmem>>
    %dma_start3A_96 = arith.constant 0 : i32
    %dma_start3A_97 = arith.constant 0 : i32
    %dma_start3A_98 = tpu.memref_slice %arg2[%dma_start3A_96, %dma_start3A_97] : memref<20000x64xf32, #tpu.memory_space<hbm>> -> memref<20000x64xf32, #tpu.memory_space<hbm>>
    tpu.enqueue_indirect_dma source(%dma_start3A_98 : memref<20000x64xf32, #tpu.memory_space<hbm>>) target(%dma_start3A_92 : memref<80x64xf32, #tpu.memory_space<vmem>>) offsets(%dma_start3A_95 : memref<80xi32, #tpu.memory_space<vmem>>) semaphore(%arg19 : memref<!tpu.dma_semaphore, #tpu.memory_space<semaphore_mem>>)
    %mul3A_99 = arith.constant 20000 : i32
    %mul3A_100 = arith.muli %arg1, %mul3A_99 : i32
    %add3A_101 = arith.constant 80 : i32
    %add3A_102 = arith.addi %mul3A_100, %add3A_101 : i32
    %run_scoped3A_103 = arith.constant 1 : i32
    "tpu.region"() ({
      %run_scoped3A_201 = tpu.sem_alloc : memref<!tpu.dma_semaphore, #tpu.memory_space<semaphore_mem>>
      %dma_start3A_202 = arith.constant 0 : i32
      %dma_start3A_203 = tpu.memref_slice %arg11[%run_scoped3A_103, %dma_start3A_202] : memref<2x80xi32, #tpu.memory_space<vmem>> -> memref<1x80xi32, #tpu.memory_space<vmem>>
      %dma_start3A_204 = tpu.memref_squeeze %dma_start3A_203 : memref<1x80xi32, #tpu.memory_space<vmem>> -> memref<80xi32, #tpu.memory_space<vmem>>
      %dma_start3A_205 = tpu.memref_slice %arg5[%add3A_102] : memref<320000xi32, #tpu.memory_space<hbm>> -> memref<80xi32, #tpu.memory_space<hbm>>
      %dma_start3A_206 = arith.constant 0 : i32
      %dma_start3A_207 = tpu.memref_slice %arg11[%run_scoped3A_103, %dma_start3A_206] : memref<2x80xi32, #tpu.memory_space<vmem>> -> memref<1x80xi32, #tpu.memory_space<vmem>>
      %dma_start3A_208 = tpu.memref_squeeze %dma_start3A_207 : memref<1x80xi32, #tpu.memory_space<vmem>> -> memref<80xi32, #tpu.memory_space<vmem>>
      %dma_start3A_209 = tpu.memref_slice %arg5[%add3A_102] : memref<320000xi32, #tpu.memory_space<hbm>> -> memref<80xi32, #tpu.memory_space<hbm>>
      tpu.enqueue_dma source(%dma_start3A_209 : memref<80xi32, #tpu.memory_space<hbm>>) target(%dma_start3A_208 : memref<80xi32, #tpu.memory_space<vmem>>) target_semaphore(%run_scoped3A_201 : memref<!tpu.dma_semaphore, #tpu.memory_space<semaphore_mem>>)
      %dma_wait3A = arith.constant 0 : i32
      %dma_wait3A_210 = tpu.memref_slice %arg11[%run_scoped3A_103, %dma_wait3A] : memref<2x80xi32, #tpu.memory_space<vmem>> -> memref<1x80xi32, #tpu.memory_space<vmem>>
      %dma_wait3A_211 = tpu.memref_squeeze %dma_wait3A_210 : memref<1x80xi32, #tpu.memory_space<vmem>> -> memref<80xi32, #tpu.memory_space<vmem>>
      %dma_wait3A_212 = tpu.memref_slice %arg5[%add3A_102] : memref<320000xi32, #tpu.memory_space<hbm>> -> memref<80xi32, #tpu.memory_space<hbm>>
      %dma_wait3A_213 = arith.constant 0 : i32
      %dma_wait3A_214 = tpu.memref_slice %arg11[%run_scoped3A_103, %dma_wait3A_213] : memref<2x80xi32, #tpu.memory_space<vmem>> -> memref<1x80xi32, #tpu.memory_space<vmem>>
      %dma_wait3A_215 = tpu.memref_squeeze %dma_wait3A_214 : memref<1x80xi32, #tpu.memory_space<vmem>> -> memref<80xi32, #tpu.memory_space<vmem>>
      %dma_wait3A_216 = tpu.memref_slice %arg5[%add3A_102] : memref<320000xi32, #tpu.memory_space<hbm>> -> memref<80xi32, #tpu.memory_space<hbm>>
      tpu.wait_dma2 semaphore(%run_scoped3A_201 : memref<!tpu.dma_semaphore, #tpu.memory_space<semaphore_mem>>) src(%dma_wait3A_216 : memref<80xi32, #tpu.memory_space<hbm>>) dst(%dma_wait3A_215 : memref<80xi32, #tpu.memory_space<vmem>>)
      tpu.yield
    }) : () -> ()
    %run_scoped3A_104 = arith.constant 1 : i32
    "tpu.region"() ({
      %run_scoped3A_201 = tpu.sem_alloc : memref<!tpu.dma_semaphore, #tpu.memory_space<semaphore_mem>>
      %dma_start3A_202 = arith.constant 0 : i32
      %dma_start3A_203 = tpu.memref_slice %arg13[%run_scoped3A_104, %dma_start3A_202] : memref<2x80xi32, #tpu.memory_space<vmem>> -> memref<1x80xi32, #tpu.memory_space<vmem>>
      %dma_start3A_204 = tpu.memref_squeeze %dma_start3A_203 : memref<1x80xi32, #tpu.memory_space<vmem>> -> memref<80xi32, #tpu.memory_space<vmem>>
      %dma_start3A_205 = tpu.memref_slice %arg6[%add3A_102] : memref<320000xi32, #tpu.memory_space<hbm>> -> memref<80xi32, #tpu.memory_space<hbm>>
      %dma_start3A_206 = arith.constant 0 : i32
      %dma_start3A_207 = tpu.memref_slice %arg13[%run_scoped3A_104, %dma_start3A_206] : memref<2x80xi32, #tpu.memory_space<vmem>> -> memref<1x80xi32, #tpu.memory_space<vmem>>
      %dma_start3A_208 = tpu.memref_squeeze %dma_start3A_207 : memref<1x80xi32, #tpu.memory_space<vmem>> -> memref<80xi32, #tpu.memory_space<vmem>>
      %dma_start3A_209 = tpu.memref_slice %arg6[%add3A_102] : memref<320000xi32, #tpu.memory_space<hbm>> -> memref<80xi32, #tpu.memory_space<hbm>>
      tpu.enqueue_dma source(%dma_start3A_209 : memref<80xi32, #tpu.memory_space<hbm>>) target(%dma_start3A_208 : memref<80xi32, #tpu.memory_space<vmem>>) target_semaphore(%run_scoped3A_201 : memref<!tpu.dma_semaphore, #tpu.memory_space<semaphore_mem>>)
      %dma_wait3A = arith.constant 0 : i32
      %dma_wait3A_210 = tpu.memref_slice %arg13[%run_scoped3A_104, %dma_wait3A] : memref<2x80xi32, #tpu.memory_space<vmem>> -> memref<1x80xi32, #tpu.memory_space<vmem>>
      %dma_wait3A_211 = tpu.memref_squeeze %dma_wait3A_210 : memref<1x80xi32, #tpu.memory_space<vmem>> -> memref<80xi32, #tpu.memory_space<vmem>>
      %dma_wait3A_212 = tpu.memref_slice %arg6[%add3A_102] : memref<320000xi32, #tpu.memory_space<hbm>> -> memref<80xi32, #tpu.memory_space<hbm>>
      %dma_wait3A_213 = arith.constant 0 : i32
      %dma_wait3A_214 = tpu.memref_slice %arg13[%run_scoped3A_104, %dma_wait3A_213] : memref<2x80xi32, #tpu.memory_space<vmem>> -> memref<1x80xi32, #tpu.memory_space<vmem>>
      %dma_wait3A_215 = tpu.memref_squeeze %dma_wait3A_214 : memref<1x80xi32, #tpu.memory_space<vmem>> -> memref<80xi32, #tpu.memory_space<vmem>>
      %dma_wait3A_216 = tpu.memref_slice %arg6[%add3A_102] : memref<320000xi32, #tpu.memory_space<hbm>> -> memref<80xi32, #tpu.memory_space<hbm>>
      tpu.wait_dma2 semaphore(%run_scoped3A_201 : memref<!tpu.dma_semaphore, #tpu.memory_space<semaphore_mem>>) src(%dma_wait3A_216 : memref<80xi32, #tpu.memory_space<hbm>>) dst(%dma_wait3A_215 : memref<80xi32, #tpu.memory_space<vmem>>)
      tpu.yield
    }) : () -> ()
    %get3A_105 = arith.constant 1 : i32
    %get3A_106 = arith.index_cast %get3A_105 : i32 to index
    %get3A_107 = arith.constant 0 : index
    %get3A_108 = tpu.vector_load %arg11[%get3A_106, %get3A_107] {strides = array<i32>} : memref<2x80xi32, #tpu.memory_space<vmem>>, vector<16xi32>,
    %mul3A_109 = arith.constant 2 : i32
    %mul3A_110 = vector.broadcast %mul3A_109 : i32 to vector<16xi32>
    %mul3A_111 = arith.muli %get3A_108, %mul3A_110 : vector<16xi32>
    %add3A_112 = vector.broadcast %arg0 : i32 to vector<16xi32>
    %add3A_113 = arith.addi %mul3A_111, %add3A_112 : vector<16xi32>
    %swap3A_114 = arith.constant 1 : i32
    %swap3A_115 = arith.index_cast %swap3A_114 : i32 to index
    %swap3A_116 = arith.constant 0 : index
    %swap3A_117 = tpu.vector_load %arg12[%swap3A_115, %swap3A_116] {strides = array<i32>} : memref<2x80xi32, #tpu.memory_space<vmem>>, vector<16xi32>,
    tpu.vector_store %arg12[%swap3A_115, %swap3A_116], %add3A_113 {strides = array<i32>} : memref<2x80xi32, #tpu.memory_space<vmem>>, vector<16xi32>,
    %get3A_118 = arith.constant 1 : i32
    %get3A_119 = arith.index_cast %get3A_118 : i32 to index
    %get3A_120 = arith.constant 16 : index
    %get3A_121 = tpu.vector_load %arg11[%get3A_119, %get3A_120] {strides = array<i32>} : memref<2x80xi32, #tpu.memory_space<vmem>>, vector<16xi32>,
    %mul3A_122 = arith.constant 2 : i32
    %mul3A_123 = vector.broadcast %mul3A_122 : i32 to vector<16xi32>
    %mul3A_124 = arith.muli %get3A_121, %mul3A_123 : vector<16xi32>
    %add3A_125 = vector.broadcast %arg0 : i32 to vector<16xi32>
    %add3A_126 = arith.addi %mul3A_124, %add3A_125 : vector<16xi32>
    %swap3A_127 = arith.constant 1 : i32
    %swap3A_128 = arith.index_cast %swap3A_127 : i32 to index
    %swap3A_129 = arith.constant 16 : index
    %swap3A_130 = tpu.vector_load %arg12[%swap3A_128, %swap3A_129] {strides = array<i32>} : memref<2x80xi32, #tpu.memory_space<vmem>>, vector<16xi32>,
    tpu.vector_store %arg12[%swap3A_128, %swap3A_129], %add3A_126 {strides = array<i32>} : memref<2x80xi32, #tpu.memory_space<vmem>>, vector<16xi32>,
    %get3A_131 = arith.constant 1 : i32
    %get3A_132 = arith.index_cast %get3A_131 : i32 to index
    %get3A_133 = arith.constant 32 : index
    %get3A_134 = tpu.vector_load %arg11[%get3A_132, %get3A_133] {strides = array<i32>} : memref<2x80xi32, #tpu.memory_space<vmem>>, vector<16xi32>,
    %mul3A_135 = arith.constant 2 : i32
    %mul3A_136 = vector.broadcast %mul3A_135 : i32 to vector<16xi32>
    %mul3A_137 = arith.muli %get3A_134, %mul3A_136 : vector<16xi32>
    %add3A_138 = vector.broadcast %arg0 : i32 to vector<16xi32>
    %add3A_139 = arith.addi %mul3A_137, %add3A_138 : vector<16xi32>
    %swap3A_140 = arith.constant 1 : i32
    %swap3A_141 = arith.index_cast %swap3A_140 : i32 to index
    %swap3A_142 = arith.constant 32 : index
    %swap3A_143 = tpu.vector_load %arg12[%swap3A_141, %swap3A_142] {strides = array<i32>} : memref<2x80xi32, #tpu.memory_space<vmem>>, vector<16xi32>,
    tpu.vector_store %arg12[%swap3A_141, %swap3A_142], %add3A_139 {strides = array<i32>} : memref<2x80xi32, #tpu.memory_space<vmem>>, vector<16xi32>,
    %get3A_144 = arith.constant 1 : i32
    %get3A_145 = arith.index_cast %get3A_144 : i32 to index
    %get3A_146 = arith.constant 48 : index
    %get3A_147 = tpu.vector_load %arg11[%get3A_145, %get3A_146] {strides = array<i32>} : memref<2x80xi32, #tpu.memory_space<vmem>>, vector<16xi32>,
    %mul3A_148 = arith.constant 2 : i32
    %mul3A_149 = vector.broadcast %mul3A_148 : i32 to vector<16xi32>
    %mul3A_150 = arith.muli %get3A_147, %mul3A_149 : vector<16xi32>
    %add3A_151 = vector.broadcast %arg0 : i32 to vector<16xi32>
    %add3A_152 = arith.addi %mul3A_150, %add3A_151 : vector<16xi32>
    %swap3A_153 = arith.constant 1 : i32
    %swap3A_154 = arith.index_cast %swap3A_153 : i32 to index
    %swap3A_155 = arith.constant 48 : index
    %swap3A_156 = tpu.vector_load %arg12[%swap3A_154, %swap3A_155] {strides = array<i32>} : memref<2x80xi32, #tpu.memory_space<vmem>>, vector<16xi32>,
    tpu.vector_store %arg12[%swap3A_154, %swap3A_155], %add3A_152 {strides = array<i32>} : memref<2x80xi32, #tpu.memory_space<vmem>>, vector<16xi32>,
    %get3A_157 = arith.constant 1 : i32
    %get3A_158 = arith.index_cast %get3A_157 : i32 to index
    %get3A_159 = arith.constant 64 : index
    %get3A_160 = tpu.vector_load %arg11[%get3A_158, %get3A_159] {strides = array<i32>} : memref<2x80xi32, #tpu.memory_space<vmem>>, vector<16xi32>,
    %mul3A_161 = arith.constant 2 : i32
    %mul3A_162 = vector.broadcast %mul3A_161 : i32 to vector<16xi32>
    %mul3A_163 = arith.muli %get3A_160, %mul3A_162 : vector<16xi32>
    %add3A_164 = vector.broadcast %arg0 : i32 to vector<16xi32>
    %add3A_165 = arith.addi %mul3A_163, %add3A_164 : vector<16xi32>
    %swap3A_166 = arith.constant 1 : i32
    %swap3A_167 = arith.index_cast %swap3A_166 : i32 to index
    %swap3A_168 = arith.constant 64 : index
    %swap3A_169 = tpu.vector_load %arg12[%swap3A_167, %swap3A_168] {strides = array<i32>} : memref<2x80xi32, #tpu.memory_space<vmem>>, vector<16xi32>,
    tpu.vector_store %arg12[%swap3A_167, %swap3A_168], %add3A_165 {strides = array<i32>} : memref<2x80xi32, #tpu.memory_space<vmem>>, vector<16xi32>,
    %dma_start3A_170 = arith.constant 1 : i32
    %dma_start3A_171 = arith.constant 1 : i32
    %dma_start3A_172 = arith.constant 0 : i32
    %dma_start3A_173 = arith.constant 0 : i32
    %dma_start3A_174 = tpu.memref_slice %arg15[%dma_start3A_171, %dma_start3A_172, %dma_start3A_173] : memref<2x80x64xf32, #tpu.memory_space<vmem>> -> memref<1x80x64xf32, #tpu.memory_space<vmem>>
    %dma_start3A_175 = tpu.memref_squeeze %dma_start3A_174 : memref<1x80x64xf32, #tpu.memory_space<vmem>> -> memref<80x64xf32, #tpu.memory_space<vmem>>
    %dma_start3A_176 = arith.constant 0 : i32
    %dma_start3A_177 = tpu.memref_slice %arg12[%dma_start3A_170, %dma_start3A_176] : memref<2x80xi32, #tpu.memory_space<vmem>> -> memref<1x80xi32, #tpu.memory_space<vmem>>
    %dma_start3A_178 = tpu.memref_squeeze %dma_start3A_177 : memref<1x80xi32, #tpu.memory_space<vmem>> -> memref<80xi32, #tpu.memory_space<vmem>>
    %dma_start3A_179 = arith.constant 0 : i32
    %dma_start3A_180 = arith.constant 0 : i32
    %dma_start3A_181 = tpu.memref_slice %arg2[%dma_start3A_179, %dma_start3A_180] : memref<20000x64xf32, #tpu.memory_space<hbm>> -> memref<20000x64xf32, #tpu.memory_space<hbm>>
    tpu.enqueue_indirect_dma source(%dma_start3A_181 : memref<20000x64xf32, #tpu.memory_space<hbm>>) target(%dma_start3A_175 : memref<80x64xf32, #tpu.memory_space<vmem>>) offsets(%dma_start3A_178 : memref<80xi32, #tpu.memory_space<vmem>>) semaphore(%arg20 : memref<!tpu.dma_semaphore, #tpu.memory_space<semaphore_mem>>)
    %barrier3A = arith.constant 0 : index
    tpu.barrier barrier_id(%barrier3A)
    %scan3A_182 = arith.constant 0 : i32
    %scan3A_183 = arith.constant 125 : i32
    %scan3A_184 = arith.addi %scan3A_182, %scan3A_183 : i32
    %scan3A_185 = arith.constant 1 : i32
    scf.for %scan3A_201 = %scan3A_182 to %scan3A_184 step %scan3A_185  : i32 {
      %mul3A_202 = arith.constant 2 : i32
      %mul3A_203 = arith.muli %scan3A_201, %mul3A_202 : i32
      %add3A_204 = arith.constant 0 : i32
      %add3A_205 = arith.addi %add3A_204, %mul3A_203 : i32
      %add3A_206 = arith.constant 0 : i32
      %add3A_207 = arith.addi %add3A_205, %add3A_206 : i32
      %dma_wait3A = arith.constant 0 : i32
      %dma_wait3A_208 = arith.constant 0 : i32
      %dma_wait3A_209 = arith.constant 0 : i32
      %dma_wait3A_210 = arith.constant 0 : i32
      %dma_wait3A_211 = tpu.memref_slice %arg15[%dma_wait3A_208, %dma_wait3A_209, %dma_wait3A_210] : memref<2x80x64xf32, #tpu.memory_space<vmem>> -> memref<1x80x64xf32, #tpu.memory_space<vmem>>
      %dma_wait3A_212 = tpu.memref_squeeze %dma_wait3A_211 : memref<1x80x64xf32, #tpu.memory_space<vmem>> -> memref<80x64xf32, #tpu.memory_space<vmem>>
      %dma_wait3A_213 = arith.constant 0 : i32
      %dma_wait3A_214 = tpu.memref_slice %arg12[%dma_wait3A, %dma_wait3A_213] : memref<2x80xi32, #tpu.memory_space<vmem>> -> memref<1x80xi32, #tpu.memory_space<vmem>>
      %dma_wait3A_215 = tpu.memref_squeeze %dma_wait3A_214 : memref<1x80xi32, #tpu.memory_space<vmem>> -> memref<80xi32, #tpu.memory_space<vmem>>
      %dma_wait3A_216 = arith.constant 0 : i32
      %dma_wait3A_217 = arith.constant 0 : i32
      %dma_wait3A_218 = tpu.memref_slice %arg2[%dma_wait3A_216, %dma_wait3A_217] : memref<20000x64xf32, #tpu.memory_space<hbm>> -> memref<20000x64xf32, #tpu.memory_space<hbm>>
      tpu.wait_indirect_dma semaphore(%arg19 : memref<!tpu.dma_semaphore, #tpu.memory_space<semaphore_mem>>) src(%dma_wait3A_218 : memref<20000x64xf32, #tpu.memory_space<hbm>>) dst(%dma_wait3A_212 : memref<80x64xf32, #tpu.memory_space<vmem>>)
      %scan3A_219 = arith.constant 0 : i32
      %scan3A_220 = arith.constant 5 : i32
      %scan3A_221 = arith.addi %scan3A_219, %scan3A_220 : i32
      %scan3A_222 = arith.constant 1 : i32
      scf.for %scan3A_258 = %scan3A_219 to %scan3A_221 step %scan3A_222  : i32 {
        %mul3A_259 = arith.constant 1 : i32
        %mul3A_260 = arith.muli %scan3A_258, %mul3A_259 : i32
        %add3A_261 = arith.constant 0 : i32
        %add3A_262 = arith.addi %add3A_261, %mul3A_260 : i32
        %mul3A_263 = arith.constant 16 : i32
        %mul3A_264 = arith.muli %add3A_262, %mul3A_263 : i32
        %add3A_265 = vector.broadcast %mul3A_264 : i32 to vector<16xi32>
        %add3A_266 = arith.addi %iota3A, %add3A_265 : vector<16xi32>
        %mul3A_267 = arith.constant 16 : i32
        %mul3A_268 = arith.muli %add3A_262, %mul3A_267 : i32
        %get3A_269 = arith.constant 0 : i32
        %get3A_270 = arith.index_cast %get3A_269 : i32 to index
        %get3A_271 = arith.index_cast %mul3A_268 : i32 to index
        %get3A_272 = tpu.vector_load %arg11[%get3A_270, %get3A_271] {strides = array<i32>} : memref<2x80xi32, #tpu.memory_space<vmem>>, vector<16xi32>,
        %mul3A_273 = arith.constant 16 : i32
        %mul3A_274 = arith.muli %add3A_262, %mul3A_273 : i32
        %get3A_275 = arith.constant 0 : i32
        %get3A_276 = arith.index_cast %get3A_275 : i32 to index
        %get3A_277 = arith.index_cast %mul3A_274 : i32 to index
        %get3A_278 = tpu.vector_load %arg13[%get3A_276, %get3A_277] {strides = array<i32>} : memref<2x80xi32, #tpu.memory_space<vmem>>, vector<16xi32>,
        %mul3A_279 = arith.constant 2 : i32
        %mul3A_280 = vector.broadcast %mul3A_279 : i32 to vector<16xi32>
        %mul3A_281 = arith.muli %get3A_272, %mul3A_280 : vector<16xi32>
        %add3A_282 = arith.constant 0 : i32
        %add3A_283 = vector.broadcast %add3A_282 : i32 to vector<16xi32>
        %add3A_284 = arith.addi %mul3A_281, %add3A_283 : vector<16xi32>
        %gather3A = tpu.vector_load_idx %arg9[%add3A_284] : memref<20000xf32, #tpu.memory_space<vmem>>[vector<16xi32>], vector<16xf32>,
        %mul3A_285 = arith.constant 2 : i32
        %mul3A_286 = vector.broadcast %mul3A_285 : i32 to vector<16xi32>
        %mul3A_287 = arith.muli %get3A_278, %mul3A_286 : vector<16xi32>
        %add3A_288 = arith.constant 0 : i32
        %add3A_289 = vector.broadcast %add3A_288 : i32 to vector<16xi32>
        %add3A_290 = arith.addi %mul3A_287, %add3A_289 : vector<16xi32>
        %gather3A_291 = tpu.vector_load_idx %arg10[%add3A_290] : memref<20000xf32, #tpu.memory_space<vmem>>[vector<16xi32>], vector<16xf32>,
        %add3A_292 = arith.addf %gather3A, %gather3A_291 : vector<16xf32>
        %ge3A = arith.constant 0.000000e+00 : f32
        %ge3A_293 = vector.broadcast %ge3A : f32 to vector<16xf32>
        %ge3A_294 = arith.cmpf oge, %add3A_292, %ge3A_293 : vector<16xf32>
        %mul3A_295 = arith.constant 2.000000e-01 : f32
        %mul3A_296 = vector.broadcast %mul3A_295 : f32 to vector<16xf32>
        %mul3A_297 = arith.mulf %add3A_292, %mul3A_296 : vector<16xf32>
        %select_n3A = arith.select %ge3A_294, %add3A_292, %mul3A_297 : vector<16xi1>, vector<16xf32>
        %exp3A = math.exp %select_n3A : vector<16xf32>
        %shift_right_logical3A = arith.constant 4 : i32
        %shift_right_logical3A_298 = vector.broadcast %shift_right_logical3A : i32 to vector<16xi32>
        %shift_right_logical3A_299 = arith.shrui %get3A_278, %shift_right_logical3A_298 : vector<16xi32>
        %and3A = arith.constant 15 : i32
        %and3A_300 = vector.broadcast %and3A : i32 to vector<16xi32>
        %and3A_301 = arith.andi %get3A_278, %and3A_300 : vector<16xi32>
        %shift_left3A = arith.constant 1 : i32
        %shift_left3A_302 = vector.broadcast %shift_left3A : i32 to vector<16xi32>
        %shift_left3A_303 = arith.shli %and3A_301, %shift_left3A_302 : vector<16xi32>
        %add3A_304 = arith.constant 0 : i32
        %add3A_305 = vector.broadcast %add3A_304 : i32 to vector<16xi32>
        %add3A_306 = arith.addi %shift_left3A_303, %add3A_305 : vector<16xi32>
        tpu.vector_store_idx %arg16[%shift_right_logical3A_299, %add3A_306], %exp3A {add = true} : memref<640x32xf32, #tpu.memory_space<vmem>>[vector<16xi32>, vector<16xi32>], vector<16xf32>,
        %scan3A_307 = arith.constant 0 : i32
        %scan3A_308 = arith.constant 32 : i32
        %scan3A_309 = arith.addi %scan3A_307, %scan3A_308 : i32
        %scan3A_310 = arith.constant 4 : i32
        scf.for %scan3A_352 = %scan3A_307 to %scan3A_309 step %scan3A_310  : i32 {
          %mul3A_353 = arith.constant 1 : i32
          %mul3A_354 = arith.muli %scan3A_352, %mul3A_353 : i32
          %add3A_355 = arith.constant 0 : i32
          %add3A_356 = arith.addi %add3A_355, %mul3A_354 : i32
          %broadcast_in_dim3A_357 = arith.constant 0 : i32
          %broadcast_in_dim3A_358 = vector.broadcast %broadcast_in_dim3A_357 : i32 to vector<16xi32>
          %add3A_359 = vector.broadcast %add3A_356 : i32 to vector<16xi32>
          %add3A_360 = arith.addi %broadcast_in_dim3A_358, %add3A_359 : vector<16xi32>
          %gather3A_361 = arith.constant 0 : i32
          %gather3A_362 = arith.constant 0 : i32
          %gather3A_363 = arith.constant 0 : i32
          %gather3A_364 = tpu.memref_slice %arg15[%gather3A_361, %gather3A_362, %gather3A_363] : memref<2x80x64xf32, #tpu.memory_space<vmem>> -> memref<1x80x64xf32, #tpu.memory_space<vmem>>
          %gather3A_365 = tpu.memref_squeeze %gather3A_364 : memref<1x80x64xf32, #tpu.memory_space<vmem>> -> memref<80x64xf32, #tpu.memory_space<vmem>>
          %gather3A_366 = tpu.vector_load_idx %gather3A_365[%add3A_266, %add3A_360] : memref<80x64xf32, #tpu.memory_space<vmem>>[vector<16xi32>, vector<16xi32>], vector<16xf32>,
          %mul3A_367 = arith.mulf %gather3A_366, %exp3A : vector<16xf32>
          %scatter3A = arith.constant 0 : i32
          %scatter3A_368 = arith.constant 0 : i32
          %scatter3A_369 = arith.constant 0 : i32
          %scatter3A_370 = tpu.memref_slice %arg15[%scatter3A, %scatter3A_368, %scatter3A_369] : memref<2x80x64xf32, #tpu.memory_space<vmem>> -> memref<1x80x64xf32, #tpu.memory_space<vmem>>
          %scatter3A_371 = tpu.memref_squeeze %scatter3A_370 : memref<1x80x64xf32, #tpu.memory_space<vmem>> -> memref<80x64xf32, #tpu.memory_space<vmem>>
          tpu.vector_store_idx %scatter3A_371[%add3A_266, %add3A_360], %mul3A_367 : memref<80x64xf32, #tpu.memory_space<vmem>>[vector<16xi32>, vector<16xi32>], vector<16xf32>,
          %scan3A_372 = arith.constant 1 : i32
          %scan3A_373 = arith.addi %scan3A_352, %scan3A_372 : i32
          %mul3A_374 = arith.constant 1 : i32
          %mul3A_375 = arith.muli %scan3A_373, %mul3A_374 : i32
          %add3A_376 = arith.constant 0 : i32
          %add3A_377 = arith.addi %add3A_376, %mul3A_375 : i32
          %broadcast_in_dim3A_378 = arith.constant 0 : i32
          %broadcast_in_dim3A_379 = vector.broadcast %broadcast_in_dim3A_378 : i32 to vector<16xi32>
          %add3A_380 = vector.broadcast %add3A_377 : i32 to vector<16xi32>
          %add3A_381 = arith.addi %broadcast_in_dim3A_379, %add3A_380 : vector<16xi32>
          %gather3A_382 = arith.constant 0 : i32
          %gather3A_383 = arith.constant 0 : i32
          %gather3A_384 = arith.constant 0 : i32
          %gather3A_385 = tpu.memref_slice %arg15[%gather3A_382, %gather3A_383, %gather3A_384] : memref<2x80x64xf32, #tpu.memory_space<vmem>> -> memref<1x80x64xf32, #tpu.memory_space<vmem>>
          %gather3A_386 = tpu.memref_squeeze %gather3A_385 : memref<1x80x64xf32, #tpu.memory_space<vmem>> -> memref<80x64xf32, #tpu.memory_space<vmem>>
          %gather3A_387 = tpu.vector_load_idx %gather3A_386[%add3A_266, %add3A_381] : memref<80x64xf32, #tpu.memory_space<vmem>>[vector<16xi32>, vector<16xi32>], vector<16xf32>,
          %mul3A_388 = arith.mulf %gather3A_387, %exp3A : vector<16xf32>
          %scatter3A_389 = arith.constant 0 : i32
          %scatter3A_390 = arith.constant 0 : i32
          %scatter3A_391 = arith.constant 0 : i32
          %scatter3A_392 = tpu.memref_slice %arg15[%scatter3A_389, %scatter3A_390, %scatter3A_391] : memref<2x80x64xf32, #tpu.memory_space<vmem>> -> memref<1x80x64xf32, #tpu.memory_space<vmem>>
          %scatter3A_393 = tpu.memref_squeeze %scatter3A_392 : memref<1x80x64xf32, #tpu.memory_space<vmem>> -> memref<80x64xf32, #tpu.memory_space<vmem>>
          tpu.vector_store_idx %scatter3A_393[%add3A_266, %add3A_381], %mul3A_388 : memref<80x64xf32, #tpu.memory_space<vmem>>[vector<16xi32>, vector<16xi32>], vector<16xf32>,
          %scan3A_394 = arith.constant 2 : i32
          %scan3A_395 = arith.addi %scan3A_352, %scan3A_394 : i32
          %mul3A_396 = arith.constant 1 : i32
          %mul3A_397 = arith.muli %scan3A_395, %mul3A_396 : i32
          %add3A_398 = arith.constant 0 : i32
          %add3A_399 = arith.addi %add3A_398, %mul3A_397 : i32
          %broadcast_in_dim3A_400 = arith.constant 0 : i32
          %broadcast_in_dim3A_401 = vector.broadcast %broadcast_in_dim3A_400 : i32 to vector<16xi32>
          %add3A_402 = vector.broadcast %add3A_399 : i32 to vector<16xi32>
          %add3A_403 = arith.addi %broadcast_in_dim3A_401, %add3A_402 : vector<16xi32>
          %gather3A_404 = arith.constant 0 : i32
          %gather3A_405 = arith.constant 0 : i32
          %gather3A_406 = arith.constant 0 : i32
          %gather3A_407 = tpu.memref_slice %arg15[%gather3A_404, %gather3A_405, %gather3A_406] : memref<2x80x64xf32, #tpu.memory_space<vmem>> -> memref<1x80x64xf32, #tpu.memory_space<vmem>>
          %gather3A_408 = tpu.memref_squeeze %gather3A_407 : memref<1x80x64xf32, #tpu.memory_space<vmem>> -> memref<80x64xf32, #tpu.memory_space<vmem>>
          %gather3A_409 = tpu.vector_load_idx %gather3A_408[%add3A_266, %add3A_403] : memref<80x64xf32, #tpu.memory_space<vmem>>[vector<16xi32>, vector<16xi32>], vector<16xf32>,
          %mul3A_410 = arith.mulf %gather3A_409, %exp3A : vector<16xf32>
          %scatter3A_411 = arith.constant 0 : i32
          %scatter3A_412 = arith.constant 0 : i32
          %scatter3A_413 = arith.constant 0 : i32
          %scatter3A_414 = tpu.memref_slice %arg15[%scatter3A_411, %scatter3A_412, %scatter3A_413] : memref<2x80x64xf32, #tpu.memory_space<vmem>> -> memref<1x80x64xf32, #tpu.memory_space<vmem>>
          %scatter3A_415 = tpu.memref_squeeze %scatter3A_414 : memref<1x80x64xf32, #tpu.memory_space<vmem>> -> memref<80x64xf32, #tpu.memory_space<vmem>>
          tpu.vector_store_idx %scatter3A_415[%add3A_266, %add3A_403], %mul3A_410 : memref<80x64xf32, #tpu.memory_space<vmem>>[vector<16xi32>, vector<16xi32>], vector<16xf32>,
          %scan3A_416 = arith.constant 3 : i32
          %scan3A_417 = arith.addi %scan3A_352, %scan3A_416 : i32
          %mul3A_418 = arith.constant 1 : i32
          %mul3A_419 = arith.muli %scan3A_417, %mul3A_418 : i32
          %add3A_420 = arith.constant 0 : i32
          %add3A_421 = arith.addi %add3A_420, %mul3A_419 : i32
          %broadcast_in_dim3A_422 = arith.constant 0 : i32
          %broadcast_in_dim3A_423 = vector.broadcast %broadcast_in_dim3A_422 : i32 to vector<16xi32>
          %add3A_424 = vector.broadcast %add3A_421 : i32 to vector<16xi32>
          %add3A_425 = arith.addi %broadcast_in_dim3A_423, %add3A_424 : vector<16xi32>
          %gather3A_426 = arith.constant 0 : i32
          %gather3A_427 = arith.constant 0 : i32
          %gather3A_428 = arith.constant 0 : i32
          %gather3A_429 = tpu.memref_slice %arg15[%gather3A_426, %gather3A_427, %gather3A_428] : memref<2x80x64xf32, #tpu.memory_space<vmem>> -> memref<1x80x64xf32, #tpu.memory_space<vmem>>
          %gather3A_430 = tpu.memref_squeeze %gather3A_429 : memref<1x80x64xf32, #tpu.memory_space<vmem>> -> memref<80x64xf32, #tpu.memory_space<vmem>>
          %gather3A_431 = tpu.vector_load_idx %gather3A_430[%add3A_266, %add3A_425] : memref<80x64xf32, #tpu.memory_space<vmem>>[vector<16xi32>, vector<16xi32>], vector<16xf32>,
          %mul3A_432 = arith.mulf %gather3A_431, %exp3A : vector<16xf32>
          %scatter3A_433 = arith.constant 0 : i32
          %scatter3A_434 = arith.constant 0 : i32
          %scatter3A_435 = arith.constant 0 : i32
          %scatter3A_436 = tpu.memref_slice %arg15[%scatter3A_433, %scatter3A_434, %scatter3A_435] : memref<2x80x64xf32, #tpu.memory_space<vmem>> -> memref<1x80x64xf32, #tpu.memory_space<vmem>>
          %scatter3A_437 = tpu.memref_squeeze %scatter3A_436 : memref<1x80x64xf32, #tpu.memory_space<vmem>> -> memref<80x64xf32, #tpu.memory_space<vmem>>
          tpu.vector_store_idx %scatter3A_437[%add3A_266, %add3A_425], %mul3A_432 : memref<80x64xf32, #tpu.memory_space<vmem>>[vector<16xi32>, vector<16xi32>], vector<16xf32>,
        }
        %scan3A_311 = arith.constant 32 : i32
        %mul3A_312 = arith.constant 2 : i32
        %mul3A_313 = vector.broadcast %mul3A_312 : i32 to vector<16xi32>
        %mul3A_314 = arith.muli %get3A_272, %mul3A_313 : vector<16xi32>
        %add3A_315 = arith.constant 1 : i32
        %add3A_316 = vector.broadcast %add3A_315 : i32 to vector<16xi32>
        %add3A_317 = arith.addi %mul3A_314, %add3A_316 : vector<16xi32>
        %gather3A_318 = tpu.vector_load_idx %arg9[%add3A_317] : memref<20000xf32, #tpu.memory_space<vmem>>[vector<16xi32>], vector<16xf32>,
        %mul3A_319 = arith.constant 2 : i32
        %mul3A_320 = vector.broadcast %mul3A_319 : i32 to vector<16xi32>
        %mul3A_321 = arith.muli %get3A_278, %mul3A_320 : vector<16xi32>
        %add3A_322 = arith.constant 1 : i32
        %add3A_323 = vector.broadcast %add3A_322 : i32 to vector<16xi32>
        %add3A_324 = arith.addi %mul3A_321, %add3A_323 : vector<16xi32>
        %gather3A_325 = tpu.vector_load_idx %arg10[%add3A_324] : memref<20000xf32, #tpu.memory_space<vmem>>[vector<16xi32>], vector<16xf32>,
        %add3A_326 = arith.addf %gather3A_318, %gather3A_325 : vector<16xf32>
        %ge3A_327 = arith.constant 0.000000e+00 : f32
        %ge3A_328 = vector.broadcast %ge3A_327 : f32 to vector<16xf32>
        %ge3A_329 = arith.cmpf oge, %add3A_326, %ge3A_328 : vector<16xf32>
        %mul3A_330 = arith.constant 2.000000e-01 : f32
        %mul3A_331 = vector.broadcast %mul3A_330 : f32 to vector<16xf32>
        %mul3A_332 = arith.mulf %add3A_326, %mul3A_331 : vector<16xf32>
        %select_n3A_333 = arith.select %ge3A_329, %add3A_326, %mul3A_332 : vector<16xi1>, vector<16xf32>
        %exp3A_334 = math.exp %select_n3A_333 : vector<16xf32>
        %shift_right_logical3A_335 = arith.constant 4 : i32
        %shift_right_logical3A_336 = vector.broadcast %shift_right_logical3A_335 : i32 to vector<16xi32>
        %shift_right_logical3A_337 = arith.shrui %get3A_278, %shift_right_logical3A_336 : vector<16xi32>
        %and3A_338 = arith.constant 15 : i32
        %and3A_339 = vector.broadcast %and3A_338 : i32 to vector<16xi32>
        %and3A_340 = arith.andi %get3A_278, %and3A_339 : vector<16xi32>
        %shift_left3A_341 = arith.constant 1 : i32
        %shift_left3A_342 = vector.broadcast %shift_left3A_341 : i32 to vector<16xi32>
        %shift_left3A_343 = arith.shli %and3A_340, %shift_left3A_342 : vector<16xi32>
        %add3A_344 = arith.constant 1 : i32
        %add3A_345 = vector.broadcast %add3A_344 : i32 to vector<16xi32>
        %add3A_346 = arith.addi %shift_left3A_343, %add3A_345 : vector<16xi32>
        tpu.vector_store_idx %arg16[%shift_right_logical3A_337, %add3A_346], %exp3A_334 {add = true} : memref<640x32xf32, #tpu.memory_space<vmem>>[vector<16xi32>, vector<16xi32>], vector<16xf32>,
        %scan3A_347 = arith.constant 0 : i32
        %scan3A_348 = arith.constant 32 : i32
        %scan3A_349 = arith.addi %scan3A_347, %scan3A_348 : i32
        %scan3A_350 = arith.constant 4 : i32
        scf.for %scan3A_352 = %scan3A_347 to %scan3A_349 step %scan3A_350  : i32 {
          %mul3A_353 = arith.constant 1 : i32
          %mul3A_354 = arith.muli %scan3A_352, %mul3A_353 : i32
          %add3A_355 = arith.constant 0 : i32
          %add3A_356 = arith.addi %add3A_355, %mul3A_354 : i32
          %broadcast_in_dim3A_357 = arith.constant 32 : i32
          %broadcast_in_dim3A_358 = vector.broadcast %broadcast_in_dim3A_357 : i32 to vector<16xi32>
          %add3A_359 = vector.broadcast %add3A_356 : i32 to vector<16xi32>
          %add3A_360 = arith.addi %broadcast_in_dim3A_358, %add3A_359 : vector<16xi32>
          %gather3A_361 = arith.constant 0 : i32
          %gather3A_362 = arith.constant 0 : i32
          %gather3A_363 = arith.constant 0 : i32
          %gather3A_364 = tpu.memref_slice %arg15[%gather3A_361, %gather3A_362, %gather3A_363] : memref<2x80x64xf32, #tpu.memory_space<vmem>> -> memref<1x80x64xf32, #tpu.memory_space<vmem>>
          %gather3A_365 = tpu.memref_squeeze %gather3A_364 : memref<1x80x64xf32, #tpu.memory_space<vmem>> -> memref<80x64xf32, #tpu.memory_space<vmem>>
          %gather3A_366 = tpu.vector_load_idx %gather3A_365[%add3A_266, %add3A_360] : memref<80x64xf32, #tpu.memory_space<vmem>>[vector<16xi32>, vector<16xi32>], vector<16xf32>,
          %mul3A_367 = arith.mulf %gather3A_366, %exp3A_334 : vector<16xf32>
          %scatter3A = arith.constant 0 : i32
          %scatter3A_368 = arith.constant 0 : i32
          %scatter3A_369 = arith.constant 0 : i32
          %scatter3A_370 = tpu.memref_slice %arg15[%scatter3A, %scatter3A_368, %scatter3A_369] : memref<2x80x64xf32, #tpu.memory_space<vmem>> -> memref<1x80x64xf32, #tpu.memory_space<vmem>>
          %scatter3A_371 = tpu.memref_squeeze %scatter3A_370 : memref<1x80x64xf32, #tpu.memory_space<vmem>> -> memref<80x64xf32, #tpu.memory_space<vmem>>
          tpu.vector_store_idx %scatter3A_371[%add3A_266, %add3A_360], %mul3A_367 : memref<80x64xf32, #tpu.memory_space<vmem>>[vector<16xi32>, vector<16xi32>], vector<16xf32>,
          %scan3A_372 = arith.constant 1 : i32
          %scan3A_373 = arith.addi %scan3A_352, %scan3A_372 : i32
          %mul3A_374 = arith.constant 1 : i32
          %mul3A_375 = arith.muli %scan3A_373, %mul3A_374 : i32
          %add3A_376 = arith.constant 0 : i32
          %add3A_377 = arith.addi %add3A_376, %mul3A_375 : i32
          %broadcast_in_dim3A_378 = arith.constant 32 : i32
          %broadcast_in_dim3A_379 = vector.broadcast %broadcast_in_dim3A_378 : i32 to vector<16xi32>
          %add3A_380 = vector.broadcast %add3A_377 : i32 to vector<16xi32>
          %add3A_381 = arith.addi %broadcast_in_dim3A_379, %add3A_380 : vector<16xi32>
          %gather3A_382 = arith.constant 0 : i32
          %gather3A_383 = arith.constant 0 : i32
          %gather3A_384 = arith.constant 0 : i32
          %gather3A_385 = tpu.memref_slice %arg15[%gather3A_382, %gather3A_383, %gather3A_384] : memref<2x80x64xf32, #tpu.memory_space<vmem>> -> memref<1x80x64xf32, #tpu.memory_space<vmem>>
          %gather3A_386 = tpu.memref_squeeze %gather3A_385 : memref<1x80x64xf32, #tpu.memory_space<vmem>> -> memref<80x64xf32, #tpu.memory_space<vmem>>
          %gather3A_387 = tpu.vector_load_idx %gather3A_386[%add3A_266, %add3A_381] : memref<80x64xf32, #tpu.memory_space<vmem>>[vector<16xi32>, vector<16xi32>], vector<16xf32>,
          %mul3A_388 = arith.mulf %gather3A_387, %exp3A_334 : vector<16xf32>
          %scatter3A_389 = arith.constant 0 : i32
          %scatter3A_390 = arith.constant 0 : i32
          %scatter3A_391 = arith.constant 0 : i32
          %scatter3A_392 = tpu.memref_slice %arg15[%scatter3A_389, %scatter3A_390, %scatter3A_391] : memref<2x80x64xf32, #tpu.memory_space<vmem>> -> memref<1x80x64xf32, #tpu.memory_space<vmem>>
          %scatter3A_393 = tpu.memref_squeeze %scatter3A_392 : memref<1x80x64xf32, #tpu.memory_space<vmem>> -> memref<80x64xf32, #tpu.memory_space<vmem>>
          tpu.vector_store_idx %scatter3A_393[%add3A_266, %add3A_381], %mul3A_388 : memref<80x64xf32, #tpu.memory_space<vmem>>[vector<16xi32>, vector<16xi32>], vector<16xf32>,
          %scan3A_394 = arith.constant 2 : i32
          %scan3A_395 = arith.addi %scan3A_352, %scan3A_394 : i32
          %mul3A_396 = arith.constant 1 : i32
          %mul3A_397 = arith.muli %scan3A_395, %mul3A_396 : i32
          %add3A_398 = arith.constant 0 : i32
          %add3A_399 = arith.addi %add3A_398, %mul3A_397 : i32
          %broadcast_in_dim3A_400 = arith.constant 32 : i32
          %broadcast_in_dim3A_401 = vector.broadcast %broadcast_in_dim3A_400 : i32 to vector<16xi32>
          %add3A_402 = vector.broadcast %add3A_399 : i32 to vector<16xi32>
          %add3A_403 = arith.addi %broadcast_in_dim3A_401, %add3A_402 : vector<16xi32>
          %gather3A_404 = arith.constant 0 : i32
          %gather3A_405 = arith.constant 0 : i32
          %gather3A_406 = arith.constant 0 : i32
          %gather3A_407 = tpu.memref_slice %arg15[%gather3A_404, %gather3A_405, %gather3A_406] : memref<2x80x64xf32, #tpu.memory_space<vmem>> -> memref<1x80x64xf32, #tpu.memory_space<vmem>>
          %gather3A_408 = tpu.memref_squeeze %gather3A_407 : memref<1x80x64xf32, #tpu.memory_space<vmem>> -> memref<80x64xf32, #tpu.memory_space<vmem>>
          %gather3A_409 = tpu.vector_load_idx %gather3A_408[%add3A_266, %add3A_403] : memref<80x64xf32, #tpu.memory_space<vmem>>[vector<16xi32>, vector<16xi32>], vector<16xf32>,
          %mul3A_410 = arith.mulf %gather3A_409, %exp3A_334 : vector<16xf32>
          %scatter3A_411 = arith.constant 0 : i32
          %scatter3A_412 = arith.constant 0 : i32
          %scatter3A_413 = arith.constant 0 : i32
          %scatter3A_414 = tpu.memref_slice %arg15[%scatter3A_411, %scatter3A_412, %scatter3A_413] : memref<2x80x64xf32, #tpu.memory_space<vmem>> -> memref<1x80x64xf32, #tpu.memory_space<vmem>>
          %scatter3A_415 = tpu.memref_squeeze %scatter3A_414 : memref<1x80x64xf32, #tpu.memory_space<vmem>> -> memref<80x64xf32, #tpu.memory_space<vmem>>
          tpu.vector_store_idx %scatter3A_415[%add3A_266, %add3A_403], %mul3A_410 : memref<80x64xf32, #tpu.memory_space<vmem>>[vector<16xi32>, vector<16xi32>], vector<16xf32>,
          %scan3A_416 = arith.constant 3 : i32
          %scan3A_417 = arith.addi %scan3A_352, %scan3A_416 : i32
          %mul3A_418 = arith.constant 1 : i32
          %mul3A_419 = arith.muli %scan3A_417, %mul3A_418 : i32
          %add3A_420 = arith.constant 0 : i32
          %add3A_421 = arith.addi %add3A_420, %mul3A_419 : i32
          %broadcast_in_dim3A_422 = arith.constant 32 : i32
          %broadcast_in_dim3A_423 = vector.broadcast %broadcast_in_dim3A_422 : i32 to vector<16xi32>
          %add3A_424 = vector.broadcast %add3A_421 : i32 to vector<16xi32>
          %add3A_425 = arith.addi %broadcast_in_dim3A_423, %add3A_424 : vector<16xi32>
          %gather3A_426 = arith.constant 0 : i32
          %gather3A_427 = arith.constant 0 : i32
          %gather3A_428 = arith.constant 0 : i32
          %gather3A_429 = tpu.memref_slice %arg15[%gather3A_426, %gather3A_427, %gather3A_428] : memref<2x80x64xf32, #tpu.memory_space<vmem>> -> memref<1x80x64xf32, #tpu.memory_space<vmem>>
          %gather3A_430 = tpu.memref_squeeze %gather3A_429 : memref<1x80x64xf32, #tpu.memory_space<vmem>> -> memref<80x64xf32, #tpu.memory_space<vmem>>
          %gather3A_431 = tpu.vector_load_idx %gather3A_430[%add3A_266, %add3A_425] : memref<80x64xf32, #tpu.memory_space<vmem>>[vector<16xi32>, vector<16xi32>], vector<16xf32>,
          %mul3A_432 = arith.mulf %gather3A_431, %exp3A_334 : vector<16xf32>
          %scatter3A_433 = arith.constant 0 : i32
          %scatter3A_434 = arith.constant 0 : i32
          %scatter3A_435 = arith.constant 0 : i32
          %scatter3A_436 = tpu.memref_slice %arg15[%scatter3A_433, %scatter3A_434, %scatter3A_435] : memref<2x80x64xf32, #tpu.memory_space<vmem>> -> memref<1x80x64xf32, #tpu.memory_space<vmem>>
          %scatter3A_437 = tpu.memref_squeeze %scatter3A_436 : memref<1x80x64xf32, #tpu.memory_space<vmem>> -> memref<80x64xf32, #tpu.memory_space<vmem>>
          tpu.vector_store_idx %scatter3A_437[%add3A_266, %add3A_425], %mul3A_432 : memref<80x64xf32, #tpu.memory_space<vmem>>[vector<16xi32>, vector<16xi32>], vector<16xf32>,
        }
        %scan3A_351 = arith.constant 32 : i32
      }
      %scan3A_223 = arith.constant 5 : i32
      %run_scoped3A_224 = arith.constant 0 : i32
      %run_scoped3A_225 = arith.constant 0 : i32
      "tpu.region"() ({
        %run_scoped3A_258 = tpu.sem_alloc : memref<!tpu.dma_semaphore, #tpu.memory_space<semaphore_mem>>
        %dma_start3A_259 = arith.constant 0 : i32
        %dma_start3A_260 = arith.constant 0 : i32
        %dma_start3A_261 = tpu.memref_slice %arg15[%run_scoped3A_224, %dma_start3A_259, %dma_start3A_260] : memref<2x80x64xf32, #tpu.memory_space<vmem>> -> memref<1x80x64xf32, #tpu.memory_space<vmem>>
        %dma_start3A_262 = tpu.memref_squeeze %dma_start3A_261 : memref<1x80x64xf32, #tpu.memory_space<vmem>> -> memref<80x64xf32, #tpu.memory_space<vmem>>
        %dma_start3A_263 = arith.constant 0 : i32
        %dma_start3A_264 = tpu.memref_slice %arg13[%run_scoped3A_225, %dma_start3A_263] : memref<2x80xi32, #tpu.memory_space<vmem>> -> memref<1x80xi32, #tpu.memory_space<vmem>>
        %dma_start3A_265 = tpu.memref_squeeze %dma_start3A_264 : memref<1x80xi32, #tpu.memory_space<vmem>> -> memref<80xi32, #tpu.memory_space<vmem>>
        %dma_start3A_266 = arith.constant 0 : i32
        %dma_start3A_267 = arith.constant 0 : i32
        %dma_start3A_268 = tpu.memref_slice %arg17[%dma_start3A_266, %dma_start3A_267] : memref<10240x64xf32, #tpu.memory_space<vmem_shared>> -> memref<10240x64xf32, #tpu.memory_space<vmem_shared>>
        tpu.enqueue_indirect_dma source(%dma_start3A_262 : memref<80x64xf32, #tpu.memory_space<vmem>>) target(%dma_start3A_268 : memref<10240x64xf32, #tpu.memory_space<vmem_shared>>) offsets(%dma_start3A_265 : memref<80xi32, #tpu.memory_space<vmem>>) semaphore(%run_scoped3A_258 : memref<!tpu.dma_semaphore, #tpu.memory_space<semaphore_mem>>) {add = true}
        %dma_wait3A_269 = arith.constant 0 : i32
        %dma_wait3A_270 = arith.constant 0 : i32
        %dma_wait3A_271 = tpu.memref_slice %arg15[%run_scoped3A_224, %dma_wait3A_269, %dma_wait3A_270] : memref<2x80x64xf32, #tpu.memory_space<vmem>> -> memref<1x80x64xf32, #tpu.memory_space<vmem>>
        %dma_wait3A_272 = tpu.memref_squeeze %dma_wait3A_271 : memref<1x80x64xf32, #tpu.memory_space<vmem>> -> memref<80x64xf32, #tpu.memory_space<vmem>>
        %dma_wait3A_273 = arith.constant 0 : i32
        %dma_wait3A_274 = tpu.memref_slice %arg13[%run_scoped3A_225, %dma_wait3A_273] : memref<2x80xi32, #tpu.memory_space<vmem>> -> memref<1x80xi32, #tpu.memory_space<vmem>>
        %dma_wait3A_275 = tpu.memref_squeeze %dma_wait3A_274 : memref<1x80xi32, #tpu.memory_space<vmem>> -> memref<80xi32, #tpu.memory_space<vmem>>
        %dma_wait3A_276 = arith.constant 0 : i32
        %dma_wait3A_277 = arith.constant 0 : i32
        %dma_wait3A_278 = tpu.memref_slice %arg17[%dma_wait3A_276, %dma_wait3A_277] : memref<10240x64xf32, #tpu.memory_space<vmem_shared>> -> memref<10240x64xf32, #tpu.memory_space<vmem_shared>>
        tpu.wait_indirect_dma semaphore(%run_scoped3A_258 : memref<!tpu.dma_semaphore, #tpu.memory_space<semaphore_mem>>) src(%dma_wait3A_272 : memref<80x64xf32, #tpu.memory_space<vmem>>) dst(%dma_wait3A_278 : memref<10240x64xf32, #tpu.memory_space<vmem_shared>>)
        tpu.yield
      }) : () -> ()
      %add3A_226 = arith.constant 2 : i32
      %add3A_227 = arith.addi %add3A_207, %add3A_226 : i32
      %lt3A = arith.constant 250 : i32
      %lt3A_228 = arith.cmpi slt, %add3A_227, %lt3A : i32
      %convert_element_type3A = arith.extui %lt3A_228 : i1 to i32
      %cond3A = arith.constant 0 : i32
      %cond3A_229 = arith.cmpi ne, %convert_element_type3A, %cond3A : i32
      scf.if %cond3A_229 {
        %add3A_258 = arith.constant 2 : i32
        %add3A_259 = arith.addi %add3A_207, %add3A_258 : i32
        %mul3A_260 = arith.constant 20000 : i32
        %mul3A_261 = arith.muli %arg1, %mul3A_260 : i32
        %mul3A_262 = arith.constant 80 : i32
        %mul3A_263 = arith.muli %add3A_259, %mul3A_262 : i32
        %add3A_264 = arith.addi %mul3A_261, %mul3A_263 : i32
        %run_scoped3A_265 = arith.constant 0 : i32
        "tpu.region"() ({
          %run_scoped3A_344 = tpu.sem_alloc : memref<!tpu.dma_semaphore, #tpu.memory_space<semaphore_mem>>
          %dma_start3A_345 = arith.constant 0 : i32
          %dma_start3A_346 = tpu.memref_slice %arg11[%run_scoped3A_265, %dma_start3A_345] : memref<2x80xi32, #tpu.memory_space<vmem>> -> memref<1x80xi32, #tpu.memory_space<vmem>>
          %dma_start3A_347 = tpu.memref_squeeze %dma_start3A_346 : memref<1x80xi32, #tpu.memory_space<vmem>> -> memref<80xi32, #tpu.memory_space<vmem>>
          %dma_start3A_348 = tpu.memref_slice %arg5[%add3A_264] : memref<320000xi32, #tpu.memory_space<hbm>> -> memref<80xi32, #tpu.memory_space<hbm>>
          %dma_start3A_349 = arith.constant 0 : i32
          %dma_start3A_350 = tpu.memref_slice %arg11[%run_scoped3A_265, %dma_start3A_349] : memref<2x80xi32, #tpu.memory_space<vmem>> -> memref<1x80xi32, #tpu.memory_space<vmem>>
          %dma_start3A_351 = tpu.memref_squeeze %dma_start3A_350 : memref<1x80xi32, #tpu.memory_space<vmem>> -> memref<80xi32, #tpu.memory_space<vmem>>
          %dma_start3A_352 = tpu.memref_slice %arg5[%add3A_264] : memref<320000xi32, #tpu.memory_space<hbm>> -> memref<80xi32, #tpu.memory_space<hbm>>
          tpu.enqueue_dma source(%dma_start3A_352 : memref<80xi32, #tpu.memory_space<hbm>>) target(%dma_start3A_351 : memref<80xi32, #tpu.memory_space<vmem>>) target_semaphore(%run_scoped3A_344 : memref<!tpu.dma_semaphore, #tpu.memory_space<semaphore_mem>>)
          %dma_wait3A_353 = arith.constant 0 : i32
          %dma_wait3A_354 = tpu.memref_slice %arg11[%run_scoped3A_265, %dma_wait3A_353] : memref<2x80xi32, #tpu.memory_space<vmem>> -> memref<1x80xi32, #tpu.memory_space<vmem>>
          %dma_wait3A_355 = tpu.memref_squeeze %dma_wait3A_354 : memref<1x80xi32, #tpu.memory_space<vmem>> -> memref<80xi32, #tpu.memory_space<vmem>>
          %dma_wait3A_356 = tpu.memref_slice %arg5[%add3A_264] : memref<320000xi32, #tpu.memory_space<hbm>> -> memref<80xi32, #tpu.memory_space<hbm>>
          %dma_wait3A_357 = arith.constant 0 : i32
          %dma_wait3A_358 = tpu.memref_slice %arg11[%run_scoped3A_265, %dma_wait3A_357] : memref<2x80xi32, #tpu.memory_space<vmem>> -> memref<1x80xi32, #tpu.memory_space<vmem>>
          %dma_wait3A_359 = tpu.memref_squeeze %dma_wait3A_358 : memref<1x80xi32, #tpu.memory_space<vmem>> -> memref<80xi32, #tpu.memory_space<vmem>>
          %dma_wait3A_360 = tpu.memref_slice %arg5[%add3A_264] : memref<320000xi32, #tpu.memory_space<hbm>> -> memref<80xi32, #tpu.memory_space<hbm>>
          tpu.wait_dma2 semaphore(%run_scoped3A_344 : memref<!tpu.dma_semaphore, #tpu.memory_space<semaphore_mem>>) src(%dma_wait3A_360 : memref<80xi32, #tpu.memory_space<hbm>>) dst(%dma_wait3A_359 : memref<80xi32, #tpu.memory_space<vmem>>)
          tpu.yield
        }) : () -> ()
        %run_scoped3A_266 = arith.constant 0 : i32
        "tpu.region"() ({
          %run_scoped3A_344 = tpu.sem_alloc : memref<!tpu.dma_semaphore, #tpu.memory_space<semaphore_mem>>
          %dma_start3A_345 = arith.constant 0 : i32
          %dma_start3A_346 = tpu.memref_slice %arg13[%run_scoped3A_266, %dma_start3A_345] : memref<2x80xi32, #tpu.memory_space<vmem>> -> memref<1x80xi32, #tpu.memory_space<vmem>>
          %dma_start3A_347 = tpu.memref_squeeze %dma_start3A_346 : memref<1x80xi32, #tpu.memory_space<vmem>> -> memref<80xi32, #tpu.memory_space<vmem>>
          %dma_start3A_348 = tpu.memref_slice %arg6[%add3A_264] : memref<320000xi32, #tpu.memory_space<hbm>> -> memref<80xi32, #tpu.memory_space<hbm>>
          %dma_start3A_349 = arith.constant 0 : i32
          %dma_start3A_350 = tpu.memref_slice %arg13[%run_scoped3A_266, %dma_start3A_349] : memref<2x80xi32, #tpu.memory_space<vmem>> -> memref<1x80xi32, #tpu.memory_space<vmem>>
          %dma_start3A_351 = tpu.memref_squeeze %dma_start3A_350 : memref<1x80xi32, #tpu.memory_space<vmem>> -> memref<80xi32, #tpu.memory_space<vmem>>
          %dma_start3A_352 = tpu.memref_slice %arg6[%add3A_264] : memref<320000xi32, #tpu.memory_space<hbm>> -> memref<80xi32, #tpu.memory_space<hbm>>
          tpu.enqueue_dma source(%dma_start3A_352 : memref<80xi32, #tpu.memory_space<hbm>>) target(%dma_start3A_351 : memref<80xi32, #tpu.memory_space<vmem>>) target_semaphore(%run_scoped3A_344 : memref<!tpu.dma_semaphore, #tpu.memory_space<semaphore_mem>>)
          %dma_wait3A_353 = arith.constant 0 : i32
          %dma_wait3A_354 = tpu.memref_slice %arg13[%run_scoped3A_266, %dma_wait3A_353] : memref<2x80xi32, #tpu.memory_space<vmem>> -> memref<1x80xi32, #tpu.memory_space<vmem>>
          %dma_wait3A_355 = tpu.memref_squeeze %dma_wait3A_354 : memref<1x80xi32, #tpu.memory_space<vmem>> -> memref<80xi32, #tpu.memory_space<vmem>>
          %dma_wait3A_356 = tpu.memref_slice %arg6[%add3A_264] : memref<320000xi32, #tpu.memory_space<hbm>> -> memref<80xi32, #tpu.memory_space<hbm>>
          %dma_wait3A_357 = arith.constant 0 : i32
          %dma_wait3A_358 = tpu.memref_slice %arg13[%run_scoped3A_266, %dma_wait3A_357] : memref<2x80xi32, #tpu.memory_space<vmem>> -> memref<1x80xi32, #tpu.memory_space<vmem>>
          %dma_wait3A_359 = tpu.memref_squeeze %dma_wait3A_358 : memref<1x80xi32, #tpu.memory_space<vmem>> -> memref<80xi32, #tpu.memory_space<vmem>>
          %dma_wait3A_360 = tpu.memref_slice %arg6[%add3A_264] : memref<320000xi32, #tpu.memory_space<hbm>> -> memref<80xi32, #tpu.memory_space<hbm>>
          tpu.wait_dma2 semaphore(%run_scoped3A_344 : memref<!tpu.dma_semaphore, #tpu.memory_space<semaphore_mem>>) src(%dma_wait3A_360 : memref<80xi32, #tpu.memory_space<hbm>>) dst(%dma_wait3A_359 : memref<80xi32, #tpu.memory_space<vmem>>)
          tpu.yield
        }) : () -> ()
        %get3A_267 = arith.constant 0 : i32
        %get3A_268 = arith.index_cast %get3A_267 : i32 to index
        %get3A_269 = arith.constant 0 : index
        %get3A_270 = tpu.vector_load %arg11[%get3A_268, %get3A_269] {strides = array<i32>} : memref<2x80xi32, #tpu.memory_space<vmem>>, vector<16xi32>,
        %mul3A_271 = arith.constant 2 : i32
        %mul3A_272 = vector.broadcast %mul3A_271 : i32 to vector<16xi32>
        %mul3A_273 = arith.muli %get3A_270, %mul3A_272 : vector<16xi32>
        %add3A_274 = vector.broadcast %arg0 : i32 to vector<16xi32>
        %add3A_275 = arith.addi %mul3A_273, %add3A_274 : vector<16xi32>
        %swap3A_276 = arith.constant 0 : i32
        %swap3A_277 = arith.index_cast %swap3A_276 : i32 to index
        %swap3A_278 = arith.constant 0 : index
        %swap3A_279 = tpu.vector_load %arg12[%swap3A_277, %swap3A_278] {strides = array<i32>} : memref<2x80xi32, #tpu.memory_space<vmem>>, vector<16xi32>,
        tpu.vector_store %arg12[%swap3A_277, %swap3A_278], %add3A_275 {strides = array<i32>} : memref<2x80xi32, #tpu.memory_space<vmem>>, vector<16xi32>,
        %get3A_280 = arith.constant 0 : i32
        %get3A_281 = arith.index_cast %get3A_280 : i32 to index
        %get3A_282 = arith.constant 16 : index
        %get3A_283 = tpu.vector_load %arg11[%get3A_281, %get3A_282] {strides = array<i32>} : memref<2x80xi32, #tpu.memory_space<vmem>>, vector<16xi32>,
        %mul3A_284 = arith.constant 2 : i32
        %mul3A_285 = vector.broadcast %mul3A_284 : i32 to vector<16xi32>
        %mul3A_286 = arith.muli %get3A_283, %mul3A_285 : vector<16xi32>
        %add3A_287 = vector.broadcast %arg0 : i32 to vector<16xi32>
        %add3A_288 = arith.addi %mul3A_286, %add3A_287 : vector<16xi32>
        %swap3A_289 = arith.constant 0 : i32
        %swap3A_290 = arith.index_cast %swap3A_289 : i32 to index
        %swap3A_291 = arith.constant 16 : index
        %swap3A_292 = tpu.vector_load %arg12[%swap3A_290, %swap3A_291] {strides = array<i32>} : memref<2x80xi32, #tpu.memory_space<vmem>>, vector<16xi32>,
        tpu.vector_store %arg12[%swap3A_290, %swap3A_291], %add3A_288 {strides = array<i32>} : memref<2x80xi32, #tpu.memory_space<vmem>>, vector<16xi32>,
        %get3A_293 = arith.constant 0 : i32
        %get3A_294 = arith.index_cast %get3A_293 : i32 to index
        %get3A_295 = arith.constant 32 : index
        %get3A_296 = tpu.vector_load %arg11[%get3A_294, %get3A_295] {strides = array<i32>} : memref<2x80xi32, #tpu.memory_space<vmem>>, vector<16xi32>,
        %mul3A_297 = arith.constant 2 : i32
        %mul3A_298 = vector.broadcast %mul3A_297 : i32 to vector<16xi32>
        %mul3A_299 = arith.muli %get3A_296, %mul3A_298 : vector<16xi32>
        %add3A_300 = vector.broadcast %arg0 : i32 to vector<16xi32>
        %add3A_301 = arith.addi %mul3A_299, %add3A_300 : vector<16xi32>
        %swap3A_302 = arith.constant 0 : i32
        %swap3A_303 = arith.index_cast %swap3A_302 : i32 to index
        %swap3A_304 = arith.constant 32 : index
        %swap3A_305 = tpu.vector_load %arg12[%swap3A_303, %swap3A_304] {strides = array<i32>} : memref<2x80xi32, #tpu.memory_space<vmem>>, vector<16xi32>,
        tpu.vector_store %arg12[%swap3A_303, %swap3A_304], %add3A_301 {strides = array<i32>} : memref<2x80xi32, #tpu.memory_space<vmem>>, vector<16xi32>,
        %get3A_306 = arith.constant 0 : i32
        %get3A_307 = arith.index_cast %get3A_306 : i32 to index
        %get3A_308 = arith.constant 48 : index
        %get3A_309 = tpu.vector_load %arg11[%get3A_307, %get3A_308] {strides = array<i32>} : memref<2x80xi32, #tpu.memory_space<vmem>>, vector<16xi32>,
        %mul3A_310 = arith.constant 2 : i32
        %mul3A_311 = vector.broadcast %mul3A_310 : i32 to vector<16xi32>
        %mul3A_312 = arith.muli %get3A_309, %mul3A_311 : vector<16xi32>
        %add3A_313 = vector.broadcast %arg0 : i32 to vector<16xi32>
        %add3A_314 = arith.addi %mul3A_312, %add3A_313 : vector<16xi32>
        %swap3A_315 = arith.constant 0 : i32
        %swap3A_316 = arith.index_cast %swap3A_315 : i32 to index
        %swap3A_317 = arith.constant 48 : index
        %swap3A_318 = tpu.vector_load %arg12[%swap3A_316, %swap3A_317] {strides = array<i32>} : memref<2x80xi32, #tpu.memory_space<vmem>>, vector<16xi32>,
        tpu.vector_store %arg12[%swap3A_316, %swap3A_317], %add3A_314 {strides = array<i32>} : memref<2x80xi32, #tpu.memory_space<vmem>>, vector<16xi32>,
        %get3A_319 = arith.constant 0 : i32
        %get3A_320 = arith.index_cast %get3A_319 : i32 to index
        %get3A_321 = arith.constant 64 : index
        %get3A_322 = tpu.vector_load %arg11[%get3A_320, %get3A_321] {strides = array<i32>} : memref<2x80xi32, #tpu.memory_space<vmem>>, vector<16xi32>,
        %mul3A_323 = arith.constant 2 : i32
        %mul3A_324 = vector.broadcast %mul3A_323 : i32 to vector<16xi32>
        %mul3A_325 = arith.muli %get3A_322, %mul3A_324 : vector<16xi32>
        %add3A_326 = vector.broadcast %arg0 : i32 to vector<16xi32>
        %add3A_327 = arith.addi %mul3A_325, %add3A_326 : vector<16xi32>
        %swap3A_328 = arith.constant 0 : i32
        %swap3A_329 = arith.index_cast %swap3A_328 : i32 to index
        %swap3A_330 = arith.constant 64 : index
        %swap3A_331 = tpu.vector_load %arg12[%swap3A_329, %swap3A_330] {strides = array<i32>} : memref<2x80xi32, #tpu.memory_space<vmem>>, vector<16xi32>,
        tpu.vector_store %arg12[%swap3A_329, %swap3A_330], %add3A_327 {strides = array<i32>} : memref<2x80xi32, #tpu.memory_space<vmem>>, vector<16xi32>,
        %dma_start3A_332 = arith.constant 0 : i32
        %dma_start3A_333 = arith.constant 0 : i32
        %dma_start3A_334 = arith.constant 0 : i32
        %dma_start3A_335 = arith.constant 0 : i32
        %dma_start3A_336 = tpu.memref_slice %arg15[%dma_start3A_333, %dma_start3A_334, %dma_start3A_335] : memref<2x80x64xf32, #tpu.memory_space<vmem>> -> memref<1x80x64xf32, #tpu.memory_space<vmem>>
        %dma_start3A_337 = tpu.memref_squeeze %dma_start3A_336 : memref<1x80x64xf32, #tpu.memory_space<vmem>> -> memref<80x64xf32, #tpu.memory_space<vmem>>
        %dma_start3A_338 = arith.constant 0 : i32
        %dma_start3A_339 = tpu.memref_slice %arg12[%dma_start3A_332, %dma_start3A_338] : memref<2x80xi32, #tpu.memory_space<vmem>> -> memref<1x80xi32, #tpu.memory_space<vmem>>
        %dma_start3A_340 = tpu.memref_squeeze %dma_start3A_339 : memref<1x80xi32, #tpu.memory_space<vmem>> -> memref<80xi32, #tpu.memory_space<vmem>>
        %dma_start3A_341 = arith.constant 0 : i32
        %dma_start3A_342 = arith.constant 0 : i32
        %dma_start3A_343 = tpu.memref_slice %arg2[%dma_start3A_341, %dma_start3A_342] : memref<20000x64xf32, #tpu.memory_space<hbm>> -> memref<20000x64xf32, #tpu.memory_space<hbm>>
        tpu.enqueue_indirect_dma source(%dma_start3A_343 : memref<20000x64xf32, #tpu.memory_space<hbm>>) target(%dma_start3A_337 : memref<80x64xf32, #tpu.memory_space<vmem>>) offsets(%dma_start3A_340 : memref<80xi32, #tpu.memory_space<vmem>>) semaphore(%arg19 : memref<!tpu.dma_semaphore, #tpu.memory_space<semaphore_mem>>)
      } else {
      }
      %add3A_230 = arith.constant 1 : i32
      %add3A_231 = arith.addi %add3A_205, %add3A_230 : i32
      %dma_wait3A_232 = arith.constant 1 : i32
      %dma_wait3A_233 = arith.constant 1 : i32
      %dma_wait3A_234 = arith.constant 0 : i32
      %dma_wait3A_235 = arith.constant 0 : i32
      %dma_wait3A_236 = tpu.memref_slice %arg15[%dma_wait3A_233, %dma_wait3A_234, %dma_wait3A_235] : memref<2x80x64xf32, #tpu.memory_space<vmem>> -> memref<1x80x64xf32, #tpu.memory_space<vmem>>
      %dma_wait3A_237 = tpu.memref_squeeze %dma_wait3A_236 : memref<1x80x64xf32, #tpu.memory_space<vmem>> -> memref<80x64xf32, #tpu.memory_space<vmem>>
      %dma_wait3A_238 = arith.constant 0 : i32
      %dma_wait3A_239 = tpu.memref_slice %arg12[%dma_wait3A_232, %dma_wait3A_238] : memref<2x80xi32, #tpu.memory_space<vmem>> -> memref<1x80xi32, #tpu.memory_space<vmem>>
      %dma_wait3A_240 = tpu.memref_squeeze %dma_wait3A_239 : memref<1x80xi32, #tpu.memory_space<vmem>> -> memref<80xi32, #tpu.memory_space<vmem>>
      %dma_wait3A_241 = arith.constant 0 : i32
      %dma_wait3A_242 = arith.constant 0 : i32
      %dma_wait3A_243 = tpu.memref_slice %arg2[%dma_wait3A_241, %dma_wait3A_242] : memref<20000x64xf32, #tpu.memory_space<hbm>> -> memref<20000x64xf32, #tpu.memory_space<hbm>>
      tpu.wait_indirect_dma semaphore(%arg20 : memref<!tpu.dma_semaphore, #tpu.memory_space<semaphore_mem>>) src(%dma_wait3A_243 : memref<20000x64xf32, #tpu.memory_space<hbm>>) dst(%dma_wait3A_237 : memref<80x64xf32, #tpu.memory_space<vmem>>)
      %scan3A_244 = arith.constant 0 : i32
      %scan3A_245 = arith.constant 5 : i32
      %scan3A_246 = arith.addi %scan3A_244, %scan3A_245 : i32
      %scan3A_247 = arith.constant 1 : i32
      scf.for %scan3A_258 = %scan3A_244 to %scan3A_246 step %scan3A_247  : i32 {
        %mul3A_259 = arith.constant 1 : i32
        %mul3A_260 = arith.muli %scan3A_258, %mul3A_259 : i32
        %add3A_261 = arith.constant 0 : i32
        %add3A_262 = arith.addi %add3A_261, %mul3A_260 : i32
        %mul3A_263 = arith.constant 16 : i32
        %mul3A_264 = arith.muli %add3A_262, %mul3A_263 : i32
        %add3A_265 = vector.broadcast %mul3A_264 : i32 to vector<16xi32>
        %add3A_266 = arith.addi %iota3A, %add3A_265 : vector<16xi32>
        %mul3A_267 = arith.constant 16 : i32
        %mul3A_268 = arith.muli %add3A_262, %mul3A_267 : i32
        %get3A_269 = arith.constant 1 : i32
        %get3A_270 = arith.index_cast %get3A_269 : i32 to index
        %get3A_271 = arith.index_cast %mul3A_268 : i32 to index
        %get3A_272 = tpu.vector_load %arg11[%get3A_270, %get3A_271] {strides = array<i32>} : memref<2x80xi32, #tpu.memory_space<vmem>>, vector<16xi32>,
        %mul3A_273 = arith.constant 16 : i32
        %mul3A_274 = arith.muli %add3A_262, %mul3A_273 : i32
        %get3A_275 = arith.constant 1 : i32
        %get3A_276 = arith.index_cast %get3A_275 : i32 to index
        %get3A_277 = arith.index_cast %mul3A_274 : i32 to index
        %get3A_278 = tpu.vector_load %arg13[%get3A_276, %get3A_277] {strides = array<i32>} : memref<2x80xi32, #tpu.memory_space<vmem>>, vector<16xi32>,
        %mul3A_279 = arith.constant 2 : i32
        %mul3A_280 = vector.broadcast %mul3A_279 : i32 to vector<16xi32>
        %mul3A_281 = arith.muli %get3A_272, %mul3A_280 : vector<16xi32>
        %add3A_282 = arith.constant 0 : i32
        %add3A_283 = vector.broadcast %add3A_282 : i32 to vector<16xi32>
        %add3A_284 = arith.addi %mul3A_281, %add3A_283 : vector<16xi32>
        %gather3A = tpu.vector_load_idx %arg9[%add3A_284] : memref<20000xf32, #tpu.memory_space<vmem>>[vector<16xi32>], vector<16xf32>,
        %mul3A_285 = arith.constant 2 : i32
        %mul3A_286 = vector.broadcast %mul3A_285 : i32 to vector<16xi32>
        %mul3A_287 = arith.muli %get3A_278, %mul3A_286 : vector<16xi32>
        %add3A_288 = arith.constant 0 : i32
        %add3A_289 = vector.broadcast %add3A_288 : i32 to vector<16xi32>
        %add3A_290 = arith.addi %mul3A_287, %add3A_289 : vector<16xi32>
        %gather3A_291 = tpu.vector_load_idx %arg10[%add3A_290] : memref<20000xf32, #tpu.memory_space<vmem>>[vector<16xi32>], vector<16xf32>,
        %add3A_292 = arith.addf %gather3A, %gather3A_291 : vector<16xf32>
        %ge3A = arith.constant 0.000000e+00 : f32
        %ge3A_293 = vector.broadcast %ge3A : f32 to vector<16xf32>
        %ge3A_294 = arith.cmpf oge, %add3A_292, %ge3A_293 : vector<16xf32>
        %mul3A_295 = arith.constant 2.000000e-01 : f32
        %mul3A_296 = vector.broadcast %mul3A_295 : f32 to vector<16xf32>
        %mul3A_297 = arith.mulf %add3A_292, %mul3A_296 : vector<16xf32>
        %select_n3A = arith.select %ge3A_294, %add3A_292, %mul3A_297 : vector<16xi1>, vector<16xf32>
        %exp3A = math.exp %select_n3A : vector<16xf32>
        %shift_right_logical3A = arith.constant 4 : i32
        %shift_right_logical3A_298 = vector.broadcast %shift_right_logical3A : i32 to vector<16xi32>
        %shift_right_logical3A_299 = arith.shrui %get3A_278, %shift_right_logical3A_298 : vector<16xi32>
        %and3A = arith.constant 15 : i32
        %and3A_300 = vector.broadcast %and3A : i32 to vector<16xi32>
        %and3A_301 = arith.andi %get3A_278, %and3A_300 : vector<16xi32>
        %shift_left3A = arith.constant 1 : i32
        %shift_left3A_302 = vector.broadcast %shift_left3A : i32 to vector<16xi32>
        %shift_left3A_303 = arith.shli %and3A_301, %shift_left3A_302 : vector<16xi32>
        %add3A_304 = arith.constant 0 : i32
        %add3A_305 = vector.broadcast %add3A_304 : i32 to vector<16xi32>
        %add3A_306 = arith.addi %shift_left3A_303, %add3A_305 : vector<16xi32>
        tpu.vector_store_idx %arg16[%shift_right_logical3A_299, %add3A_306], %exp3A {add = true} : memref<640x32xf32, #tpu.memory_space<vmem>>[vector<16xi32>, vector<16xi32>], vector<16xf32>,
        %scan3A_307 = arith.constant 0 : i32
        %scan3A_308 = arith.constant 32 : i32
        %scan3A_309 = arith.addi %scan3A_307, %scan3A_308 : i32
        %scan3A_310 = arith.constant 4 : i32
        scf.for %scan3A_352 = %scan3A_307 to %scan3A_309 step %scan3A_310  : i32 {
          %mul3A_353 = arith.constant 1 : i32
          %mul3A_354 = arith.muli %scan3A_352, %mul3A_353 : i32
          %add3A_355 = arith.constant 0 : i32
          %add3A_356 = arith.addi %add3A_355, %mul3A_354 : i32
          %broadcast_in_dim3A_357 = arith.constant 0 : i32
          %broadcast_in_dim3A_358 = vector.broadcast %broadcast_in_dim3A_357 : i32 to vector<16xi32>
          %add3A_359 = vector.broadcast %add3A_356 : i32 to vector<16xi32>
          %add3A_360 = arith.addi %broadcast_in_dim3A_358, %add3A_359 : vector<16xi32>
          %gather3A_361 = arith.constant 1 : i32
          %gather3A_362 = arith.constant 0 : i32
          %gather3A_363 = arith.constant 0 : i32
          %gather3A_364 = tpu.memref_slice %arg15[%gather3A_361, %gather3A_362, %gather3A_363] : memref<2x80x64xf32, #tpu.memory_space<vmem>> -> memref<1x80x64xf32, #tpu.memory_space<vmem>>
          %gather3A_365 = tpu.memref_squeeze %gather3A_364 : memref<1x80x64xf32, #tpu.memory_space<vmem>> -> memref<80x64xf32, #tpu.memory_space<vmem>>
          %gather3A_366 = tpu.vector_load_idx %gather3A_365[%add3A_266, %add3A_360] : memref<80x64xf32, #tpu.memory_space<vmem>>[vector<16xi32>, vector<16xi32>], vector<16xf32>,
          %mul3A_367 = arith.mulf %gather3A_366, %exp3A : vector<16xf32>
          %scatter3A = arith.constant 1 : i32
          %scatter3A_368 = arith.constant 0 : i32
          %scatter3A_369 = arith.constant 0 : i32
          %scatter3A_370 = tpu.memref_slice %arg15[%scatter3A, %scatter3A_368, %scatter3A_369] : memref<2x80x64xf32, #tpu.memory_space<vmem>> -> memref<1x80x64xf32, #tpu.memory_space<vmem>>
          %scatter3A_371 = tpu.memref_squeeze %scatter3A_370 : memref<1x80x64xf32, #tpu.memory_space<vmem>> -> memref<80x64xf32, #tpu.memory_space<vmem>>
          tpu.vector_store_idx %scatter3A_371[%add3A_266, %add3A_360], %mul3A_367 : memref<80x64xf32, #tpu.memory_space<vmem>>[vector<16xi32>, vector<16xi32>], vector<16xf32>,
          %scan3A_372 = arith.constant 1 : i32
          %scan3A_373 = arith.addi %scan3A_352, %scan3A_372 : i32
          %mul3A_374 = arith.constant 1 : i32
          %mul3A_375 = arith.muli %scan3A_373, %mul3A_374 : i32
          %add3A_376 = arith.constant 0 : i32
          %add3A_377 = arith.addi %add3A_376, %mul3A_375 : i32
          %broadcast_in_dim3A_378 = arith.constant 0 : i32
          %broadcast_in_dim3A_379 = vector.broadcast %broadcast_in_dim3A_378 : i32 to vector<16xi32>
          %add3A_380 = vector.broadcast %add3A_377 : i32 to vector<16xi32>
          %add3A_381 = arith.addi %broadcast_in_dim3A_379, %add3A_380 : vector<16xi32>
          %gather3A_382 = arith.constant 1 : i32
          %gather3A_383 = arith.constant 0 : i32
          %gather3A_384 = arith.constant 0 : i32
          %gather3A_385 = tpu.memref_slice %arg15[%gather3A_382, %gather3A_383, %gather3A_384] : memref<2x80x64xf32, #tpu.memory_space<vmem>> -> memref<1x80x64xf32, #tpu.memory_space<vmem>>
          %gather3A_386 = tpu.memref_squeeze %gather3A_385 : memref<1x80x64xf32, #tpu.memory_space<vmem>> -> memref<80x64xf32, #tpu.memory_space<vmem>>
          %gather3A_387 = tpu.vector_load_idx %gather3A_386[%add3A_266, %add3A_381] : memref<80x64xf32, #tpu.memory_space<vmem>>[vector<16xi32>, vector<16xi32>], vector<16xf32>,
          %mul3A_388 = arith.mulf %gather3A_387, %exp3A : vector<16xf32>
          %scatter3A_389 = arith.constant 1 : i32
          %scatter3A_390 = arith.constant 0 : i32
          %scatter3A_391 = arith.constant 0 : i32
          %scatter3A_392 = tpu.memref_slice %arg15[%scatter3A_389, %scatter3A_390, %scatter3A_391] : memref<2x80x64xf32, #tpu.memory_space<vmem>> -> memref<1x80x64xf32, #tpu.memory_space<vmem>>
          %scatter3A_393 = tpu.memref_squeeze %scatter3A_392 : memref<1x80x64xf32, #tpu.memory_space<vmem>> -> memref<80x64xf32, #tpu.memory_space<vmem>>
          tpu.vector_store_idx %scatter3A_393[%add3A_266, %add3A_381], %mul3A_388 : memref<80x64xf32, #tpu.memory_space<vmem>>[vector<16xi32>, vector<16xi32>], vector<16xf32>,
          %scan3A_394 = arith.constant 2 : i32
          %scan3A_395 = arith.addi %scan3A_352, %scan3A_394 : i32
          %mul3A_396 = arith.constant 1 : i32
          %mul3A_397 = arith.muli %scan3A_395, %mul3A_396 : i32
          %add3A_398 = arith.constant 0 : i32
          %add3A_399 = arith.addi %add3A_398, %mul3A_397 : i32
          %broadcast_in_dim3A_400 = arith.constant 0 : i32
          %broadcast_in_dim3A_401 = vector.broadcast %broadcast_in_dim3A_400 : i32 to vector<16xi32>
          %add3A_402 = vector.broadcast %add3A_399 : i32 to vector<16xi32>
          %add3A_403 = arith.addi %broadcast_in_dim3A_401, %add3A_402 : vector<16xi32>
          %gather3A_404 = arith.constant 1 : i32
          %gather3A_405 = arith.constant 0 : i32
          %gather3A_406 = arith.constant 0 : i32
          %gather3A_407 = tpu.memref_slice %arg15[%gather3A_404, %gather3A_405, %gather3A_406] : memref<2x80x64xf32, #tpu.memory_space<vmem>> -> memref<1x80x64xf32, #tpu.memory_space<vmem>>
          %gather3A_408 = tpu.memref_squeeze %gather3A_407 : memref<1x80x64xf32, #tpu.memory_space<vmem>> -> memref<80x64xf32, #tpu.memory_space<vmem>>
          %gather3A_409 = tpu.vector_load_idx %gather3A_408[%add3A_266, %add3A_403] : memref<80x64xf32, #tpu.memory_space<vmem>>[vector<16xi32>, vector<16xi32>], vector<16xf32>,
          %mul3A_410 = arith.mulf %gather3A_409, %exp3A : vector<16xf32>
          %scatter3A_411 = arith.constant 1 : i32
          %scatter3A_412 = arith.constant 0 : i32
          %scatter3A_413 = arith.constant 0 : i32
          %scatter3A_414 = tpu.memref_slice %arg15[%scatter3A_411, %scatter3A_412, %scatter3A_413] : memref<2x80x64xf32, #tpu.memory_space<vmem>> -> memref<1x80x64xf32, #tpu.memory_space<vmem>>
          %scatter3A_415 = tpu.memref_squeeze %scatter3A_414 : memref<1x80x64xf32, #tpu.memory_space<vmem>> -> memref<80x64xf32, #tpu.memory_space<vmem>>
          tpu.vector_store_idx %scatter3A_415[%add3A_266, %add3A_403], %mul3A_410 : memref<80x64xf32, #tpu.memory_space<vmem>>[vector<16xi32>, vector<16xi32>], vector<16xf32>,
          %scan3A_416 = arith.constant 3 : i32
          %scan3A_417 = arith.addi %scan3A_352, %scan3A_416 : i32
          %mul3A_418 = arith.constant 1 : i32
          %mul3A_419 = arith.muli %scan3A_417, %mul3A_418 : i32
          %add3A_420 = arith.constant 0 : i32
          %add3A_421 = arith.addi %add3A_420, %mul3A_419 : i32
          %broadcast_in_dim3A_422 = arith.constant 0 : i32
          %broadcast_in_dim3A_423 = vector.broadcast %broadcast_in_dim3A_422 : i32 to vector<16xi32>
          %add3A_424 = vector.broadcast %add3A_421 : i32 to vector<16xi32>
          %add3A_425 = arith.addi %broadcast_in_dim3A_423, %add3A_424 : vector<16xi32>
          %gather3A_426 = arith.constant 1 : i32
          %gather3A_427 = arith.constant 0 : i32
          %gather3A_428 = arith.constant 0 : i32
          %gather3A_429 = tpu.memref_slice %arg15[%gather3A_426, %gather3A_427, %gather3A_428] : memref<2x80x64xf32, #tpu.memory_space<vmem>> -> memref<1x80x64xf32, #tpu.memory_space<vmem>>
          %gather3A_430 = tpu.memref_squeeze %gather3A_429 : memref<1x80x64xf32, #tpu.memory_space<vmem>> -> memref<80x64xf32, #tpu.memory_space<vmem>>
          %gather3A_431 = tpu.vector_load_idx %gather3A_430[%add3A_266, %add3A_425] : memref<80x64xf32, #tpu.memory_space<vmem>>[vector<16xi32>, vector<16xi32>], vector<16xf32>,
          %mul3A_432 = arith.mulf %gather3A_431, %exp3A : vector<16xf32>
          %scatter3A_433 = arith.constant 1 : i32
          %scatter3A_434 = arith.constant 0 : i32
          %scatter3A_435 = arith.constant 0 : i32
          %scatter3A_436 = tpu.memref_slice %arg15[%scatter3A_433, %scatter3A_434, %scatter3A_435] : memref<2x80x64xf32, #tpu.memory_space<vmem>> -> memref<1x80x64xf32, #tpu.memory_space<vmem>>
          %scatter3A_437 = tpu.memref_squeeze %scatter3A_436 : memref<1x80x64xf32, #tpu.memory_space<vmem>> -> memref<80x64xf32, #tpu.memory_space<vmem>>
          tpu.vector_store_idx %scatter3A_437[%add3A_266, %add3A_425], %mul3A_432 : memref<80x64xf32, #tpu.memory_space<vmem>>[vector<16xi32>, vector<16xi32>], vector<16xf32>,
        }
        %scan3A_311 = arith.constant 32 : i32
        %mul3A_312 = arith.constant 2 : i32
        %mul3A_313 = vector.broadcast %mul3A_312 : i32 to vector<16xi32>
        %mul3A_314 = arith.muli %get3A_272, %mul3A_313 : vector<16xi32>
        %add3A_315 = arith.constant 1 : i32
        %add3A_316 = vector.broadcast %add3A_315 : i32 to vector<16xi32>
        %add3A_317 = arith.addi %mul3A_314, %add3A_316 : vector<16xi32>
        %gather3A_318 = tpu.vector_load_idx %arg9[%add3A_317] : memref<20000xf32, #tpu.memory_space<vmem>>[vector<16xi32>], vector<16xf32>,
        %mul3A_319 = arith.constant 2 : i32
        %mul3A_320 = vector.broadcast %mul3A_319 : i32 to vector<16xi32>
        %mul3A_321 = arith.muli %get3A_278, %mul3A_320 : vector<16xi32>
        %add3A_322 = arith.constant 1 : i32
        %add3A_323 = vector.broadcast %add3A_322 : i32 to vector<16xi32>
        %add3A_324 = arith.addi %mul3A_321, %add3A_323 : vector<16xi32>
        %gather3A_325 = tpu.vector_load_idx %arg10[%add3A_324] : memref<20000xf32, #tpu.memory_space<vmem>>[vector<16xi32>], vector<16xf32>,
        %add3A_326 = arith.addf %gather3A_318, %gather3A_325 : vector<16xf32>
        %ge3A_327 = arith.constant 0.000000e+00 : f32
        %ge3A_328 = vector.broadcast %ge3A_327 : f32 to vector<16xf32>
        %ge3A_329 = arith.cmpf oge, %add3A_326, %ge3A_328 : vector<16xf32>
        %mul3A_330 = arith.constant 2.000000e-01 : f32
        %mul3A_331 = vector.broadcast %mul3A_330 : f32 to vector<16xf32>
        %mul3A_332 = arith.mulf %add3A_326, %mul3A_331 : vector<16xf32>
        %select_n3A_333 = arith.select %ge3A_329, %add3A_326, %mul3A_332 : vector<16xi1>, vector<16xf32>
        %exp3A_334 = math.exp %select_n3A_333 : vector<16xf32>
        %shift_right_logical3A_335 = arith.constant 4 : i32
        %shift_right_logical3A_336 = vector.broadcast %shift_right_logical3A_335 : i32 to vector<16xi32>
        %shift_right_logical3A_337 = arith.shrui %get3A_278, %shift_right_logical3A_336 : vector<16xi32>
        %and3A_338 = arith.constant 15 : i32
        %and3A_339 = vector.broadcast %and3A_338 : i32 to vector<16xi32>
        %and3A_340 = arith.andi %get3A_278, %and3A_339 : vector<16xi32>
        %shift_left3A_341 = arith.constant 1 : i32
        %shift_left3A_342 = vector.broadcast %shift_left3A_341 : i32 to vector<16xi32>
        %shift_left3A_343 = arith.shli %and3A_340, %shift_left3A_342 : vector<16xi32>
        %add3A_344 = arith.constant 1 : i32
        %add3A_345 = vector.broadcast %add3A_344 : i32 to vector<16xi32>
        %add3A_346 = arith.addi %shift_left3A_343, %add3A_345 : vector<16xi32>
        tpu.vector_store_idx %arg16[%shift_right_logical3A_337, %add3A_346], %exp3A_334 {add = true} : memref<640x32xf32, #tpu.memory_space<vmem>>[vector<16xi32>, vector<16xi32>], vector<16xf32>,
        %scan3A_347 = arith.constant 0 : i32
        %scan3A_348 = arith.constant 32 : i32
        %scan3A_349 = arith.addi %scan3A_347, %scan3A_348 : i32
        %scan3A_350 = arith.constant 4 : i32
        scf.for %scan3A_352 = %scan3A_347 to %scan3A_349 step %scan3A_350  : i32 {
          %mul3A_353 = arith.constant 1 : i32
          %mul3A_354 = arith.muli %scan3A_352, %mul3A_353 : i32
          %add3A_355 = arith.constant 0 : i32
          %add3A_356 = arith.addi %add3A_355, %mul3A_354 : i32
          %broadcast_in_dim3A_357 = arith.constant 32 : i32
          %broadcast_in_dim3A_358 = vector.broadcast %broadcast_in_dim3A_357 : i32 to vector<16xi32>
          %add3A_359 = vector.broadcast %add3A_356 : i32 to vector<16xi32>
          %add3A_360 = arith.addi %broadcast_in_dim3A_358, %add3A_359 : vector<16xi32>
          %gather3A_361 = arith.constant 1 : i32
          %gather3A_362 = arith.constant 0 : i32
          %gather3A_363 = arith.constant 0 : i32
          %gather3A_364 = tpu.memref_slice %arg15[%gather3A_361, %gather3A_362, %gather3A_363] : memref<2x80x64xf32, #tpu.memory_space<vmem>> -> memref<1x80x64xf32, #tpu.memory_space<vmem>>
          %gather3A_365 = tpu.memref_squeeze %gather3A_364 : memref<1x80x64xf32, #tpu.memory_space<vmem>> -> memref<80x64xf32, #tpu.memory_space<vmem>>
          %gather3A_366 = tpu.vector_load_idx %gather3A_365[%add3A_266, %add3A_360] : memref<80x64xf32, #tpu.memory_space<vmem>>[vector<16xi32>, vector<16xi32>], vector<16xf32>,
          %mul3A_367 = arith.mulf %gather3A_366, %exp3A_334 : vector<16xf32>
          %scatter3A = arith.constant 1 : i32
          %scatter3A_368 = arith.constant 0 : i32
          %scatter3A_369 = arith.constant 0 : i32
          %scatter3A_370 = tpu.memref_slice %arg15[%scatter3A, %scatter3A_368, %scatter3A_369] : memref<2x80x64xf32, #tpu.memory_space<vmem>> -> memref<1x80x64xf32, #tpu.memory_space<vmem>>
          %scatter3A_371 = tpu.memref_squeeze %scatter3A_370 : memref<1x80x64xf32, #tpu.memory_space<vmem>> -> memref<80x64xf32, #tpu.memory_space<vmem>>
          tpu.vector_store_idx %scatter3A_371[%add3A_266, %add3A_360], %mul3A_367 : memref<80x64xf32, #tpu.memory_space<vmem>>[vector<16xi32>, vector<16xi32>], vector<16xf32>,
          %scan3A_372 = arith.constant 1 : i32
          %scan3A_373 = arith.addi %scan3A_352, %scan3A_372 : i32
          %mul3A_374 = arith.constant 1 : i32
          %mul3A_375 = arith.muli %scan3A_373, %mul3A_374 : i32
          %add3A_376 = arith.constant 0 : i32
          %add3A_377 = arith.addi %add3A_376, %mul3A_375 : i32
          %broadcast_in_dim3A_378 = arith.constant 32 : i32
          %broadcast_in_dim3A_379 = vector.broadcast %broadcast_in_dim3A_378 : i32 to vector<16xi32>
          %add3A_380 = vector.broadcast %add3A_377 : i32 to vector<16xi32>
          %add3A_381 = arith.addi %broadcast_in_dim3A_379, %add3A_380 : vector<16xi32>
          %gather3A_382 = arith.constant 1 : i32
          %gather3A_383 = arith.constant 0 : i32
          %gather3A_384 = arith.constant 0 : i32
          %gather3A_385 = tpu.memref_slice %arg15[%gather3A_382, %gather3A_383, %gather3A_384] : memref<2x80x64xf32, #tpu.memory_space<vmem>> -> memref<1x80x64xf32, #tpu.memory_space<vmem>>
          %gather3A_386 = tpu.memref_squeeze %gather3A_385 : memref<1x80x64xf32, #tpu.memory_space<vmem>> -> memref<80x64xf32, #tpu.memory_space<vmem>>
          %gather3A_387 = tpu.vector_load_idx %gather3A_386[%add3A_266, %add3A_381] : memref<80x64xf32, #tpu.memory_space<vmem>>[vector<16xi32>, vector<16xi32>], vector<16xf32>,
          %mul3A_388 = arith.mulf %gather3A_387, %exp3A_334 : vector<16xf32>
          %scatter3A_389 = arith.constant 1 : i32
          %scatter3A_390 = arith.constant 0 : i32
          %scatter3A_391 = arith.constant 0 : i32
          %scatter3A_392 = tpu.memref_slice %arg15[%scatter3A_389, %scatter3A_390, %scatter3A_391] : memref<2x80x64xf32, #tpu.memory_space<vmem>> -> memref<1x80x64xf32, #tpu.memory_space<vmem>>
          %scatter3A_393 = tpu.memref_squeeze %scatter3A_392 : memref<1x80x64xf32, #tpu.memory_space<vmem>> -> memref<80x64xf32, #tpu.memory_space<vmem>>
          tpu.vector_store_idx %scatter3A_393[%add3A_266, %add3A_381], %mul3A_388 : memref<80x64xf32, #tpu.memory_space<vmem>>[vector<16xi32>, vector<16xi32>], vector<16xf32>,
          %scan3A_394 = arith.constant 2 : i32
          %scan3A_395 = arith.addi %scan3A_352, %scan3A_394 : i32
          %mul3A_396 = arith.constant 1 : i32
          %mul3A_397 = arith.muli %scan3A_395, %mul3A_396 : i32
          %add3A_398 = arith.constant 0 : i32
          %add3A_399 = arith.addi %add3A_398, %mul3A_397 : i32
          %broadcast_in_dim3A_400 = arith.constant 32 : i32
          %broadcast_in_dim3A_401 = vector.broadcast %broadcast_in_dim3A_400 : i32 to vector<16xi32>
          %add3A_402 = vector.broadcast %add3A_399 : i32 to vector<16xi32>
          %add3A_403 = arith.addi %broadcast_in_dim3A_401, %add3A_402 : vector<16xi32>
          %gather3A_404 = arith.constant 1 : i32
          %gather3A_405 = arith.constant 0 : i32
          %gather3A_406 = arith.constant 0 : i32
          %gather3A_407 = tpu.memref_slice %arg15[%gather3A_404, %gather3A_405, %gather3A_406] : memref<2x80x64xf32, #tpu.memory_space<vmem>> -> memref<1x80x64xf32, #tpu.memory_space<vmem>>
          %gather3A_408 = tpu.memref_squeeze %gather3A_407 : memref<1x80x64xf32, #tpu.memory_space<vmem>> -> memref<80x64xf32, #tpu.memory_space<vmem>>
          %gather3A_409 = tpu.vector_load_idx %gather3A_408[%add3A_266, %add3A_403] : memref<80x64xf32, #tpu.memory_space<vmem>>[vector<16xi32>, vector<16xi32>], vector<16xf32>,
          %mul3A_410 = arith.mulf %gather3A_409, %exp3A_334 : vector<16xf32>
          %scatter3A_411 = arith.constant 1 : i32
          %scatter3A_412 = arith.constant 0 : i32
          %scatter3A_413 = arith.constant 0 : i32
          %scatter3A_414 = tpu.memref_slice %arg15[%scatter3A_411, %scatter3A_412, %scatter3A_413] : memref<2x80x64xf32, #tpu.memory_space<vmem>> -> memref<1x80x64xf32, #tpu.memory_space<vmem>>
          %scatter3A_415 = tpu.memref_squeeze %scatter3A_414 : memref<1x80x64xf32, #tpu.memory_space<vmem>> -> memref<80x64xf32, #tpu.memory_space<vmem>>
          tpu.vector_store_idx %scatter3A_415[%add3A_266, %add3A_403], %mul3A_410 : memref<80x64xf32, #tpu.memory_space<vmem>>[vector<16xi32>, vector<16xi32>], vector<16xf32>,
          %scan3A_416 = arith.constant 3 : i32
          %scan3A_417 = arith.addi %scan3A_352, %scan3A_416 : i32
          %mul3A_418 = arith.constant 1 : i32
          %mul3A_419 = arith.muli %scan3A_417, %mul3A_418 : i32
          %add3A_420 = arith.constant 0 : i32
          %add3A_421 = arith.addi %add3A_420, %mul3A_419 : i32
          %broadcast_in_dim3A_422 = arith.constant 32 : i32
          %broadcast_in_dim3A_423 = vector.broadcast %broadcast_in_dim3A_422 : i32 to vector<16xi32>
          %add3A_424 = vector.broadcast %add3A_421 : i32 to vector<16xi32>
          %add3A_425 = arith.addi %broadcast_in_dim3A_423, %add3A_424 : vector<16xi32>
          %gather3A_426 = arith.constant 1 : i32
          %gather3A_427 = arith.constant 0 : i32
          %gather3A_428 = arith.constant 0 : i32
          %gather3A_429 = tpu.memref_slice %arg15[%gather3A_426, %gather3A_427, %gather3A_428] : memref<2x80x64xf32, #tpu.memory_space<vmem>> -> memref<1x80x64xf32, #tpu.memory_space<vmem>>
          %gather3A_430 = tpu.memref_squeeze %gather3A_429 : memref<1x80x64xf32, #tpu.memory_space<vmem>> -> memref<80x64xf32, #tpu.memory_space<vmem>>
          %gather3A_431 = tpu.vector_load_idx %gather3A_430[%add3A_266, %add3A_425] : memref<80x64xf32, #tpu.memory_space<vmem>>[vector<16xi32>, vector<16xi32>], vector<16xf32>,
          %mul3A_432 = arith.mulf %gather3A_431, %exp3A_334 : vector<16xf32>
          %scatter3A_433 = arith.constant 1 : i32
          %scatter3A_434 = arith.constant 0 : i32
          %scatter3A_435 = arith.constant 0 : i32
          %scatter3A_436 = tpu.memref_slice %arg15[%scatter3A_433, %scatter3A_434, %scatter3A_435] : memref<2x80x64xf32, #tpu.memory_space<vmem>> -> memref<1x80x64xf32, #tpu.memory_space<vmem>>
          %scatter3A_437 = tpu.memref_squeeze %scatter3A_436 : memref<1x80x64xf32, #tpu.memory_space<vmem>> -> memref<80x64xf32, #tpu.memory_space<vmem>>
          tpu.vector_store_idx %scatter3A_437[%add3A_266, %add3A_425], %mul3A_432 : memref<80x64xf32, #tpu.memory_space<vmem>>[vector<16xi32>, vector<16xi32>], vector<16xf32>,
        }
        %scan3A_351 = arith.constant 32 : i32
      }
      %scan3A_248 = arith.constant 5 : i32
      %run_scoped3A_249 = arith.constant 1 : i32
      %run_scoped3A_250 = arith.constant 1 : i32
      "tpu.region"() ({
        %run_scoped3A_258 = tpu.sem_alloc : memref<!tpu.dma_semaphore, #tpu.memory_space<semaphore_mem>>
        %dma_start3A_259 = arith.constant 0 : i32
        %dma_start3A_260 = arith.constant 0 : i32
        %dma_start3A_261 = tpu.memref_slice %arg15[%run_scoped3A_249, %dma_start3A_259, %dma_start3A_260] : memref<2x80x64xf32, #tpu.memory_space<vmem>> -> memref<1x80x64xf32, #tpu.memory_space<vmem>>
        %dma_start3A_262 = tpu.memref_squeeze %dma_start3A_261 : memref<1x80x64xf32, #tpu.memory_space<vmem>> -> memref<80x64xf32, #tpu.memory_space<vmem>>
        %dma_start3A_263 = arith.constant 0 : i32
        %dma_start3A_264 = tpu.memref_slice %arg13[%run_scoped3A_250, %dma_start3A_263] : memref<2x80xi32, #tpu.memory_space<vmem>> -> memref<1x80xi32, #tpu.memory_space<vmem>>
        %dma_start3A_265 = tpu.memref_squeeze %dma_start3A_264 : memref<1x80xi32, #tpu.memory_space<vmem>> -> memref<80xi32, #tpu.memory_space<vmem>>
        %dma_start3A_266 = arith.constant 0 : i32
        %dma_start3A_267 = arith.constant 0 : i32
        %dma_start3A_268 = tpu.memref_slice %arg17[%dma_start3A_266, %dma_start3A_267] : memref<10240x64xf32, #tpu.memory_space<vmem_shared>> -> memref<10240x64xf32, #tpu.memory_space<vmem_shared>>
        tpu.enqueue_indirect_dma source(%dma_start3A_262 : memref<80x64xf32, #tpu.memory_space<vmem>>) target(%dma_start3A_268 : memref<10240x64xf32, #tpu.memory_space<vmem_shared>>) offsets(%dma_start3A_265 : memref<80xi32, #tpu.memory_space<vmem>>) semaphore(%run_scoped3A_258 : memref<!tpu.dma_semaphore, #tpu.memory_space<semaphore_mem>>) {add = true}
        %dma_wait3A_269 = arith.constant 0 : i32
        %dma_wait3A_270 = arith.constant 0 : i32
        %dma_wait3A_271 = tpu.memref_slice %arg15[%run_scoped3A_249, %dma_wait3A_269, %dma_wait3A_270] : memref<2x80x64xf32, #tpu.memory_space<vmem>> -> memref<1x80x64xf32, #tpu.memory_space<vmem>>
        %dma_wait3A_272 = tpu.memref_squeeze %dma_wait3A_271 : memref<1x80x64xf32, #tpu.memory_space<vmem>> -> memref<80x64xf32, #tpu.memory_space<vmem>>
        %dma_wait3A_273 = arith.constant 0 : i32
        %dma_wait3A_274 = tpu.memref_slice %arg13[%run_scoped3A_250, %dma_wait3A_273] : memref<2x80xi32, #tpu.memory_space<vmem>> -> memref<1x80xi32, #tpu.memory_space<vmem>>
        %dma_wait3A_275 = tpu.memref_squeeze %dma_wait3A_274 : memref<1x80xi32, #tpu.memory_space<vmem>> -> memref<80xi32, #tpu.memory_space<vmem>>
        %dma_wait3A_276 = arith.constant 0 : i32
        %dma_wait3A_277 = arith.constant 0 : i32
        %dma_wait3A_278 = tpu.memref_slice %arg17[%dma_wait3A_276, %dma_wait3A_277] : memref<10240x64xf32, #tpu.memory_space<vmem_shared>> -> memref<10240x64xf32, #tpu.memory_space<vmem_shared>>
        tpu.wait_indirect_dma semaphore(%run_scoped3A_258 : memref<!tpu.dma_semaphore, #tpu.memory_space<semaphore_mem>>) src(%dma_wait3A_272 : memref<80x64xf32, #tpu.memory_space<vmem>>) dst(%dma_wait3A_278 : memref<10240x64xf32, #tpu.memory_space<vmem_shared>>)
        tpu.yield
      }) : () -> ()
      %add3A_251 = arith.constant 2 : i32
      %add3A_252 = arith.addi %add3A_231, %add3A_251 : i32
      %lt3A_253 = arith.constant 250 : i32
      %lt3A_254 = arith.cmpi slt, %add3A_252, %lt3A_253 : i32
      %convert_element_type3A_255 = arith.extui %lt3A_254 : i1 to i32
      %cond3A_256 = arith.constant 0 : i32
      %cond3A_257 = arith.cmpi ne, %convert_element_type3A_255, %cond3A_256 : i32
      scf.if %cond3A_257 {
        %add3A_258 = arith.constant 2 : i32
        %add3A_259 = arith.addi %add3A_231, %add3A_258 : i32
        %mul3A_260 = arith.constant 20000 : i32
        %mul3A_261 = arith.muli %arg1, %mul3A_260 : i32
        %mul3A_262 = arith.constant 80 : i32
        %mul3A_263 = arith.muli %add3A_259, %mul3A_262 : i32
        %add3A_264 = arith.addi %mul3A_261, %mul3A_263 : i32
        %run_scoped3A_265 = arith.constant 1 : i32
        "tpu.region"() ({
          %run_scoped3A_344 = tpu.sem_alloc : memref<!tpu.dma_semaphore, #tpu.memory_space<semaphore_mem>>
          %dma_start3A_345 = arith.constant 0 : i32
          %dma_start3A_346 = tpu.memref_slice %arg11[%run_scoped3A_265, %dma_start3A_345] : memref<2x80xi32, #tpu.memory_space<vmem>> -> memref<1x80xi32, #tpu.memory_space<vmem>>
          %dma_start3A_347 = tpu.memref_squeeze %dma_start3A_346 : memref<1x80xi32, #tpu.memory_space<vmem>> -> memref<80xi32, #tpu.memory_space<vmem>>
          %dma_start3A_348 = tpu.memref_slice %arg5[%add3A_264] : memref<320000xi32, #tpu.memory_space<hbm>> -> memref<80xi32, #tpu.memory_space<hbm>>
          %dma_start3A_349 = arith.constant 0 : i32
          %dma_start3A_350 = tpu.memref_slice %arg11[%run_scoped3A_265, %dma_start3A_349] : memref<2x80xi32, #tpu.memory_space<vmem>> -> memref<1x80xi32, #tpu.memory_space<vmem>>
          %dma_start3A_351 = tpu.memref_squeeze %dma_start3A_350 : memref<1x80xi32, #tpu.memory_space<vmem>> -> memref<80xi32, #tpu.memory_space<vmem>>
          %dma_start3A_352 = tpu.memref_slice %arg5[%add3A_264] : memref<320000xi32, #tpu.memory_space<hbm>> -> memref<80xi32, #tpu.memory_space<hbm>>
          tpu.enqueue_dma source(%dma_start3A_352 : memref<80xi32, #tpu.memory_space<hbm>>) target(%dma_start3A_351 : memref<80xi32, #tpu.memory_space<vmem>>) target_semaphore(%run_scoped3A_344 : memref<!tpu.dma_semaphore, #tpu.memory_space<semaphore_mem>>)
          %dma_wait3A_353 = arith.constant 0 : i32
          %dma_wait3A_354 = tpu.memref_slice %arg11[%run_scoped3A_265, %dma_wait3A_353] : memref<2x80xi32, #tpu.memory_space<vmem>> -> memref<1x80xi32, #tpu.memory_space<vmem>>
          %dma_wait3A_355 = tpu.memref_squeeze %dma_wait3A_354 : memref<1x80xi32, #tpu.memory_space<vmem>> -> memref<80xi32, #tpu.memory_space<vmem>>
          %dma_wait3A_356 = tpu.memref_slice %arg5[%add3A_264] : memref<320000xi32, #tpu.memory_space<hbm>> -> memref<80xi32, #tpu.memory_space<hbm>>
          %dma_wait3A_357 = arith.constant 0 : i32
          %dma_wait3A_358 = tpu.memref_slice %arg11[%run_scoped3A_265, %dma_wait3A_357] : memref<2x80xi32, #tpu.memory_space<vmem>> -> memref<1x80xi32, #tpu.memory_space<vmem>>
          %dma_wait3A_359 = tpu.memref_squeeze %dma_wait3A_358 : memref<1x80xi32, #tpu.memory_space<vmem>> -> memref<80xi32, #tpu.memory_space<vmem>>
          %dma_wait3A_360 = tpu.memref_slice %arg5[%add3A_264] : memref<320000xi32, #tpu.memory_space<hbm>> -> memref<80xi32, #tpu.memory_space<hbm>>
          tpu.wait_dma2 semaphore(%run_scoped3A_344 : memref<!tpu.dma_semaphore, #tpu.memory_space<semaphore_mem>>) src(%dma_wait3A_360 : memref<80xi32, #tpu.memory_space<hbm>>) dst(%dma_wait3A_359 : memref<80xi32, #tpu.memory_space<vmem>>)
          tpu.yield
        }) : () -> ()
        %run_scoped3A_266 = arith.constant 1 : i32
        "tpu.region"() ({
          %run_scoped3A_344 = tpu.sem_alloc : memref<!tpu.dma_semaphore, #tpu.memory_space<semaphore_mem>>
          %dma_start3A_345 = arith.constant 0 : i32
          %dma_start3A_346 = tpu.memref_slice %arg13[%run_scoped3A_266, %dma_start3A_345] : memref<2x80xi32, #tpu.memory_space<vmem>> -> memref<1x80xi32, #tpu.memory_space<vmem>>
          %dma_start3A_347 = tpu.memref_squeeze %dma_start3A_346 : memref<1x80xi32, #tpu.memory_space<vmem>> -> memref<80xi32, #tpu.memory_space<vmem>>
          %dma_start3A_348 = tpu.memref_slice %arg6[%add3A_264] : memref<320000xi32, #tpu.memory_space<hbm>> -> memref<80xi32, #tpu.memory_space<hbm>>
          %dma_start3A_349 = arith.constant 0 : i32
          %dma_start3A_350 = tpu.memref_slice %arg13[%run_scoped3A_266, %dma_start3A_349] : memref<2x80xi32, #tpu.memory_space<vmem>> -> memref<1x80xi32, #tpu.memory_space<vmem>>
          %dma_start3A_351 = tpu.memref_squeeze %dma_start3A_350 : memref<1x80xi32, #tpu.memory_space<vmem>> -> memref<80xi32, #tpu.memory_space<vmem>>
          %dma_start3A_352 = tpu.memref_slice %arg6[%add3A_264] : memref<320000xi32, #tpu.memory_space<hbm>> -> memref<80xi32, #tpu.memory_space<hbm>>
          tpu.enqueue_dma source(%dma_start3A_352 : memref<80xi32, #tpu.memory_space<hbm>>) target(%dma_start3A_351 : memref<80xi32, #tpu.memory_space<vmem>>) target_semaphore(%run_scoped3A_344 : memref<!tpu.dma_semaphore, #tpu.memory_space<semaphore_mem>>)
          %dma_wait3A_353 = arith.constant 0 : i32
          %dma_wait3A_354 = tpu.memref_slice %arg13[%run_scoped3A_266, %dma_wait3A_353] : memref<2x80xi32, #tpu.memory_space<vmem>> -> memref<1x80xi32, #tpu.memory_space<vmem>>
          %dma_wait3A_355 = tpu.memref_squeeze %dma_wait3A_354 : memref<1x80xi32, #tpu.memory_space<vmem>> -> memref<80xi32, #tpu.memory_space<vmem>>
          %dma_wait3A_356 = tpu.memref_slice %arg6[%add3A_264] : memref<320000xi32, #tpu.memory_space<hbm>> -> memref<80xi32, #tpu.memory_space<hbm>>
          %dma_wait3A_357 = arith.constant 0 : i32
          %dma_wait3A_358 = tpu.memref_slice %arg13[%run_scoped3A_266, %dma_wait3A_357] : memref<2x80xi32, #tpu.memory_space<vmem>> -> memref<1x80xi32, #tpu.memory_space<vmem>>
          %dma_wait3A_359 = tpu.memref_squeeze %dma_wait3A_358 : memref<1x80xi32, #tpu.memory_space<vmem>> -> memref<80xi32, #tpu.memory_space<vmem>>
          %dma_wait3A_360 = tpu.memref_slice %arg6[%add3A_264] : memref<320000xi32, #tpu.memory_space<hbm>> -> memref<80xi32, #tpu.memory_space<hbm>>
          tpu.wait_dma2 semaphore(%run_scoped3A_344 : memref<!tpu.dma_semaphore, #tpu.memory_space<semaphore_mem>>) src(%dma_wait3A_360 : memref<80xi32, #tpu.memory_space<hbm>>) dst(%dma_wait3A_359 : memref<80xi32, #tpu.memory_space<vmem>>)
          tpu.yield
        }) : () -> ()
        %get3A_267 = arith.constant 1 : i32
        %get3A_268 = arith.index_cast %get3A_267 : i32 to index
        %get3A_269 = arith.constant 0 : index
        %get3A_270 = tpu.vector_load %arg11[%get3A_268, %get3A_269] {strides = array<i32>} : memref<2x80xi32, #tpu.memory_space<vmem>>, vector<16xi32>,
        %mul3A_271 = arith.constant 2 : i32
        %mul3A_272 = vector.broadcast %mul3A_271 : i32 to vector<16xi32>
        %mul3A_273 = arith.muli %get3A_270, %mul3A_272 : vector<16xi32>
        %add3A_274 = vector.broadcast %arg0 : i32 to vector<16xi32>
        %add3A_275 = arith.addi %mul3A_273, %add3A_274 : vector<16xi32>
        %swap3A_276 = arith.constant 1 : i32
        %swap3A_277 = arith.index_cast %swap3A_276 : i32 to index
        %swap3A_278 = arith.constant 0 : index
        %swap3A_279 = tpu.vector_load %arg12[%swap3A_277, %swap3A_278] {strides = array<i32>} : memref<2x80xi32, #tpu.memory_space<vmem>>, vector<16xi32>,
        tpu.vector_store %arg12[%swap3A_277, %swap3A_278], %add3A_275 {strides = array<i32>} : memref<2x80xi32, #tpu.memory_space<vmem>>, vector<16xi32>,
        %get3A_280 = arith.constant 1 : i32
        %get3A_281 = arith.index_cast %get3A_280 : i32 to index
        %get3A_282 = arith.constant 16 : index
        %get3A_283 = tpu.vector_load %arg11[%get3A_281, %get3A_282] {strides = array<i32>} : memref<2x80xi32, #tpu.memory_space<vmem>>, vector<16xi32>,
        %mul3A_284 = arith.constant 2 : i32
        %mul3A_285 = vector.broadcast %mul3A_284 : i32 to vector<16xi32>
        %mul3A_286 = arith.muli %get3A_283, %mul3A_285 : vector<16xi32>
        %add3A_287 = vector.broadcast %arg0 : i32 to vector<16xi32>
        %add3A_288 = arith.addi %mul3A_286, %add3A_287 : vector<16xi32>
        %swap3A_289 = arith.constant 1 : i32
        %swap3A_290 = arith.index_cast %swap3A_289 : i32 to index
        %swap3A_291 = arith.constant 16 : index
        %swap3A_292 = tpu.vector_load %arg12[%swap3A_290, %swap3A_291] {strides = array<i32>} : memref<2x80xi32, #tpu.memory_space<vmem>>, vector<16xi32>,
        tpu.vector_store %arg12[%swap3A_290, %swap3A_291], %add3A_288 {strides = array<i32>} : memref<2x80xi32, #tpu.memory_space<vmem>>, vector<16xi32>,
        %get3A_293 = arith.constant 1 : i32
        %get3A_294 = arith.index_cast %get3A_293 : i32 to index
        %get3A_295 = arith.constant 32 : index
        %get3A_296 = tpu.vector_load %arg11[%get3A_294, %get3A_295] {strides = array<i32>} : memref<2x80xi32, #tpu.memory_space<vmem>>, vector<16xi32>,
        %mul3A_297 = arith.constant 2 : i32
        %mul3A_298 = vector.broadcast %mul3A_297 : i32 to vector<16xi32>
        %mul3A_299 = arith.muli %get3A_296, %mul3A_298 : vector<16xi32>
        %add3A_300 = vector.broadcast %arg0 : i32 to vector<16xi32>
        %add3A_301 = arith.addi %mul3A_299, %add3A_300 : vector<16xi32>
        %swap3A_302 = arith.constant 1 : i32
        %swap3A_303 = arith.index_cast %swap3A_302 : i32 to index
        %swap3A_304 = arith.constant 32 : index
        %swap3A_305 = tpu.vector_load %arg12[%swap3A_303, %swap3A_304] {strides = array<i32>} : memref<2x80xi32, #tpu.memory_space<vmem>>, vector<16xi32>,
        tpu.vector_store %arg12[%swap3A_303, %swap3A_304], %add3A_301 {strides = array<i32>} : memref<2x80xi32, #tpu.memory_space<vmem>>, vector<16xi32>,
        %get3A_306 = arith.constant 1 : i32
        %get3A_307 = arith.index_cast %get3A_306 : i32 to index
        %get3A_308 = arith.constant 48 : index
        %get3A_309 = tpu.vector_load %arg11[%get3A_307, %get3A_308] {strides = array<i32>} : memref<2x80xi32, #tpu.memory_space<vmem>>, vector<16xi32>,
        %mul3A_310 = arith.constant 2 : i32
        %mul3A_311 = vector.broadcast %mul3A_310 : i32 to vector<16xi32>
        %mul3A_312 = arith.muli %get3A_309, %mul3A_311 : vector<16xi32>
        %add3A_313 = vector.broadcast %arg0 : i32 to vector<16xi32>
        %add3A_314 = arith.addi %mul3A_312, %add3A_313 : vector<16xi32>
        %swap3A_315 = arith.constant 1 : i32
        %swap3A_316 = arith.index_cast %swap3A_315 : i32 to index
        %swap3A_317 = arith.constant 48 : index
        %swap3A_318 = tpu.vector_load %arg12[%swap3A_316, %swap3A_317] {strides = array<i32>} : memref<2x80xi32, #tpu.memory_space<vmem>>, vector<16xi32>,
        tpu.vector_store %arg12[%swap3A_316, %swap3A_317], %add3A_314 {strides = array<i32>} : memref<2x80xi32, #tpu.memory_space<vmem>>, vector<16xi32>,
        %get3A_319 = arith.constant 1 : i32
        %get3A_320 = arith.index_cast %get3A_319 : i32 to index
        %get3A_321 = arith.constant 64 : index
        %get3A_322 = tpu.vector_load %arg11[%get3A_320, %get3A_321] {strides = array<i32>} : memref<2x80xi32, #tpu.memory_space<vmem>>, vector<16xi32>,
        %mul3A_323 = arith.constant 2 : i32
        %mul3A_324 = vector.broadcast %mul3A_323 : i32 to vector<16xi32>
        %mul3A_325 = arith.muli %get3A_322, %mul3A_324 : vector<16xi32>
        %add3A_326 = vector.broadcast %arg0 : i32 to vector<16xi32>
        %add3A_327 = arith.addi %mul3A_325, %add3A_326 : vector<16xi32>
        %swap3A_328 = arith.constant 1 : i32
        %swap3A_329 = arith.index_cast %swap3A_328 : i32 to index
        %swap3A_330 = arith.constant 64 : index
        %swap3A_331 = tpu.vector_load %arg12[%swap3A_329, %swap3A_330] {strides = array<i32>} : memref<2x80xi32, #tpu.memory_space<vmem>>, vector<16xi32>,
        tpu.vector_store %arg12[%swap3A_329, %swap3A_330], %add3A_327 {strides = array<i32>} : memref<2x80xi32, #tpu.memory_space<vmem>>, vector<16xi32>,
        %dma_start3A_332 = arith.constant 1 : i32
        %dma_start3A_333 = arith.constant 1 : i32
        %dma_start3A_334 = arith.constant 0 : i32
        %dma_start3A_335 = arith.constant 0 : i32
        %dma_start3A_336 = tpu.memref_slice %arg15[%dma_start3A_333, %dma_start3A_334, %dma_start3A_335] : memref<2x80x64xf32, #tpu.memory_space<vmem>> -> memref<1x80x64xf32, #tpu.memory_space<vmem>>
        %dma_start3A_337 = tpu.memref_squeeze %dma_start3A_336 : memref<1x80x64xf32, #tpu.memory_space<vmem>> -> memref<80x64xf32, #tpu.memory_space<vmem>>
        %dma_start3A_338 = arith.constant 0 : i32
        %dma_start3A_339 = tpu.memref_slice %arg12[%dma_start3A_332, %dma_start3A_338] : memref<2x80xi32, #tpu.memory_space<vmem>> -> memref<1x80xi32, #tpu.memory_space<vmem>>
        %dma_start3A_340 = tpu.memref_squeeze %dma_start3A_339 : memref<1x80xi32, #tpu.memory_space<vmem>> -> memref<80xi32, #tpu.memory_space<vmem>>
        %dma_start3A_341 = arith.constant 0 : i32
        %dma_start3A_342 = arith.constant 0 : i32
        %dma_start3A_343 = tpu.memref_slice %arg2[%dma_start3A_341, %dma_start3A_342] : memref<20000x64xf32, #tpu.memory_space<hbm>> -> memref<20000x64xf32, #tpu.memory_space<hbm>>
        tpu.enqueue_indirect_dma source(%dma_start3A_343 : memref<20000x64xf32, #tpu.memory_space<hbm>>) target(%dma_start3A_337 : memref<80x64xf32, #tpu.memory_space<vmem>>) offsets(%dma_start3A_340 : memref<80xi32, #tpu.memory_space<vmem>>) semaphore(%arg20 : memref<!tpu.dma_semaphore, #tpu.memory_space<semaphore_mem>>)
      } else {
      }
    }
    %scan3A_186 = arith.constant 125 : i32
    %run_scoped3A_187 = arith.constant 0 : i32
    "tpu.region"() ({
      %run_scoped3A_201 = tpu.sem_alloc : memref<!tpu.dma_semaphore, #tpu.memory_space<semaphore_mem>>
      %dma_start3A_202 = arith.constant 0 : i32
      %dma_start3A_203 = arith.constant 0 : i32
      %dma_start3A_204 = tpu.memref_slice %arg16[%dma_start3A_202, %dma_start3A_203] : memref<640x32xf32, #tpu.memory_space<vmem>> -> memref<128x32xf32, #tpu.memory_space<vmem>>
      %dma_start3A_205 = arith.constant 0 : i32
      %dma_start3A_206 = tpu.memref_slice %arg14[%run_scoped3A_187, %dma_start3A_205] : memref<5x128xi32, #tpu.memory_space<vmem>> -> memref<1x128xi32, #tpu.memory_space<vmem>>
      %dma_start3A_207 = tpu.memref_squeeze %dma_start3A_206 : memref<1x128xi32, #tpu.memory_space<vmem>> -> memref<128xi32, #tpu.memory_space<vmem>>
      %dma_start3A_208 = arith.constant 0 : i32
      %dma_start3A_209 = arith.constant 0 : i32
      %dma_start3A_210 = tpu.memref_slice %arg18[%dma_start3A_208, %dma_start3A_209] : memref<640x32xf32, #tpu.memory_space<vmem_shared>> -> memref<640x32xf32, #tpu.memory_space<vmem_shared>>
      tpu.enqueue_indirect_dma source(%dma_start3A_204 : memref<128x32xf32, #tpu.memory_space<vmem>>) target(%dma_start3A_210 : memref<640x32xf32, #tpu.memory_space<vmem_shared>>) offsets(%dma_start3A_207 : memref<128xi32, #tpu.memory_space<vmem>>) semaphore(%run_scoped3A_201 : memref<!tpu.dma_semaphore, #tpu.memory_space<semaphore_mem>>) {add = true}
      %dma_wait3A = arith.constant 0 : i32
      %dma_wait3A_211 = arith.constant 0 : i32
      %dma_wait3A_212 = tpu.memref_slice %arg16[%dma_wait3A, %dma_wait3A_211] : memref<640x32xf32, #tpu.memory_space<vmem>> -> memref<128x32xf32, #tpu.memory_space<vmem>>
      %dma_wait3A_213 = arith.constant 0 : i32
      %dma_wait3A_214 = tpu.memref_slice %arg14[%run_scoped3A_187, %dma_wait3A_213] : memref<5x128xi32, #tpu.memory_space<vmem>> -> memref<1x128xi32, #tpu.memory_space<vmem>>
      %dma_wait3A_215 = tpu.memref_squeeze %dma_wait3A_214 : memref<1x128xi32, #tpu.memory_space<vmem>> -> memref<128xi32, #tpu.memory_space<vmem>>
      %dma_wait3A_216 = arith.constant 0 : i32
      %dma_wait3A_217 = arith.constant 0 : i32
      %dma_wait3A_218 = tpu.memref_slice %arg18[%dma_wait3A_216, %dma_wait3A_217] : memref<640x32xf32, #tpu.memory_space<vmem_shared>> -> memref<640x32xf32, #tpu.memory_space<vmem_shared>>
      tpu.wait_indirect_dma semaphore(%run_scoped3A_201 : memref<!tpu.dma_semaphore, #tpu.memory_space<semaphore_mem>>) src(%dma_wait3A_212 : memref<128x32xf32, #tpu.memory_space<vmem>>) dst(%dma_wait3A_218 : memref<640x32xf32, #tpu.memory_space<vmem_shared>>)
      tpu.yield
    }) : () -> ()
    %run_scoped3A_188 = arith.constant 1 : i32
    "tpu.region"() ({
      %run_scoped3A_201 = tpu.sem_alloc : memref<!tpu.dma_semaphore, #tpu.memory_space<semaphore_mem>>
      %dma_start3A_202 = arith.constant 128 : i32
      %dma_start3A_203 = arith.constant 0 : i32
      %dma_start3A_204 = tpu.memref_slice %arg16[%dma_start3A_202, %dma_start3A_203] : memref<640x32xf32, #tpu.memory_space<vmem>> -> memref<128x32xf32, #tpu.memory_space<vmem>>
      %dma_start3A_205 = arith.constant 0 : i32
      %dma_start3A_206 = tpu.memref_slice %arg14[%run_scoped3A_188, %dma_start3A_205] : memref<5x128xi32, #tpu.memory_space<vmem>> -> memref<1x128xi32, #tpu.memory_space<vmem>>
      %dma_start3A_207 = tpu.memref_squeeze %dma_start3A_206 : memref<1x128xi32, #tpu.memory_space<vmem>> -> memref<128xi32, #tpu.memory_space<vmem>>
      %dma_start3A_208 = arith.constant 0 : i32
      %dma_start3A_209 = arith.constant 0 : i32
      %dma_start3A_210 = tpu.memref_slice %arg18[%dma_start3A_208, %dma_start3A_209] : memref<640x32xf32, #tpu.memory_space<vmem_shared>> -> memref<640x32xf32, #tpu.memory_space<vmem_shared>>
      tpu.enqueue_indirect_dma source(%dma_start3A_204 : memref<128x32xf32, #tpu.memory_space<vmem>>) target(%dma_start3A_210 : memref<640x32xf32, #tpu.memory_space<vmem_shared>>) offsets(%dma_start3A_207 : memref<128xi32, #tpu.memory_space<vmem>>) semaphore(%run_scoped3A_201 : memref<!tpu.dma_semaphore, #tpu.memory_space<semaphore_mem>>) {add = true}
      %dma_wait3A = arith.constant 128 : i32
      %dma_wait3A_211 = arith.constant 0 : i32
      %dma_wait3A_212 = tpu.memref_slice %arg16[%dma_wait3A, %dma_wait3A_211] : memref<640x32xf32, #tpu.memory_space<vmem>> -> memref<128x32xf32, #tpu.memory_space<vmem>>
      %dma_wait3A_213 = arith.constant 0 : i32
      %dma_wait3A_214 = tpu.memref_slice %arg14[%run_scoped3A_188, %dma_wait3A_213] : memref<5x128xi32, #tpu.memory_space<vmem>> -> memref<1x128xi32, #tpu.memory_space<vmem>>
      %dma_wait3A_215 = tpu.memref_squeeze %dma_wait3A_214 : memref<1x128xi32, #tpu.memory_space<vmem>> -> memref<128xi32, #tpu.memory_space<vmem>>
      %dma_wait3A_216 = arith.constant 0 : i32
      %dma_wait3A_217 = arith.constant 0 : i32
      %dma_wait3A_218 = tpu.memref_slice %arg18[%dma_wait3A_216, %dma_wait3A_217] : memref<640x32xf32, #tpu.memory_space<vmem_shared>> -> memref<640x32xf32, #tpu.memory_space<vmem_shared>>
      tpu.wait_indirect_dma semaphore(%run_scoped3A_201 : memref<!tpu.dma_semaphore, #tpu.memory_space<semaphore_mem>>) src(%dma_wait3A_212 : memref<128x32xf32, #tpu.memory_space<vmem>>) dst(%dma_wait3A_218 : memref<640x32xf32, #tpu.memory_space<vmem_shared>>)
      tpu.yield
    }) : () -> ()
    %run_scoped3A_189 = arith.constant 2 : i32
    "tpu.region"() ({
      %run_scoped3A_201 = tpu.sem_alloc : memref<!tpu.dma_semaphore, #tpu.memory_space<semaphore_mem>>
      %dma_start3A_202 = arith.constant 256 : i32
      %dma_start3A_203 = arith.constant 0 : i32
      %dma_start3A_204 = tpu.memref_slice %arg16[%dma_start3A_202, %dma_start3A_203] : memref<640x32xf32, #tpu.memory_space<vmem>> -> memref<128x32xf32, #tpu.memory_space<vmem>>
      %dma_start3A_205 = arith.constant 0 : i32
      %dma_start3A_206 = tpu.memref_slice %arg14[%run_scoped3A_189, %dma_start3A_205] : memref<5x128xi32, #tpu.memory_space<vmem>> -> memref<1x128xi32, #tpu.memory_space<vmem>>
      %dma_start3A_207 = tpu.memref_squeeze %dma_start3A_206 : memref<1x128xi32, #tpu.memory_space<vmem>> -> memref<128xi32, #tpu.memory_space<vmem>>
      %dma_start3A_208 = arith.constant 0 : i32
      %dma_start3A_209 = arith.constant 0 : i32
      %dma_start3A_210 = tpu.memref_slice %arg18[%dma_start3A_208, %dma_start3A_209] : memref<640x32xf32, #tpu.memory_space<vmem_shared>> -> memref<640x32xf32, #tpu.memory_space<vmem_shared>>
      tpu.enqueue_indirect_dma source(%dma_start3A_204 : memref<128x32xf32, #tpu.memory_space<vmem>>) target(%dma_start3A_210 : memref<640x32xf32, #tpu.memory_space<vmem_shared>>) offsets(%dma_start3A_207 : memref<128xi32, #tpu.memory_space<vmem>>) semaphore(%run_scoped3A_201 : memref<!tpu.dma_semaphore, #tpu.memory_space<semaphore_mem>>) {add = true}
      %dma_wait3A = arith.constant 256 : i32
      %dma_wait3A_211 = arith.constant 0 : i32
      %dma_wait3A_212 = tpu.memref_slice %arg16[%dma_wait3A, %dma_wait3A_211] : memref<640x32xf32, #tpu.memory_space<vmem>> -> memref<128x32xf32, #tpu.memory_space<vmem>>
      %dma_wait3A_213 = arith.constant 0 : i32
      %dma_wait3A_214 = tpu.memref_slice %arg14[%run_scoped3A_189, %dma_wait3A_213] : memref<5x128xi32, #tpu.memory_space<vmem>> -> memref<1x128xi32, #tpu.memory_space<vmem>>
      %dma_wait3A_215 = tpu.memref_squeeze %dma_wait3A_214 : memref<1x128xi32, #tpu.memory_space<vmem>> -> memref<128xi32, #tpu.memory_space<vmem>>
      %dma_wait3A_216 = arith.constant 0 : i32
      %dma_wait3A_217 = arith.constant 0 : i32
      %dma_wait3A_218 = tpu.memref_slice %arg18[%dma_wait3A_216, %dma_wait3A_217] : memref<640x32xf32, #tpu.memory_space<vmem_shared>> -> memref<640x32xf32, #tpu.memory_space<vmem_shared>>
      tpu.wait_indirect_dma semaphore(%run_scoped3A_201 : memref<!tpu.dma_semaphore, #tpu.memory_space<semaphore_mem>>) src(%dma_wait3A_212 : memref<128x32xf32, #tpu.memory_space<vmem>>) dst(%dma_wait3A_218 : memref<640x32xf32, #tpu.memory_space<vmem_shared>>)
      tpu.yield
    }) : () -> ()
    %run_scoped3A_190 = arith.constant 3 : i32
    "tpu.region"() ({
      %run_scoped3A_201 = tpu.sem_alloc : memref<!tpu.dma_semaphore, #tpu.memory_space<semaphore_mem>>
      %dma_start3A_202 = arith.constant 384 : i32
      %dma_start3A_203 = arith.constant 0 : i32
      %dma_start3A_204 = tpu.memref_slice %arg16[%dma_start3A_202, %dma_start3A_203] : memref<640x32xf32, #tpu.memory_space<vmem>> -> memref<128x32xf32, #tpu.memory_space<vmem>>
      %dma_start3A_205 = arith.constant 0 : i32
      %dma_start3A_206 = tpu.memref_slice %arg14[%run_scoped3A_190, %dma_start3A_205] : memref<5x128xi32, #tpu.memory_space<vmem>> -> memref<1x128xi32, #tpu.memory_space<vmem>>
      %dma_start3A_207 = tpu.memref_squeeze %dma_start3A_206 : memref<1x128xi32, #tpu.memory_space<vmem>> -> memref<128xi32, #tpu.memory_space<vmem>>
      %dma_start3A_208 = arith.constant 0 : i32
      %dma_start3A_209 = arith.constant 0 : i32
      %dma_start3A_210 = tpu.memref_slice %arg18[%dma_start3A_208, %dma_start3A_209] : memref<640x32xf32, #tpu.memory_space<vmem_shared>> -> memref<640x32xf32, #tpu.memory_space<vmem_shared>>
      tpu.enqueue_indirect_dma source(%dma_start3A_204 : memref<128x32xf32, #tpu.memory_space<vmem>>) target(%dma_start3A_210 : memref<640x32xf32, #tpu.memory_space<vmem_shared>>) offsets(%dma_start3A_207 : memref<128xi32, #tpu.memory_space<vmem>>) semaphore(%run_scoped3A_201 : memref<!tpu.dma_semaphore, #tpu.memory_space<semaphore_mem>>) {add = true}
      %dma_wait3A = arith.constant 384 : i32
      %dma_wait3A_211 = arith.constant 0 : i32
      %dma_wait3A_212 = tpu.memref_slice %arg16[%dma_wait3A, %dma_wait3A_211] : memref<640x32xf32, #tpu.memory_space<vmem>> -> memref<128x32xf32, #tpu.memory_space<vmem>>
      %dma_wait3A_213 = arith.constant 0 : i32
      %dma_wait3A_214 = tpu.memref_slice %arg14[%run_scoped3A_190, %dma_wait3A_213] : memref<5x128xi32, #tpu.memory_space<vmem>> -> memref<1x128xi32, #tpu.memory_space<vmem>>
      %dma_wait3A_215 = tpu.memref_squeeze %dma_wait3A_214 : memref<1x128xi32, #tpu.memory_space<vmem>> -> memref<128xi32, #tpu.memory_space<vmem>>
      %dma_wait3A_216 = arith.constant 0 : i32
      %dma_wait3A_217 = arith.constant 0 : i32
      %dma_wait3A_218 = tpu.memref_slice %arg18[%dma_wait3A_216, %dma_wait3A_217] : memref<640x32xf32, #tpu.memory_space<vmem_shared>> -> memref<640x32xf32, #tpu.memory_space<vmem_shared>>
      tpu.wait_indirect_dma semaphore(%run_scoped3A_201 : memref<!tpu.dma_semaphore, #tpu.memory_space<semaphore_mem>>) src(%dma_wait3A_212 : memref<128x32xf32, #tpu.memory_space<vmem>>) dst(%dma_wait3A_218 : memref<640x32xf32, #tpu.memory_space<vmem_shared>>)
      tpu.yield
    }) : () -> ()
    %run_scoped3A_191 = arith.constant 4 : i32
    "tpu.region"() ({
      %run_scoped3A_201 = tpu.sem_alloc : memref<!tpu.dma_semaphore, #tpu.memory_space<semaphore_mem>>
      %dma_start3A_202 = arith.constant 512 : i32
      %dma_start3A_203 = arith.constant 0 : i32
      %dma_start3A_204 = tpu.memref_slice %arg16[%dma_start3A_202, %dma_start3A_203] : memref<640x32xf32, #tpu.memory_space<vmem>> -> memref<128x32xf32, #tpu.memory_space<vmem>>
      %dma_start3A_205 = arith.constant 0 : i32
      %dma_start3A_206 = tpu.memref_slice %arg14[%run_scoped3A_191, %dma_start3A_205] : memref<5x128xi32, #tpu.memory_space<vmem>> -> memref<1x128xi32, #tpu.memory_space<vmem>>
      %dma_start3A_207 = tpu.memref_squeeze %dma_start3A_206 : memref<1x128xi32, #tpu.memory_space<vmem>> -> memref<128xi32, #tpu.memory_space<vmem>>
      %dma_start3A_208 = arith.constant 0 : i32
      %dma_start3A_209 = arith.constant 0 : i32
      %dma_start3A_210 = tpu.memref_slice %arg18[%dma_start3A_208, %dma_start3A_209] : memref<640x32xf32, #tpu.memory_space<vmem_shared>> -> memref<640x32xf32, #tpu.memory_space<vmem_shared>>
      tpu.enqueue_indirect_dma source(%dma_start3A_204 : memref<128x32xf32, #tpu.memory_space<vmem>>) target(%dma_start3A_210 : memref<640x32xf32, #tpu.memory_space<vmem_shared>>) offsets(%dma_start3A_207 : memref<128xi32, #tpu.memory_space<vmem>>) semaphore(%run_scoped3A_201 : memref<!tpu.dma_semaphore, #tpu.memory_space<semaphore_mem>>) {add = true}
      %dma_wait3A = arith.constant 512 : i32
      %dma_wait3A_211 = arith.constant 0 : i32
      %dma_wait3A_212 = tpu.memref_slice %arg16[%dma_wait3A, %dma_wait3A_211] : memref<640x32xf32, #tpu.memory_space<vmem>> -> memref<128x32xf32, #tpu.memory_space<vmem>>
      %dma_wait3A_213 = arith.constant 0 : i32
      %dma_wait3A_214 = tpu.memref_slice %arg14[%run_scoped3A_191, %dma_wait3A_213] : memref<5x128xi32, #tpu.memory_space<vmem>> -> memref<1x128xi32, #tpu.memory_space<vmem>>
      %dma_wait3A_215 = tpu.memref_squeeze %dma_wait3A_214 : memref<1x128xi32, #tpu.memory_space<vmem>> -> memref<128xi32, #tpu.memory_space<vmem>>
      %dma_wait3A_216 = arith.constant 0 : i32
      %dma_wait3A_217 = arith.constant 0 : i32
      %dma_wait3A_218 = tpu.memref_slice %arg18[%dma_wait3A_216, %dma_wait3A_217] : memref<640x32xf32, #tpu.memory_space<vmem_shared>> -> memref<640x32xf32, #tpu.memory_space<vmem_shared>>
      tpu.wait_indirect_dma semaphore(%run_scoped3A_201 : memref<!tpu.dma_semaphore, #tpu.memory_space<semaphore_mem>>) src(%dma_wait3A_212 : memref<128x32xf32, #tpu.memory_space<vmem>>) dst(%dma_wait3A_218 : memref<640x32xf32, #tpu.memory_space<vmem_shared>>)
      tpu.yield
    }) : () -> ()
    %barrier3A_192 = arith.constant 0 : index
    tpu.barrier barrier_id(%barrier3A_192)
    %mul3A_193 = arith.constant 640 : i32
    %mul3A_194 = arith.muli %arg1, %mul3A_193 : i32
    %mul3A_195 = arith.constant 640 : i32
    %mul3A_196 = arith.muli %arg1, %mul3A_195 : i32
    "tpu.region"() ({
      %run_scoped3A_201 = tpu.sem_alloc : memref<!tpu.dma_semaphore, #tpu.memory_space<semaphore_mem>>
      %dma_start3A_202 = arith.constant 0 : i32
      %dma_start3A_203 = tpu.memref_slice %arg7[%arg0, %mul3A_196, %dma_start3A_202] : memref<2x10240x64xf32, #tpu.memory_space<hbm>> -> memref<1x640x64xf32, #tpu.memory_space<hbm>>
      %dma_start3A_204 = tpu.memref_squeeze %dma_start3A_203 : memref<1x640x64xf32, #tpu.memory_space<hbm>> -> memref<640x64xf32, #tpu.memory_space<hbm>>
      %dma_start3A_205 = arith.constant 0 : i32
      %dma_start3A_206 = tpu.memref_slice %arg17[%mul3A_194, %dma_start3A_205] : memref<10240x64xf32, #tpu.memory_space<vmem_shared>> -> memref<640x64xf32, #tpu.memory_space<vmem_shared>>
      tpu.enqueue_dma source(%dma_start3A_206 : memref<640x64xf32, #tpu.memory_space<vmem_shared>>) target(%dma_start3A_204 : memref<640x64xf32, #tpu.memory_space<hbm>>) target_semaphore(%run_scoped3A_201 : memref<!tpu.dma_semaphore, #tpu.memory_space<semaphore_mem>>)
      %dma_wait3A = arith.constant 0 : i32
      %dma_wait3A_207 = tpu.memref_slice %arg7[%arg0, %mul3A_196, %dma_wait3A] : memref<2x10240x64xf32, #tpu.memory_space<hbm>> -> memref<1x640x64xf32, #tpu.memory_space<hbm>>
      %dma_wait3A_208 = tpu.memref_squeeze %dma_wait3A_207 : memref<1x640x64xf32, #tpu.memory_space<hbm>> -> memref<640x64xf32, #tpu.memory_space<hbm>>
      %dma_wait3A_209 = arith.constant 0 : i32
      %dma_wait3A_210 = tpu.memref_slice %arg17[%mul3A_194, %dma_wait3A_209] : memref<10240x64xf32, #tpu.memory_space<vmem_shared>> -> memref<640x64xf32, #tpu.memory_space<vmem_shared>>
      tpu.wait_dma2 semaphore(%run_scoped3A_201 : memref<!tpu.dma_semaphore, #tpu.memory_space<semaphore_mem>>) src(%dma_wait3A_210 : memref<640x64xf32, #tpu.memory_space<vmem_shared>>) dst(%dma_wait3A_208 : memref<640x64xf32, #tpu.memory_space<hbm>>)
      tpu.yield
    }) : () -> ()
    %mul3A_197 = arith.constant 40 : i32
    %mul3A_198 = arith.muli %arg1, %mul3A_197 : i32
    %mul3A_199 = arith.constant 40 : i32
    %mul3A_200 = arith.muli %arg1, %mul3A_199 : i32
    "tpu.region"() ({
      %run_scoped3A_201 = tpu.sem_alloc : memref<!tpu.dma_semaphore, #tpu.memory_space<semaphore_mem>>
      %dma_start3A_202 = arith.constant 0 : i32
      %dma_start3A_203 = tpu.memref_slice %arg8[%arg0, %mul3A_200, %dma_start3A_202] : memref<2x640x32xf32, #tpu.memory_space<hbm>> -> memref<1x40x32xf32, #tpu.memory_space<hbm>>
      %dma_start3A_204 = tpu.memref_squeeze %dma_start3A_203 : memref<1x40x32xf32, #tpu.memory_space<hbm>> -> memref<40x32xf32, #tpu.memory_space<hbm>>
      %dma_start3A_205 = arith.constant 0 : i32
      %dma_start3A_206 = tpu.memref_slice %arg18[%mul3A_198, %dma_start3A_205] : memref<640x32xf32, #tpu.memory_space<vmem_shared>> -> memref<40x32xf32, #tpu.memory_space<vmem_shared>>
      tpu.enqueue_dma source(%dma_start3A_206 : memref<40x32xf32, #tpu.memory_space<vmem_shared>>) target(%dma_start3A_204 : memref<40x32xf32, #tpu.memory_space<hbm>>) target_semaphore(%run_scoped3A_201 : memref<!tpu.dma_semaphore, #tpu.memory_space<semaphore_mem>>)
      %dma_wait3A = arith.constant 0 : i32
      %dma_wait3A_207 = tpu.memref_slice %arg8[%arg0, %mul3A_200, %dma_wait3A] : memref<2x640x32xf32, #tpu.memory_space<hbm>> -> memref<1x40x32xf32, #tpu.memory_space<hbm>>
      %dma_wait3A_208 = tpu.memref_squeeze %dma_wait3A_207 : memref<1x40x32xf32, #tpu.memory_space<hbm>> -> memref<40x32xf32, #tpu.memory_space<hbm>>
      %dma_wait3A_209 = arith.constant 0 : i32
      %dma_wait3A_210 = tpu.memref_slice %arg18[%mul3A_198, %dma_wait3A_209] : memref<640x32xf32, #tpu.memory_space<vmem_shared>> -> memref<40x32xf32, #tpu.memory_space<vmem_shared>>
      tpu.wait_dma2 semaphore(%run_scoped3A_201 : memref<!tpu.dma_semaphore, #tpu.memory_space<semaphore_mem>>) src(%dma_wait3A_210 : memref<40x32xf32, #tpu.memory_space<vmem_shared>>) dst(%dma_wait3A_208 : memref<40x32xf32, #tpu.memory_space<hbm>>)
      tpu.yield
    }) : () -> ()
    return
  }
}

module attributes {stable_mosaic.version = 14 : i64} {
  func.func @_pre_body(%arg0: i32, %arg1: memref<1000x128xf32, #tpu.memory_space<vmem>>, %arg2: memref<128x128xf32, #tpu.memory_space<vmem>>, %arg3: memref<128x8xf32, #tpu.memory_space<vmem>>, %arg4: memref<1000x128xf32, #tpu.memory_space<vmem>>, %arg5: memref<1000x8xf32, #tpu.memory_space<vmem>>) attributes {dimension_semantics = [#tpu.dimension_semantics<arbitrary>], iteration_bounds = array<i64: 10>, scalar_prefetch = 0 : i64, scratch_operands = 0 : i64, tpu.core_type = #tpu.core_type<tc>, window_params = [{transform_indices = @transform_0, window_bounds = array<i64: 1000, 128>}, {pipeline_mode = #tpu.pipeline_mode<synchronous>, transform_indices = @transform_1, window_bounds = array<i64: 128, 128>}, {pipeline_mode = #tpu.pipeline_mode<synchronous>, transform_indices = @transform_2, window_bounds = array<i64: 128, 8>}, {transform_indices = @transform_3, window_bounds = array<i64: 1000, 128>}, {transform_indices = @transform_4, window_bounds = array<i64: 1000, 8>}]} {
    %get3A = arith.constant 0 : index
    %get3A_0 = arith.constant 0 : index
    %get3A_1 = vector.load %arg1[%get3A, %get3A_0] : memref<1000x128xf32, #tpu.memory_space<vmem>>, vector<1000x128xf32>
    %get3A_2 = arith.constant 0 : index
    %get3A_3 = arith.constant 0 : index
    %get3A_4 = vector.load %arg2[%get3A_2, %get3A_3] : memref<128x128xf32, #tpu.memory_space<vmem>>, vector<128x128xf32>
    %dot_general3A = arith.constant dense<0.000000e+00> : vector<1000x128xf32>
    %dot_general3A_5 = tpu.matmul %get3A_1, %get3A_4, %dot_general3A {dimension_numbers = #tpu.dot_dimension_numbers<[1], [0], [0], [1], [0, 0, 1, 1], [], []>, transpose_lhs_hint = false} : vector<1000x128xf32>, vector<128x128xf32>, vector<1000x128xf32> -> vector<1000x128xf32>
    %swap3A = arith.constant 0 : index
    %swap3A_6 = arith.constant 0 : index
    %swap3A_7 = vector.load %arg4[%swap3A, %swap3A_6] : memref<1000x128xf32, #tpu.memory_space<vmem>>, vector<1000x128xf32>
    tpu.vector_store %arg4[%swap3A, %swap3A_6], %dot_general3A_5 {strides = array<i32>} : memref<1000x128xf32, #tpu.memory_space<vmem>>, vector<1000x128xf32>,
    %get3A_8 = arith.constant 0 : index
    %get3A_9 = arith.constant 0 : index
    %get3A_10 = vector.load %arg3[%get3A_8, %get3A_9] : memref<128x8xf32, #tpu.memory_space<vmem>>, vector<128x8xf32>
    %dot_general3A_11 = arith.constant dense<0.000000e+00> : vector<1000x8xf32>
    %dot_general3A_12 = tpu.matmul %dot_general3A_5, %get3A_10, %dot_general3A_11 {dimension_numbers = #tpu.dot_dimension_numbers<[1], [0], [0], [1], [0, 0, 1, 1], [], []>, transpose_lhs_hint = false} : vector<1000x128xf32>, vector<128x8xf32>, vector<1000x8xf32> -> vector<1000x8xf32>
    %swap3A_13 = arith.constant 0 : index
    %swap3A_14 = arith.constant 0 : index
    %swap3A_15 = vector.load %arg5[%swap3A_13, %swap3A_14] : memref<1000x8xf32, #tpu.memory_space<vmem>>, vector<1000x8xf32>
    tpu.vector_store %arg5[%swap3A_13, %swap3A_14], %dot_general3A_12 {strides = array<i32>} : memref<1000x8xf32, #tpu.memory_space<vmem>>, vector<1000x8xf32>,
    return
  }
  func.func @transform_0(%arg0: i32) -> (i32, i32) {
    %c0_i32 = arith.constant 0 : i32
    %c0_i32_0 = arith.constant 0 : i32
    return %arg0, %c0_i32 : i32, i32
  }
  func.func @transform_1(%arg0: i32) -> (i32, i32) {
    %c0_i32 = arith.constant 0 : i32
    %c0_i32_0 = arith.constant 0 : i32
    %c0_i32_1 = arith.constant 0 : i32
    return %c0_i32, %c0_i32_0 : i32, i32
  }
  func.func @transform_2(%arg0: i32) -> (i32, i32) {
    %c0_i32 = arith.constant 0 : i32
    %c0_i32_0 = arith.constant 0 : i32
    %c0_i32_1 = arith.constant 0 : i32
    return %c0_i32, %c0_i32_0 : i32, i32
  }
  func.func @transform_3(%arg0: i32) -> (i32, i32) {
    %c0_i32 = arith.constant 0 : i32
    %c0_i32_0 = arith.constant 0 : i32
    return %arg0, %c0_i32 : i32, i32
  }
  func.func @transform_4(%arg0: i32) -> (i32, i32) {
    %c0_i32 = arith.constant 0 : i32
    %c0_i32_0 = arith.constant 0 : i32
    return %arg0, %c0_i32 : i32, i32
  }
}

module attributes {stable_mosaic.version = 14 : i64} {
  func.func @_post_body(%arg0: i32, %arg1: memref<2x1000x64xf32, #tpu.memory_space<vmem>>, %arg2: memref<1000x4xf32, #tpu.memory_space<vmem>>, %arg3: memref<1000x128xf32, #tpu.memory_space<vmem>>, %arg4: memref<1000x8xf32, #tpu.memory_space<vmem>>, %arg5: memref<4x128xf32, #tpu.memory_space<vmem>>, %arg6: memref<1x128xf32, #tpu.memory_space<vmem>>, %arg7: memref<1x128xf32, #tpu.memory_space<vmem>>, %arg8: memref<1x128xf32, #tpu.memory_space<vmem>>, %arg9: memref<1000x128xf32, #tpu.memory_space<vmem>>) attributes {dimension_semantics = [#tpu.dimension_semantics<arbitrary>], iteration_bounds = array<i64: 10>, scalar_prefetch = 0 : i64, scratch_operands = 0 : i64, tpu.core_type = #tpu.core_type<tc>, window_params = [{transform_indices = @transform_0, window_bounds = array<i64: 2, 1000, 64>}, {transform_indices = @transform_1, window_bounds = array<i64: 1000, 4>}, {transform_indices = @transform_2, window_bounds = array<i64: 1000, 128>}, {transform_indices = @transform_3, window_bounds = array<i64: 1000, 8>}, {pipeline_mode = #tpu.pipeline_mode<synchronous>, transform_indices = @transform_4, window_bounds = array<i64: 4, 128>}, {pipeline_mode = #tpu.pipeline_mode<synchronous>, transform_indices = @transform_5, window_bounds = array<i64: 1, 128>}, {pipeline_mode = #tpu.pipeline_mode<synchronous>, transform_indices = @transform_6, window_bounds = array<i64: 1, 128>}, {pipeline_mode = #tpu.pipeline_mode<synchronous>, transform_indices = @transform_7, window_bounds = array<i64: 1, 128>}, {transform_indices = @transform_8, window_bounds = array<i64: 1000, 128>}]} {
    %get3A = arith.constant 0 : index
    %get3A_0 = arith.constant 0 : index
    %get3A_1 = vector.load %arg4[%get3A, %get3A_0] : memref<1000x8xf32, #tpu.memory_space<vmem>>, vector<1000x8xf32>
    %slice3A = vector.extract_strided_slice %get3A_1 {offsets = [0, 0], sizes = [1000, 4], strides = [1, 1]} : vector<1000x8xf32> to vector<1000x4xf32>
    %slice3A_2 = vector.extract_strided_slice %get3A_1 {offsets = [0, 4], sizes = [1000, 4], strides = [1, 1]} : vector<1000x8xf32> to vector<1000x4xf32>
    %add3A = arith.addf %slice3A, %slice3A_2 : vector<1000x4xf32>
    %ge3A = arith.constant 0.000000e+00 : f32
    %ge3A_3 = vector.broadcast %ge3A : f32 to vector<1000x4xf32>
    %ge3A_4 = arith.cmpf oge, %add3A, %ge3A_3 : vector<1000x4xf32>
    %mul3A = arith.constant 2.000000e-01 : f32
    %mul3A_5 = vector.broadcast %mul3A : f32 to vector<1000x4xf32>
    %mul3A_6 = arith.mulf %add3A, %mul3A_5 : vector<1000x4xf32>
    %select_n3A = arith.select %ge3A_4, %add3A, %mul3A_6 : vector<1000x4xi1>, vector<1000x4xf32>
    %exp3A = math.exp %select_n3A : vector<1000x4xf32>
    %get3A_7 = arith.constant 0 : index
    %get3A_8 = arith.constant 0 : index
    %get3A_9 = vector.load %arg5[%get3A_7, %get3A_8] : memref<4x128xf32, #tpu.memory_space<vmem>>, vector<4x128xf32>
    %get3A_10 = arith.constant 0 : index
    %get3A_11 = arith.constant 0 : index
    %get3A_12 = arith.constant 0 : index
    %get3A_13 = vector.load %arg1[%get3A_10, %get3A_11, %get3A_12] : memref<2x1000x64xf32, #tpu.memory_space<vmem>>, vector<1x1000x64xf32>
    %get3A_14 = vector.shape_cast %get3A_13 : vector<1x1000x64xf32> to vector<1000x64xf32>
    %get3A_15 = arith.constant 1 : index
    %get3A_16 = arith.constant 0 : index
    %get3A_17 = arith.constant 0 : index
    %get3A_18 = vector.load %arg1[%get3A_15, %get3A_16, %get3A_17] : memref<2x1000x64xf32, #tpu.memory_space<vmem>>, vector<1x1000x64xf32>
    %get3A_19 = vector.shape_cast %get3A_18 : vector<1x1000x64xf32> to vector<1000x64xf32>
    %get3A_20 = arith.constant 0 : index
    %get3A_21 = arith.constant 0 : index
    %get3A_22 = vector.load %arg3[%get3A_20, %get3A_21] : memref<1000x128xf32, #tpu.memory_space<vmem>>, vector<1000x128xf32>
    %concatenate3A = tpu.concatenate %get3A_14, %get3A_19 in 1 : vector<1000x64xf32>, vector<1000x64xf32> -> vector<1000x128xf32>
    %dot_general3A = arith.constant dense<0.000000e+00> : vector<1000x128xf32>
    %dot_general3A_23 = tpu.matmul %exp3A, %get3A_9, %dot_general3A {dimension_numbers = #tpu.dot_dimension_numbers<[1], [0], [0], [1], [0, 0, 1, 1], [], []>, transpose_lhs_hint = false} : vector<1000x4xf32>, vector<4x128xf32>, vector<1000x128xf32> -> vector<1000x128xf32>
    %mul3A_24 = arith.mulf %dot_general3A_23, %get3A_22 : vector<1000x128xf32>
    %add3A_25 = arith.addf %concatenate3A, %mul3A_24 : vector<1000x128xf32>
    %get3A_26 = arith.constant 0 : index
    %get3A_27 = arith.constant 0 : index
    %get3A_28 = vector.load %arg2[%get3A_26, %get3A_27] : memref<1000x4xf32, #tpu.memory_space<vmem>>, vector<1000x4xf32>
    %add3A_29 = arith.addf %get3A_28, %exp3A : vector<1000x4xf32>
    %dot_general3A_30 = arith.constant dense<0.000000e+00> : vector<1000x128xf32>
    %dot_general3A_31 = tpu.matmul %add3A_29, %get3A_9, %dot_general3A_30 {dimension_numbers = #tpu.dot_dimension_numbers<[1], [0], [0], [1], [0, 0, 1, 1], [], []>, transpose_lhs_hint = false} : vector<1000x4xf32>, vector<4x128xf32>, vector<1000x128xf32> -> vector<1000x128xf32>
    %div3A = arith.divf %add3A_25, %dot_general3A_31 : vector<1000x128xf32>
    %get3A_32 = arith.constant 0 : index
    %get3A_33 = arith.constant 0 : index
    %get3A_34 = vector.load %arg6[%get3A_32, %get3A_33] : memref<1x128xf32, #tpu.memory_space<vmem>>, vector<1x128xf32>
    %add3A_35 = vector.broadcast %get3A_34 : vector<1x128xf32> to vector<1000x128xf32>
    %add3A_36 = arith.addf %div3A, %add3A_35 : vector<1000x128xf32>
    %reduce_sum3A = arith.constant dense<0.000000e+00> : vector<1000xf32>
    %reduce_sum3A_37 = vector.multi_reduction <add>, %add3A_36, %reduce_sum3A [1] : vector<1000x128xf32> to vector<1000xf32>
    %broadcast_in_dim3A = vector.shape_cast %reduce_sum3A_37 : vector<1000xf32> to vector<1000x1xf32>
    %div3A_38 = arith.constant 1.280000e+02 : f32
    %div3A_39 = vector.broadcast %div3A_38 : f32 to vector<1000x1xf32>
    %div3A_40 = arith.divf %broadcast_in_dim3A, %div3A_39 : vector<1000x1xf32>
    %sub3A = vector.broadcast %div3A_40 : vector<1000x1xf32> to vector<1000x128xf32>
    %sub3A_41 = arith.subf %add3A_36, %sub3A : vector<1000x128xf32>
    %mul3A_42 = arith.mulf %sub3A_41, %sub3A_41 : vector<1000x128xf32>
    %reduce_sum3A_43 = arith.constant dense<0.000000e+00> : vector<1000xf32>
    %reduce_sum3A_44 = vector.multi_reduction <add>, %mul3A_42, %reduce_sum3A_43 [1] : vector<1000x128xf32> to vector<1000xf32>
    %broadcast_in_dim3A_45 = vector.shape_cast %reduce_sum3A_44 : vector<1000xf32> to vector<1000x1xf32>
    %div3A_46 = arith.constant 1.280000e+02 : f32
    %div3A_47 = vector.broadcast %div3A_46 : f32 to vector<1000x1xf32>
    %div3A_48 = arith.divf %broadcast_in_dim3A_45, %div3A_47 : vector<1000x1xf32>
    %add3A_49 = arith.constant 9.99999974E-6 : f32
    %add3A_50 = vector.broadcast %add3A_49 : f32 to vector<1000x1xf32>
    %add3A_51 = arith.addf %div3A_48, %add3A_50 : vector<1000x1xf32>
    %rsqrt3A = math.rsqrt %add3A_51 : vector<1000x1xf32>
    %mul3A_52 = vector.broadcast %rsqrt3A : vector<1000x1xf32> to vector<1000x128xf32>
    %mul3A_53 = arith.mulf %sub3A_41, %mul3A_52 : vector<1000x128xf32>
    %get3A_54 = arith.constant 0 : index
    %get3A_55 = arith.constant 0 : index
    %get3A_56 = vector.load %arg7[%get3A_54, %get3A_55] : memref<1x128xf32, #tpu.memory_space<vmem>>, vector<1x128xf32>
    %mul3A_57 = vector.broadcast %get3A_56 : vector<1x128xf32> to vector<1000x128xf32>
    %mul3A_58 = arith.mulf %mul3A_53, %mul3A_57 : vector<1000x128xf32>
    %get3A_59 = arith.constant 0 : index
    %get3A_60 = arith.constant 0 : index
    %get3A_61 = vector.load %arg8[%get3A_59, %get3A_60] : memref<1x128xf32, #tpu.memory_space<vmem>>, vector<1x128xf32>
    %add3A_62 = vector.broadcast %get3A_61 : vector<1x128xf32> to vector<1000x128xf32>
    %add3A_63 = arith.addf %mul3A_58, %add3A_62 : vector<1000x128xf32>
    %swap3A = arith.constant 0 : index
    %swap3A_64 = arith.constant 0 : index
    %swap3A_65 = vector.load %arg9[%swap3A, %swap3A_64] : memref<1000x128xf32, #tpu.memory_space<vmem>>, vector<1000x128xf32>
    tpu.vector_store %arg9[%swap3A, %swap3A_64], %add3A_63 {strides = array<i32>} : memref<1000x128xf32, #tpu.memory_space<vmem>>, vector<1000x128xf32>,
    return
  }
  func.func @transform_0(%arg0: i32) -> (i32, i32, i32) {
    %c0_i32 = arith.constant 0 : i32
    %c0_i32_0 = arith.constant 0 : i32
    %c0_i32_1 = arith.constant 0 : i32
    return %c0_i32, %arg0, %c0_i32_0 : i32, i32, i32
  }
  func.func @transform_1(%arg0: i32) -> (i32, i32) {
    %c0_i32 = arith.constant 0 : i32
    %c0_i32_0 = arith.constant 0 : i32
    return %arg0, %c0_i32 : i32, i32
  }
  func.func @transform_2(%arg0: i32) -> (i32, i32) {
    %c0_i32 = arith.constant 0 : i32
    %c0_i32_0 = arith.constant 0 : i32
    return %arg0, %c0_i32 : i32, i32
  }
  func.func @transform_3(%arg0: i32) -> (i32, i32) {
    %c0_i32 = arith.constant 0 : i32
    %c0_i32_0 = arith.constant 0 : i32
    return %arg0, %c0_i32 : i32, i32
  }
  func.func @transform_4(%arg0: i32) -> (i32, i32) {
    %c0_i32 = arith.constant 0 : i32
    %c0_i32_0 = arith.constant 0 : i32
    %c0_i32_1 = arith.constant 0 : i32
    return %c0_i32, %c0_i32_0 : i32, i32
  }
  func.func @transform_5(%arg0: i32) -> (i32, i32) {
    %c0_i32 = arith.constant 0 : i32
    %c0_i32_0 = arith.constant 0 : i32
    %c0_i32_1 = arith.constant 0 : i32
    return %c0_i32, %c0_i32_0 : i32, i32
  }
  func.func @transform_6(%arg0: i32) -> (i32, i32) {
    %c0_i32 = arith.constant 0 : i32
    %c0_i32_0 = arith.constant 0 : i32
    %c0_i32_1 = arith.constant 0 : i32
    return %c0_i32, %c0_i32_0 : i32, i32
  }
  func.func @transform_7(%arg0: i32) -> (i32, i32) {
    %c0_i32 = arith.constant 0 : i32
    %c0_i32_0 = arith.constant 0 : i32
    %c0_i32_1 = arith.constant 0 : i32
    return %c0_i32, %c0_i32_0 : i32, i32
  }
  func.func @transform_8(%arg0: i32) -> (i32, i32) {
    %c0_i32 = arith.constant 0 : i32
    %c0_i32_0 = arith.constant 0 : i32
    return %arg0, %c0_i32 : i32, i32
  }
}

</mosaic_0001>

<sc_bundles>
// kernel: kernel.5.cloned.1.call-start
scs
__scs_entry_jumppad:
0x0: {  	(pc) =	sbr.rel $0x88, $3  }
0x1: {  	(tag) =	ssettag $0x0;
	lr =	simm.s32 $0x1  }
0x2: {  	[smem:$0x3F99] =	sst lr;
	_ =	strace $0xD0000000  }
0x3: {  	_ = 	snop  }
0x4: {  	_ = 	snop  }
0x5: {  	_ = 	snop  }
0x6: {  	_ = 	snop  }
0x7: {  	_ = 	snop  }
__scs_overlays_trampoline_lowered:
0x8: {  	[smem:$0x3FA8] =	sst s0  }
0x9: {  	[smem:$0x3FA9] =	sst s1  }
0xa: {  	[smem:$0x3FAA] =	sst s2  }
0xb: {  	[smem:$0x3FAB] =	sst s3  }
0xc: {  	[smem:$0x3FAC] =	sst s4  }
0xd: {  	[smem:$0x3FAD] =	sst s5  }
0xe: {  	[smem:$0x3FAE] =	sst s6  }
0xf: {  	[smem:$0x3FAF] =	sst s7  }
0x10: {  	[smem:$0x3FB0] =	sst s8  }
0x11: {  	[smem:$0x3FB1] =	sst s9;
	s0 =	simm.s32 @!p0 $0x0  }
0x12: {  	s1 =	sld [smem:$0x3F97];
	s0 =	simm.s32 @p0 $0x1  }
0x13: {  	[smem:$0x3FB2] =	sst s0;
	s0 =	simm.s32 @!p1 $0x0  }
0x14: {  	s2 =	sld [smem:$0x3F96];
	s0 =	simm.s32 @p1 $0x1  }
0x15: {  	[smem:$0x3FB3] =	sst s0;
	s0 =	simm.s32 @!p2 $0x0  }
0x16: {  	s3 =	sld [smem:$0x3FDB];
	s0 =	simm.s32 @p2 $0x1  }
0x17: {  	s4 =	simm.s32 $0x1BF5;
	[smem:$0x3FB5] =	sst s0  }
0x18: {  	s0 =	sld [smem:$0x3F98];
	_ =	swait.ge [sflag:s4], $0x0  }
0x19: {  	s7 =	sld [smem:$0x3F99]  }
0x1a: {  	s8 =	sadd.s32 $0xFFFFE003, lr  }
0x1b: {  	s9 =	sadd.s32 $0xFFFFFEF7, lr;
	s5 =	simm.s32 $0xFFFFFFFF;
	p2 =	slt.u32 s8, $0xFFFFF086  }
0x1c: {  	p1 =	slt.u32 s9, $0xF7A;
	s5 =	simm.s32 @!p2 $0x0  }
0x1d: {  	s5 =	simm.s32 @p1 $0x1;
	p0 =	seq.s32 s7, s2  }
0x1e: {  	s7 =	smul.u32 @!p0 $0xF7A, s2;
	p2 =	seq.s32 @!p0 s5, $0x0  }
0x1f: {  	s9 =	smul.u32 $0xF7A, s1;
	s8 =	simm.s32 @!p0 $0x1BF5;
	p2 =	por !p2, p0  }
0x20: {  	[sflag:s8] =	ssyncset.s32 @!p0 $0xFFFFF086;
	s6 =	sadd.s32 @!p0 s3, s7;
	s7 =	simm.s32 @!p0 $0x108  }
0x21: {  	s3 =	sadd.s32 s3, s9;
	s6 =	sadd.s32 @!p0 $0x88, s6;
	s7 =	simm.s32 @p2 $0x1082  }
0x22: {  	[simem:s7], [sflag:s8] =	dma.local @!p0 [hbm:s6], $0xF7A  }
0x23: {  	s9 =	sor.u32 $0xD0000000, s2;
	s6 =	simm.s32 $0x108;
	_ =	swait.ge @!p0 [sflag:s8], $0x0  }
0x24: {  	s3 =	sadd.s32 $0x88, s3;
	s6 =	simm.s32 @!p1 $0x1082;
	[sflag:s4] =	ssyncset.s32 $0xFFFFF086  }
0x25: {  	[simem:s6], [sflag:s4] =	dma.local [hbm:s3], $0xF7A  }
0x26: {  	[smem:$0x3F99] =	sst s1;
	(tag) =	ssettag s2;
	_ =	strace s9  }
0x27: {  	s1 =	sld [smem:$0x3FA9]  }
0x28: {  	s2 =	sld [smem:$0x3FAA]  }
0x29: {  	s4 =	sld [smem:$0x3FAC]  }
0x2a: {  	p0 =	seq.s32 s5, $0x0;
	s5 =	sld [smem:$0x3FAD]  }
0x2b: {  	s6 =	sld [smem:$0x3FAE]  }
0x2c: {  	s7 =	sld [smem:$0x3FAF]  }
0x2d: {  	s3 =	simm.s32 $0x108;
	s8 =	sld [smem:$0x3FB0]  }
0x2e: {  	s3 =	simm.s32 @!p0 $0x1082;
	s9 =	sld [smem:$0x3FB1]  }
0x2f: {  	lr =	sadd.s32 s0, s3;
	s0 =	sld [smem:$0x3FA8]  }
0x30: {  	s3 =	sld [smem:$0x3FAB]  }
0x31: {  	[smem:$0x3FB4] =	sst s10  }
0x32: {  	s10 =	sld [smem:$0x3FB2];
	_ =	sdelay $0x3  }
0x33: {  	p0 =	seq.s32 s10, $0x1;
	s10 =	sld [smem:$0x3FB4];
	_ =	sdelay $0x3  }
0x34: {  	[smem:$0x3FB4] =	sst s10  }
0x35: {  	s10 =	sld [smem:$0x3FB3];
	_ =	sdelay $0x3  }
0x36: {  	p1 =	seq.s32 s10, $0x1;
	s10 =	sld [smem:$0x3FB4];
	_ =	sdelay $0x3  }
0x37: {  	[smem:$0x3FB4] =	sst s10  }
0x38: {  	s10 =	sld [smem:$0x3FB5]  }
0x39: {  	_ = 	snop;
	(pc) =	sbr.ind lr, $3  }
0x3a: {  	_ = 	snop  }
0x3b: {  	_ = 	snop  }
0x3c: {  	p2 =	seq.s32 s10, $0x1;
	s10 =	sld [smem:$0x3FB4]  }
0x3d: {  	_ =	shalt  }
0x3e: {  	_ =	shalt  }
0x3f: {  	_ =	shalt  }
0x40: {  	_ =	shalt  }
0x41: {  	_ =	shalt  }
0x42: {  	_ =	shalt  }
0x43: {  	_ =	shalt  }
0x44: {  	_ =	shalt  }
0x45: {  	_ =	shalt  }
0x46: {  	_ =	shalt  }
0x47: {  	_ =	shalt  }
0x48: {  	_ =	shalt  }
0x49: {  	_ =	shalt  }
0x4a: {  	_ =	shalt  }
0x4b: {  	_ =	shalt  }
0x4c: {  	_ =	shalt  }
0x4d: {  	_ =	shalt  }
0x4e: {  	_ =	shalt  }
0x4f: {  	_ =	shalt  }
0x50: {  	_ =	shalt  }
0x51: {  	_ =	shalt  }
0x52: {  	_ =	shalt  }
0x53: {  	_ =	shalt  }
0x54: {  	_ =	shalt  }
0x55: {  	_ =	shalt  }
0x56: {  	_ =	shalt  }
0x57: {  	_ =	shalt  }
0x58: {  	_ =	shalt  }
0x59: {  	_ =	shalt  }
0x5a: {  	_ =	shalt  }
0x5b: {  	_ =	shalt  }
0x5c: {  	_ =	shalt  }
0x5d: {  	_ =	shalt  }
0x5e: {  	_ =	shalt  }
0x5f: {  	_ =	shalt  }
0x60: {  	_ =	shalt  }
0x61: {  	_ =	shalt  }
0x62: {  	_ =	shalt  }
0x63: {  	_ =	shalt  }
0x64: {  	_ =	shalt  }
0x65: {  	_ =	shalt  }
0x66: {  	_ =	shalt  }
0x67: {  	_ =	shalt  }
0x68: {  	_ =	shalt  }
0x69: {  	_ =	shalt  }
0x6a: {  	_ =	shalt  }
0x6b: {  	_ =	shalt  }
0x6c: {  	_ =	shalt  }
0x6d: {  	_ =	shalt  }
0x6e: {  	_ =	shalt  }
0x6f: {  	_ =	shalt  }
0x70: {  	_ =	shalt  }
0x71: {  	_ =	shalt  }
0x72: {  	_ =	shalt  }
0x73: {  	_ =	shalt  }
0x74: {  	_ =	shalt  }
0x75: {  	_ =	shalt  }
0x76: {  	_ =	shalt  }
0x77: {  	_ =	shalt  }
0x78: {  	_ =	shalt  }
0x79: {  	_ =	shalt  }
0x7a: {  	_ =	shalt  }
0x7b: {  	_ =	shalt  }
0x7c: {  	_ =	shalt  }
0x7d: {  	_ =	shalt  }
0x7e: {  	_ =	shalt  }
0x7f: {  	_ =	shalt  }
0x80: {  	_ =	shalt  }
0x81: {  	_ =	shalt  }
0x82: {  	_ =	shalt  }
0x83: {  	_ =	shalt  }
0x84: {  	_ =	shalt  }
0x85: {  	_ =	shalt  }
0x86: {  	_ =	shalt  }
0x87: {  	_ =	shalt  }
.Lfunc_end0:
.L_simem_size_0:
called_computation_lowered:
.L_overlay_start_0:
0x88: {  	s2 =	sld [smem:$0x3FD9]  }
0x89: {  	s3 =	sld [smem:$0x3FFE];
	_ =	sdelay $0x1  }
0x8a: {  	s1 =	srdreg.scid  }
0x8b: {  	s0 =	sand.u32 $0x1, s1  }
0x8c: {  	s17 =	sshll.u32 s0, $0xA;
	s2 =	sadd.s32 s3, s2  }
0x8d: {  	s2 =	sadd.s32 s2, s17  }
0x8e: {  	[smem:$0x3FC0] =	sst s2  }
0x8f: {  	_ = 	snop  }
0x90: {  	s2 =	sld [smem:$0x3FD0];
	(tm) =	ssettm $0x1  }
0x91: {  	s18 =	sld [smem:$0x3FFB];
	_ =	sdelay $0x3  }
0x92: {  	_ =	strace s18  }
0x93: {  	s3 =	sld [smem:$0x3FFC];
	_ =	sdelay $0x3  }
0x94: {  	_ =	strace s3  }
0x95: {  	s3 =	sld [smem:$0x3FFD];
	_ =	sdelay $0x3  }
0x96: {  	_ =	strace s3  }
0x97: {  	_ =	strace $0x8FFFFFFF  }
0x98: {  	s19 =	sld [smem:$0x3FDB];
	_ =	sdelay $0x1  }
0x99: {  	s4 =	simm.s32 $_scs_section_size  }
0x9a: {  	s5 =	simm.s32 $_size__tile_overlayer_lowered;
	s6 =	simm.s32 $_tile_overlayer_lowered  }
0x9b: {  	s22 =	simm.s32 $0x1BFF;
	s21 =	sshll.u32 s6, $0x1;
	s3 =	sadd.s32 s4, s19  }
0x9c: {  	s7 =	simm.s32 $0x0;
	s20 =	sshll.u32 s5, $0x1;
	s5 =	sadd.s32 s21, s3  }
0x9d: {  	[timem:s7], [sflag:s22] =	dma.local [hbm:s5], s20  }
0x9e: {  	_ =	swait.ge [sflag:s22], s20  }
0x9f: {  	s4 =	ssub.s32 $0x0, s20;
	[sflag:s22] =	ssyncset.done $0x0  }
0xa0: {  	[sflag:s22] =	ssyncadd.s32 s4;
	_ =	sdelay $0x1  }
0xa1: {  	s23 =	simm.s32 $0x1B8B  }
0xa2: {  	_ =	swait.ge [sflag:s23], $0x1  }
0xa3: {  	[sflag:s23] =	ssyncset.done $0x0  }
0xa4: {  	s25 =	simm.s32 $0x1B8E;
	s24 =	sld [smem:$0x3FFE];
	[sflag:s23] =	ssyncadd.s32 $0xFFFFFFFF  }
0xa5: {  	s26 =	simm.s32 $execute0_lowered;
	[smem:$0x3FD2] =	sst s25  }
0xa6: {  	s5 =	sshll.u32 s26, $0x1;
	_ =	strace $0x80000046;
	[dreg:$0x1] =	wrdreg $0xFFFFFFFF  }
0xa7: {  	s28 =	simm.s32 $_size_execute0_lowered;
	s3 =	sadd.s32 s3, s5;
	[dreg:$0x0] =	wrdreg $0x0  }
0xa8: {  	s5 =	sshll.u32 s28, $0x1;
	[dreg:$0x2] =	wrdreg s3  }
0xa9: {  	[dreg:$0x3] =	wrdreg s5  }
0xaa: {  	[dreg:$0x4] =	wrdreg $0xC0  }
0xab: {  	_ =	task [dreg:s7], $0x5FFFF  }
0xac: {  	[dreg:$0x1] =	wrdreg $0xFFFFFFFF  }
0xad: {  	[dreg:$0x0] =	wrdreg $0x60  }
0xae: {  	[dreg:$0x2] =	wrdreg s2  }
0xaf: {  	[dreg:$0x3] =	wrdreg s24  }
0xb0: {  	[dreg:$0x4] =	wrdreg $0x118A00  }
0xb1: {  	[dreg:$0x5] =	wrdreg $0x1B8A00  }
0xb2: {  	[dreg:$0x6] =	wrdreg $0x9  }
0xb3: {  	_ =	task.clear_ibuf [dreg:s7], $0x7FFFF;
	_ =	strace $0x90000046  }
0xb4: {  	s29 =	simm.s32 $0x9;
	_ =	strace $0x80000048  }
0xb5: {  	_ =	swait.ge [sflag:s29], $0x1  }
0xb6: {  	[sflag:s29] =	ssyncadd.s32 $0xFFFFFFFF  }
0xb7: {  	_ =	strace $0x90000048  }
0xb8: {  	_ =	sfence  }
0xb9: {  	s30 =	sld [smem:$0x0];
	_ =	sdelay $0x2  }
0xba: {  	s31 =	sshll.u32 s1, $0xD;
	s1 =	sshrl.u32 s1, $0x2  }
0xbb: {  	s3 =	sand.u32 $0x4000, s31;
	s1 =	sadd.s32 s1, s30  }
0xbc: {  	s0 =	sor.u32 s3, s0;
	s1 =	sshll.u32 s1, $0x11  }
0xbd: {  	s0 =	sor.u32 s1, s0  }
0xbe: {  	s0 =	sadd.s32 $0x8F2B, s0  }
0xbf: {  	[sflag:s0] =	ssyncadd.remote.s32 $0x1  }
0xc0: {  	_ =	sfence.sel $0xFFFF  }
0xc1: {  	[dreg:$0x0] =	wrdreg $0xFFFFFFFF;
	(pc) =	sbr.abs _section_cstart, $3  }
0xc2: {  	[dreg:$0x1] =	wrdreg $0xFFFFFFFF  }
0xc3: {  	_ =	task.clear_ibuf [dreg:s7], $0x2FFFF;
	_ =	strace $0x9FFFFFFF  }
0xc4: {  	(tm) =	ssettm $0x7FFFFFFF  }
0xc5: {  	_ =	shalt  }
tec
execute0_lowered:
.L_overlay_start_1:
0x0: {  	(tag) =	ssettag $0x1  }
0x1: {  	s0 =	rddreg [dreg:$0x0]  }
0x2: {  	s1 =	rddreg [dreg:$0x1];
	s2 =	srdreg.scid  }
0x3: {  	s3 =	rddreg [dreg:$0x2];
	s15 =	stileid.u32  }
0x4: {  	s4 =	rddreg [dreg:$0x3];
	s5 =	simm.s32 $0x0;
	s9 =	smul.u32 $0xA000, s15  }
0x5: {  	s30 =	simm.s32 $0x3;
	s31 =	simm.s32 $0x4E20;
	s10 =	smul.u32 $0x500, s15  }
0x6: {  	s21 =	sand.u32 $0x1, s2;
	[smem:$0x7FF] =	sst s5;
	s14 =	smul.u32 $0x4E20, s15  }
0x7: {  	s6 =	sadd.s32 $0xE600, s1;
	s7 =	sadd.s32 $0x4800, s1;
	s2 =	smul.u32 $0x9C4, s21  }
0x8: {  	s8 =	smul.u32 $0xA0000, s21;
	_ =	strace $0x80000047;
	s12 =	ssub.s32 $0x2, s21  }
0x9: {  	s11 =	smul.u32 $0x5000, s21;
	v1 =	vmov s21;
	s21 =	simm.s32 $0x0;
	s13 =	sshrl.u32 s12, $0x1  }
0xa: {  	s25 =	sshrl.u32 s14, $0x3;
	s16 =	sadd.s32 $0xF0, s14;
	s17 =	sadd.s32 s9, s3  }
0xb: {  	s2 =	sadd.s32 s2, s1;
	s8 =	sadd.s32 s9, s8;
	s11 =	sadd.s32 s10, s11  }
0xc: {  	s23 =	ssub.s32 s12, s13;
	s10 =	sadd.s32 s10, s4;
	s26 =	sadd.s32 s6, s25  }
0xd: {  	s28 =	sadd.s32 $0xA, s25;
	s13 =	smul.u32 $0x28000, s15;
	s15 =	sadd.s32 $0xA0, s14  }
0xe: {  	s9 =	simm.s32 $0x50;
	s24 =	sadd.s32 $0x3400, s2;
	[dreg:$0x7] =	wrdreg s26  }
0xf: {  	s14 =	simm.s32 $0xB4A0;
	s2 =	sadd.s32 $0x2000, s2;
	[dreg:$0x5] =	wrdreg s24  }
0x10: {  	s8 =	sshrl.u32 s8, $0x3;
	s29 =	sadd.s32 s6, s28;
	[dreg:$0x6] =	wrdreg s2  }
0x11: {  	s11 =	sshrl.u32 s11, $0x3;
	s12 =	sadd.s32 s7, s28;
	[dreg:$0x9] =	wrdreg s29  }
0x12: {  	s18 =	smax.u32 s23, $0x1;
	s8 =	sadd.s32 s8, s1;
	[dreg:$0xa] =	wrdreg s12  }
0x13: {  	s1 =	sadd.s32 s11, s1;
	s2 =	sadd.s32 s7, s25;
	[dreg:$0xd] =	wrdreg s18  }
0x14: {  	s24 =	sshrl.u32 s17, $0x3;
	s11 =	simm.s32 $0x9C90;
	[dreg:$0x8] =	wrdreg s2  }
0x15: {  	s8 =	sadd.s32 $0x19800, s8;
	s2 =	sshrl.u32 s13, $0x2;
	[dreg:$0x11] =	wrdreg s24  }
0x16: {  	s1 =	sadd.s32 $0x18400, s1;
	[dreg:$0xb] =	wrdreg s8;
	s20 =	sadd.s32 s2, s3  }
0x17: {  	s12 =	simm.s32 $0x9DD0;
	[dreg:$0xc] =	wrdreg s1;
	s19 =	sadd.s32 $0x1400, s20  }
0x18: {  	s17 =	simm.s32 $0x1;
	s22 =	sadd.s32 $0x2800, s20;
	[dreg:$0xe] =	wrdreg s19  }
0x19: {  	s18 =	simm.s32 $0x2;
	s23 =	sadd.s32 $0x3C00, s20;
	[dreg:$0xf] =	wrdreg s22  }
.Ltmp0:
0x1a: {  	s25 =	sadd.s32 $0x5000, s20;
	[dreg:$0x10] =	wrdreg s23;
	(pc) =	sbr.rel .LBB2_1-.Ltmp0, $4  }
0x1b: {  	s13 =	simm.s32 $0x9D30;
	s26 =	sadd.s32 $0x6400, s20;
	[dreg:$0x12] =	wrdreg s25  }
0x1c: {  	s1 =	simm.s32 $0xA0A0;
	s28 =	sadd.s32 $0x7800, s20;
	[dreg:$0x13] =	wrdreg s26  }
0x1d: {  	v0 =	vlaneseq.u32;
	s2 =	simm.s32 $0xC8A0;
	s29 =	sadd.s32 $0x8C00, s20;
	[dreg:$0x14] =	wrdreg s28  }
0x1e: {  	v2 =	vimm.f32 $0.0e+00;
	v3 =	vmul.u32 $0x40, v0;
	s8 =	simm.s32 $0x9D80;
	[dreg:$0x15] =	wrdreg s29;
	s19 =	simm.s32 $0x80  }
.LBB2_22:
0x1f: {  	s22 =	simm.s32 $0x9E20  }
0x20: {  	[spmem:s4] =	stream.indirect.scatter.add.f32 [tilespmem:s2], [sflag:$0x3], $0x20, s22, s19, $0xb8;
	[tilespmem:$0x1BDA0] =	vst v63  }
0x21: {  	_ =	swait.ge [sflag:s30], $0x1000  }
0x22: {  	[sflag:s30] =	ssyncset.done $0x0  }
0x23: {  	s29 =	simm.s32 $0x9EA0;
	s23 =	simm.s32 $0xD8A0;
	[sflag:s30] =	ssyncadd.s32 $0xFFFFF000  }
0x24: {  	[spmem:s4] =	stream.indirect.scatter.add.f32 [tilespmem:s23], [sflag:$0x3], $0x20, s29, s19, $0xb8;
	[tilespmem:$0x1BDA0] =	vst v63  }
0x25: {  	_ =	swait.ge [sflag:s30], $0x1000  }
0x26: {  	[sflag:s30] =	ssyncset.done $0x0  }
0x27: {  	s24 =	simm.s32 $0xE8A0;
	s23 =	simm.s32 $0x9F20;
	[sflag:s30] =	ssyncadd.s32 $0xFFFFF000  }
0x28: {  	[spmem:s4] =	stream.indirect.scatter.add.f32 [tilespmem:s24], [sflag:$0x3], $0x20, s23, s19, $0xb8;
	[tilespmem:$0x1BDA0] =	vst v63  }
0x29: {  	_ =	swait.ge [sflag:s30], $0x1000  }
0x2a: {  	[sflag:s30] =	ssyncset.done $0x0  }
0x2b: {  	s25 =	simm.s32 $0x9FA0;
	s26 =	simm.s32 $0xF8A0;
	[sflag:s30] =	ssyncadd.s32 $0xFFFFF000  }
0x2c: {  	[spmem:s4] =	stream.indirect.scatter.add.f32 [tilespmem:s26], [sflag:$0x3], $0x20, s25, s19, $0xb8;
	[tilespmem:$0x1BDA0] =	vst v63  }
0x2d: {  	_ =	swait.ge [sflag:s30], $0x1000  }
0x2e: {  	[sflag:s30] =	ssyncset.done $0x0  }
0x2f: {  	s28 =	simm.s32 $0xA020;
	s29 =	simm.s32 $0x108A0;
	[sflag:s30] =	ssyncadd.s32 $0xFFFFF000  }
0x30: {  	[spmem:s4] =	stream.indirect.scatter.add.f32 [tilespmem:s29], [sflag:$0x3], $0x20, s28, s19, $0xb8;
	[tilespmem:$0x1BDA0] =	vst v63  }
0x31: {  	_ =	swait.ge [sflag:s30], $0x1000  }
0x32: {  	[sflag:s30] =	ssyncset.done $0x0  }
0x33: {  	[sflag:s30] =	ssyncadd.s32 $0xFFFFF000  }
0x34: {  	s24 =	stileid.u32;
	[bflag:$0x0] =	sbarrier.arrive $0xFFFF  }
0x35: {  	s22 =	sshll.u32 s24, $0x6;
	s25 =	rddreg [dreg:$0xb]  }
0x36: {  	s22 =	sor.u32 $0x1C03, s22;
	s24 =	rddreg [dreg:$0x11]  }
0x37: {  	[hbm:s25], [sflag:s22] =	dma.local [spmem:s24], $0x1400  }
0x38: {  	_ =	swait.ge [sflag:s30], $0x1400  }
0x39: {  	[sflag:s30] =	ssyncset.done $0x0  }
0x3a: {  	s26 =	sshrl.u32 s10, $0x3;
	s28 =	rddreg [dreg:$0xc];
	[sflag:s30] =	ssyncadd.s32 $0xFFFFEC00  }
0x3b: {  	[hbm:s28], [sflag:s22] =	dma.local [spmem:s26], $0xA0  }
0x3c: {  	_ =	swait.ge [sflag:s30], $0xA0  }
0x3d: {  	s21 =	sadd.s32 $0x1, s21;
	s29 =	rddreg [dreg:$0xd]  }
0x3e: {  	p0 =	sne.s32 s21, s29  }
.Ltmp1:
0x3f: {  	_ = 	snop;
	(pc) =	sbr.rel @!p0 .LBB2_23-.Ltmp1, $3  }
0x40: {  	_ =	sdelay $0x1  }
0x41: {  	[sflag:s30] =	ssyncset.done $0x0  }
0x42: {  	[sflag:s30] =	ssyncadd.s32 $0xFFFFFF60  }
.LBB2_1:
0x43: {  	s22 =	rddreg [dreg:$0x5]  }
0x44: {  	[tilespmem:s5], [sflag:$0x3] =	stream.linear.gather [hbm4b:s22+s5], $0x4E20, $0x38;
	[tilespmem:$0x1BDA0] =	vst v63  }
0x45: {  	_ =	swait.ge [sflag:s30], $0x4E20  }
0x46: {  	[sflag:s30] =	ssyncset.done $0x0  }
0x47: {  	s28 =	rddreg [dreg:$0x6];
	[sflag:s30] =	ssyncadd.s32 $0xFFFFB1E0  }
0x48: {  	[tilespmem:s31], [sflag:$0x3] =	stream.linear.gather [hbm4b:s28+s5], $0x4E20, $0x38;
	[tilespmem:$0x1BDA0] =	vst v63  }
0x49: {  	s29 =	sand.u32 $0x7F00, s5;
	s24 =	sand.u32 $0x30, s5;
	_ =	swait.ge [sflag:s30], $0x4E20  }
0x4a: {  	s23 =	simm.s32 $0x40;
	s22 =	sshrl.u32 s29, $0x2;
	[sflag:s30] =	ssyncset.done $0x0  }
0x4b: {  	s25 =	sor.u32 s24, s22;
	s24 =	simm.s32 $0x0;
	[sflag:s30] =	ssyncadd.s32 $0xFFFFB1E0  }
.LBB2_2:
0x4c: {  	p0 =	sne.s32 s23, $0x4FC0  }
0x4d: {  	[tilespmem:s25+$0xA0A0] =	vst v2;
	s24 =	sadd.s32 $0x10, s24;
	s22 =	smov.u32 s23;
	s23 =	sadd.s32 $0x40, s23  }
.Ltmp2:
0x4e: {  	(pc) =	sbr.rel @p0 .LBB2_2-.Ltmp2, $4  }
0x4f: {  	_ = 	snop  }
0x50: {  	s22 =	sand.u32 $0x7F00, s22  }
0x51: {  	s25 =	sand.u32 $0x30, s24;
	s22 =	sshrl.u32 s22, $0x2  }
0x52: {  	s25 =	sor.u32 s25, s22;
	s22 =	simm.s32 $0x0  }
0x53: {  	s23 =	sand.u32 $0x1FF80, s22  }
0x54: {  	s24 =	sand.u32 $0x10, s22;
	s26 =	sshrl.u32 s23, $0x2  }
0x55: {  	[tilespmem:s25+$0xA0A0] =	vst v2;
	s23 =	simm.s32 $0x40;
	s25 =	sor.u32 s24, s26;
	s24 =	simm.s32 $0x0  }
.LBB2_4:
0x56: {  	p0 =	sne.s32 s23, $0x13FC0  }
0x57: {  	[tilespmem:s25+$0xC8A0] =	vst v2;
	s24 =	sadd.s32 $0x10, s24;
	s25 =	smov.u32 s23;
	s23 =	sadd.s32 $0x40, s23  }
.Ltmp3:
0x58: {  	(pc) =	sbr.rel @p0 .LBB2_4-.Ltmp3, $4  }
0x59: {  	_ = 	snop  }
0x5a: {  	s25 =	sand.u32 $0x1FF80, s25  }
0x5b: {  	s26 =	sand.u32 $0x10, s24;
	s25 =	sshrl.u32 s25, $0x2  }
0x5c: {  	s25 =	sor.u32 s26, s25  }
0x5d: {  	s23 =	sand.u32 $0xE00, s22  }
0x5e: {  	s24 =	sand.u32 $0x70, s22;
	s26 =	sshrl.u32 s23, $0x2  }
0x5f: {  	[tilespmem:s25+$0xC8A0] =	vst v2;
	v4 =	vor.u32 s22, v0;
	s23 =	simm.s32 $0x40;
	s24 =	sor.u32 s24, s26  }
.LBB2_6:
0x60: {  	p0 =	sne.s32 s23, $0x9C0  }
0x61: {  	[tilespmem:s24+$0x9E20] =	vst v4;
	s22 =	sadd.s32 $0x10, s22;
	s24 =	smov.u32 s23;
	s23 =	sadd.s32 $0x40, s23  }
.Ltmp4:
0x62: {  	(pc) =	sbr.rel @p0 .LBB2_6-.Ltmp4, $4  }
0x63: {  	_ = 	snop  }
0x64: {  	s24 =	sand.u32 $0xE00, s24  }
0x65: {  	s25 =	sand.u32 $0x70, s22;
	s24 =	sshrl.u32 s24, $0x2  }
0x66: {  	v4 =	vor.u32 s22, v0;
	s24 =	sor.u32 s25, s24  }
0x67: {  	[tilespmem:s24+$0x9E20] =	vst v4  }
0x68: {  	[spmem:s20] =	stream.linear.scatter [tilespmem:s1], [sflag:$0x3], $0x1400, $0x38;
	[tilespmem:$0x1BDA0] =	vst v63  }
0x69: {  	_ =	swait.ge [sflag:s30], $0x1400  }
0x6a: {  	[sflag:s30] =	ssyncset.done $0x0  }
0x6b: {  	s22 =	rddreg [dreg:$0xe];
	[sflag:s30] =	ssyncadd.s32 $0xFFFFEC00  }
0x6c: {  	[spmem:s22] =	stream.linear.scatter [tilespmem:s1], [sflag:$0x3], $0x1400, $0x38;
	[tilespmem:$0x1BDA0] =	vst v63  }
0x6d: {  	_ =	swait.ge [sflag:s30], $0x1400  }
0x6e: {  	[sflag:s30] =	ssyncset.done $0x0  }
0x6f: {  	s29 =	rddreg [dreg:$0xf];
	[sflag:s30] =	ssyncadd.s32 $0xFFFFEC00  }
0x70: {  	[spmem:s29] =	stream.linear.scatter [tilespmem:s1], [sflag:$0x3], $0x1400, $0x38;
	[tilespmem:$0x1BDA0] =	vst v63  }
0x71: {  	_ =	swait.ge [sflag:s30], $0x1400  }
0x72: {  	[sflag:s30] =	ssyncset.done $0x0  }
0x73: {  	s23 =	rddreg [dreg:$0x10];
	[sflag:s30] =	ssyncadd.s32 $0xFFFFEC00  }
0x74: {  	[spmem:s23] =	stream.linear.scatter [tilespmem:s1], [sflag:$0x3], $0x1400, $0x38;
	[tilespmem:$0x1BDA0] =	vst v63  }
0x75: {  	_ =	swait.ge [sflag:s30], $0x1400  }
0x76: {  	[sflag:s30] =	ssyncset.done $0x0  }
0x77: {  	s24 =	rddreg [dreg:$0x12];
	[sflag:s30] =	ssyncadd.s32 $0xFFFFEC00  }
0x78: {  	[spmem:s24] =	stream.linear.scatter [tilespmem:s1], [sflag:$0x3], $0x1400, $0x38;
	[tilespmem:$0x1BDA0] =	vst v63  }
0x79: {  	_ =	swait.ge [sflag:s30], $0x1400  }
0x7a: {  	[sflag:s30] =	ssyncset.done $0x0  }
0x7b: {  	s25 =	rddreg [dreg:$0x13];
	[sflag:s30] =	ssyncadd.s32 $0xFFFFEC00  }
0x7c: {  	[spmem:s25] =	stream.linear.scatter [tilespmem:s1], [sflag:$0x3], $0x1400, $0x38;
	[tilespmem:$0x1BDA0] =	vst v63  }
0x7d: {  	_ =	swait.ge [sflag:s30], $0x1400  }
0x7e: {  	[sflag:s30] =	ssyncset.done $0x0  }
0x7f: {  	s26 =	rddreg [dreg:$0x14];
	[sflag:s30] =	ssyncadd.s32 $0xFFFFEC00  }
0x80: {  	[spmem:s26] =	stream.linear.scatter [tilespmem:s1], [sflag:$0x3], $0x1400, $0x38;
	[tilespmem:$0x1BDA0] =	vst v63  }
0x81: {  	_ =	swait.ge [sflag:s30], $0x1400  }
0x82: {  	[sflag:s30] =	ssyncset.done $0x0  }
0x83: {  	s28 =	rddreg [dreg:$0x15];
	[sflag:s30] =	ssyncadd.s32 $0xFFFFEC00  }
0x84: {  	[spmem:s28] =	stream.linear.scatter [tilespmem:s1], [sflag:$0x3], $0x1400, $0x38;
	[tilespmem:$0x1BDA0] =	vst v63  }
0x85: {  	_ =	swait.ge [sflag:s30], $0x1400  }
0x86: {  	[sflag:s30] =	ssyncset.done $0x0  }
0x87: {  	[sflag:s30] =	ssyncadd.s32 $0xFFFFEC00  }
0x88: {  	[spmem:s10] =	stream.linear.scatter [tilespmem:s2], [sflag:$0x3], $0x500, $0x38;
	[tilespmem:$0x1BDA0] =	vst v63  }
0x89: {  	_ =	swait.ge [sflag:s30], $0x500  }
0x8a: {  	s22 =	simm.s32 $0x0;
	[sflag:s30] =	ssyncset.done $0x0  }
0x8b: {  	s29 =	simm.s32 $0x9C40;
	s23 =	rddreg [dreg:$0x7];
	[sflag:s30] =	ssyncadd.s32 $0xFFFFFB00  }
0x8c: {  	[tilespmem:s29], [sflag:$0x3] =	stream.linear.gather [hbm4b:s23+s22], $0x50, $0x38;
	[tilespmem:$0x1BDA0] =	vst v63  }
0x8d: {  	_ =	swait.ge [sflag:s30], $0x50  }
0x8e: {  	[sflag:s30] =	ssyncset.done $0x0  }
0x8f: {  	s25 =	rddreg [dreg:$0x8];
	[sflag:s30] =	ssyncadd.s32 $0xFFFFFFB0  }
0x90: {  	[tilespmem:s8], [sflag:$0x3] =	stream.linear.gather [hbm4b:s25+s22], $0x50, $0x38;
	[tilespmem:$0x1BDA0] =	vst v63  }
0x91: {  	_ =	swait.ge [sflag:s30], $0x50  }
0x92: {  	[sflag:s30] =	ssyncset.done $0x0  }
0x93: {  	[sflag:s30] =	ssyncadd.s32 $0xFFFFFFB0  }
0x94: {  	v4 =	vld [tilespmem:$0x9C40]  }
0x95: {  	v5 =	vld [tilespmem:$0x9C50]  }
0x96: {  	v6 =	vld [tilespmem:$0x9C60]  }
0x97: {  	v7 =	vld [tilespmem:$0x9C70]  }
0x98: {  	v8 =	vld [tilespmem:$0x9C80]  }
0x99: {  	v4 =	vshll.u32 v4, $0x1  }
0x9a: {  	v5 =	vshll.u32 v5, $0x1;
	v4 =	vor.u32 v1, v4  }
0x9b: {  	[tilespmem:$0x9CE0] =	vst v4;
	v4 =	vor.u32 v1, v5;
	v5 =	vshll.u32 v6, $0x1  }
0x9c: {  	[tilespmem:$0x9CF0] =	vst v4;
	v4 =	vor.u32 v1, v5;
	v5 =	vshll.u32 v7, $0x1  }
0x9d: {  	[tilespmem:$0x9D00] =	vst v4;
	v4 =	vor.u32 v1, v5;
	v5 =	vshll.u32 v8, $0x1  }
0x9e: {  	[tilespmem:$0x9D10] =	vst v4;
	v4 =	vor.u32 v1, v5  }
0x9f: {  	s26 =	simm.s32 $0x9CE0;
	[tilespmem:$0x9D20] =	vst v4  }
0xa0: {  	[tilespmem:s1], [sflag:$0x1] =	stream.indirect.gather [hbm4b:s0+s9], $0x40, s26, s9, $0xb8;
	[tilespmem:$0x1BDA0] =	vst v63  }
0xa1: {  	s28 =	rddreg [dreg:$0x9]  }
0xa2: {  	[tilespmem:s11], [sflag:$0x3] =	stream.linear.gather [hbm4b:s28+s22], $0x50, $0x38;
	[tilespmem:$0x1BDA0] =	vst v63  }
0xa3: {  	_ =	swait.ge [sflag:s30], $0x50  }
0xa4: {  	[sflag:s30] =	ssyncset.done $0x0  }
0xa5: {  	s29 =	rddreg [dreg:$0xa];
	[sflag:s30] =	ssyncadd.s32 $0xFFFFFFB0  }
0xa6: {  	[tilespmem:s12], [sflag:$0x3] =	stream.linear.gather [hbm4b:s29+s22], $0x50, $0x38;
	[tilespmem:$0x1BDA0] =	vst v63  }
0xa7: {  	_ =	swait.ge [sflag:s30], $0x50  }
0xa8: {  	[sflag:s30] =	ssyncset.done $0x0  }
0xa9: {  	[sflag:s30] =	ssyncadd.s32 $0xFFFFFFB0  }
0xaa: {  	v4 =	vld [tilespmem:$0x9C90]  }
0xab: {  	v5 =	vld [tilespmem:$0x9CA0]  }
0xac: {  	v61 =	vld [tilespmem:$0x9CB0]  }
0xad: {  	v62 =	vld [tilespmem:$0x9CC0]  }
0xae: {  	v63 =	vld [tilespmem:$0x9CD0]  }
0xaf: {  	v4 =	vshll.u32 v4, $0x1  }
0xb0: {  	v5 =	vshll.u32 v5, $0x1;
	v4 =	vor.u32 v1, v4  }
0xb1: {  	[tilespmem:$0x9D30] =	vst v4;
	v4 =	vor.u32 v1, v5;
	v5 =	vshll.u32 v61, $0x1  }
0xb2: {  	[tilespmem:$0x9D40] =	vst v4;
	v4 =	vor.u32 v1, v5;
	v5 =	vshll.u32 v62, $0x1  }
0xb3: {  	[tilespmem:$0x9D50] =	vst v4;
	v4 =	vor.u32 v1, v5;
	v5 =	vshll.u32 v63, $0x1  }
0xb4: {  	[tilespmem:$0x9D60] =	vst v4;
	v4 =	vor.u32 v1, v5  }
0xb5: {  	[tilespmem:$0x9D70] =	vst v4  }
0xb6: {  	[tilespmem:s14], [sflag:$0x2] =	stream.indirect.gather [hbm4b:s0+s9], $0x40, s13, s9, $0xb8;
	[tilespmem:$0x1BDA0] =	vst v63  }
0xb7: {  	[bflag:$0x0] =	sbarrier.arrive $0xFFFF  }
.LBB2_8:
0xb8: {  	_ =	swait.ge [sflag:s17], $0x1400  }
0xb9: {  	[sflag:s17] =	ssyncset.done $0x0  }
0xba: {  	s23 =	simm.s32 $0x0;
	[sflag:s17] =	ssyncadd.s32 $0xFFFFEC00  }
.LBB2_9:
0xbb: {  	s24 =	sshll.u32 s23, $0x4  }
0xbc: {  	v4 =	vld [tilespmem:s24+$0x9C40]  }
0xbd: {  	v6 =	vld [tilespmem:s24+$0x9D80];
	_ =	sdelay $0x3  }
0xbe: {  	v5 =	vshll.u32 v4, $0x1  }
0xbf: {  	v6 =	vshll.u32 v6, $0x1;
	_ =	sdelay $0x2  }
0xc0: {  	s25 =	simm.s32 $0x0  }
0xc1: {  	v4 =	vld.idx.msk [tilespmem:v5+s25+$0x0], $0xffff  }
0xc2: {  	v7 =	vld.idx.msk [tilespmem:v6+s31+$0x0], $0xffff;
	_ =	sdelay $0x4  }
0xc3: {  	v4 =	vadd.f32 v7, v4;
	_ =	sdelay $0x1  }
0xc4: {  	v7 =	vmul.f32 $2.000000030e-01, v4  }
0xc5: {  	vm0 =	vge.f32 v4, $0.0e+00  }
0xc6: {  	v4 =	vsel vm0, v4, v7  }
0xc7: {  	v4 =	vmul.f32 $1.442695020e+00, v4;
	_ =	sdelay $0x1  }
0xc8: {  	(erf) = vpow2.f32 v4;
	_ =	sdelay $0x1  }
0xc9: {  	v4 =	vmov s25  }
0xca: {  	v7 =	vmov s24;
	v4 =	vand.u32 $0x1C, v4  }
0xcb: {  	v7 =	vshll.u32 v7, $0x6;
	v8 =	vbroadcast v4, $0x0  }
0xcc: {  	v4 =	vor.u32 v3, v7  }
0xcd: {  	v8 =	vor.u32 v4, v8;
	_ =	sdelay $0x2  }
0xce: {  	s26 =	simm.s32 $0x1;
	v7 =	vpop (erf)  }
0xcf: {  	v9 =	vmov s26;
	[tilespmem:v6+s2+$0x0] =	vst.idx.add.f32.msk $0xffff, v7  }
0xd0: {  	v9 =	vand.u32 $0x1D, v9;
	v10 =	vld.idx.msk [tilespmem:v8+s1+$0x0], $0xffff  }
0xd1: {  	v9 =	vbroadcast v9, $0x0;
	_ =	sdelay $0x1  }
0xd2: {  	v9 =	vor.u32 v4, v9;
	_ =	sdelay $0x1  }
0xd3: {  	v10 =	vmul.f32 v10, v7  }
0xd4: {  	s28 =	simm.s32 $0x2  }
0xd5: {  	[tilespmem:v8+s1+$0x0] =	vst.idx.msk $0xffff, v10;
	v8 =	vmov s28  }
0xd6: {  	v10 =	vld.idx.msk [tilespmem:v9+s1+$0x0], $0xffff;
	v8 =	vand.u32 $0x1E, v8  }
0xd7: {  	v8 =	vbroadcast v8, $0x0;
	_ =	sdelay $0x1  }
0xd8: {  	v8 =	vor.u32 v4, v8;
	_ =	sdelay $0x1  }
0xd9: {  	v10 =	vmul.f32 v10, v7  }
0xda: {  	s29 =	simm.s32 $0x3  }
0xdb: {  	[tilespmem:v9+s1+$0x0] =	vst.idx.msk $0xffff, v10;
	v9 =	vmov s29  }
0xdc: {  	v10 =	vld.idx.msk [tilespmem:v8+s1+$0x0], $0xffff;
	v9 =	vand.u32 $0x1F, v9  }
0xdd: {  	v9 =	vbroadcast v9, $0x0;
	_ =	sdelay $0x1  }
0xde: {  	v9 =	vor.u32 v4, v9;
	_ =	sdelay $0x1  }
0xdf: {  	v10 =	vmul.f32 v10, v7  }
0xe0: {  	s24 =	simm.s32 $0x4  }
0xe1: {  	[tilespmem:v8+s1+$0x0] =	vst.idx.msk $0xffff, v10;
	v8 =	vmov s24  }
0xe2: {  	v10 =	vld.idx.msk [tilespmem:v9+s1+$0x0], $0xffff;
	v8 =	vand.u32 $0x1C, v8  }
0xe3: {  	v8 =	vbroadcast v8, $0x0;
	_ =	sdelay $0x1  }
0xe4: {  	v8 =	vor.u32 v4, v8;
	_ =	sdelay $0x1  }
0xe5: {  	s25 =	simm.s32 $0x8;
	v10 =	vmul.f32 v10, v7  }
.LBB2_10:
0xe6: {  	p0 =	slt.u32 s25, $0x1C  }
0xe7: {  	s26 =	sadd.s32 $0x1, s24;
	s28 =	smov.u32 s25;
	s25 =	sadd.s32 $0x4, s25;
	[tilespmem:v9+s1+$0x0] =	vst.idx.msk $0xffff, v10  }
0xe8: {  	v10 =	vmov s26;
	v9 =	vld.idx.msk [tilespmem:v8+s1+$0x0], $0xffff  }
0xe9: {  	v10 =	vand.u32 $0x1D, v10  }
0xea: {  	v10 =	vbroadcast v10, $0x0;
	_ =	sdelay $0x1  }
0xeb: {  	v10 =	vor.u32 v4, v10;
	_ =	sdelay $0x1  }
0xec: {  	v9 =	vmul.f32 v9, v7;
	_ =	sdelay $0x1  }
0xed: {  	s26 =	sadd.s32 $0x2, s24;
	[tilespmem:v8+s1+$0x0] =	vst.idx.msk $0xffff, v9  }
0xee: {  	v9 =	vmov s26;
	v8 =	vld.idx.msk [tilespmem:v10+s1+$0x0], $0xffff  }
0xef: {  	v9 =	vand.u32 $0x1E, v9  }
0xf0: {  	v9 =	vbroadcast v9, $0x0;
	_ =	sdelay $0x1  }
0xf1: {  	v11 =	vor.u32 v4, v9;
	_ =	sdelay $0x1  }
0xf2: {  	v8 =	vmul.f32 v8, v7;
	_ =	sdelay $0x1  }
0xf3: {  	s26 =	sadd.s32 $0x3, s24;
	s24 =	smov.u32 s28;
	[tilespmem:v10+s1+$0x0] =	vst.idx.msk $0xffff, v8  }
0xf4: {  	v9 =	vmov s26;
	v8 =	vld.idx.msk [tilespmem:v11+s1+$0x0], $0xffff  }
0xf5: {  	v9 =	vand.u32 $0x1F, v9  }
0xf6: {  	v9 =	vbroadcast v9, $0x0;
	_ =	sdelay $0x1  }
0xf7: {  	v9 =	vor.u32 v4, v9;
	_ =	sdelay $0x1  }
0xf8: {  	v8 =	vmul.f32 v8, v7;
	_ =	sdelay $0x1  }
0xf9: {  	[tilespmem:v11+s1+$0x0] =	vst.idx.msk $0xffff, v8  }
0xfa: {  	v8 =	vmov s24;
	v10 =	vld.idx.msk [tilespmem:v9+s1+$0x0], $0xffff  }
0xfb: {  	v8 =	vand.u32 $0x1C, v8  }
.Ltmp5:
0xfc: {  	v8 =	vbroadcast v8, $0x0;
	(pc) =	sbr.rel @p0 .LBB2_10-.Ltmp5, $3  }
0xfd: {  	_ = 	snop  }
0xfe: {  	v8 =	vor.u32 v4, v8;
	_ =	sdelay $0x1  }
0xff: {  	v10 =	vmul.f32 v10, v7  }
0x100: {  	_ =	sdelay $0x2  }
0x101: {  	s25 =	sadd.s32 $0x1, s24  }
0x102: {  	[tilespmem:v9+s1+$0x0] =	vst.idx.msk $0xffff, v10;
	v9 =	vmov s25  }
0x103: {  	v10 =	vld.idx.msk [tilespmem:v8+s1+$0x0], $0xffff;
	v9 =	vand.u32 $0x1D, v9  }
0x104: {  	v9 =	vbroadcast v9, $0x0;
	_ =	sdelay $0x1  }
0x105: {  	v9 =	vor.u32 v4, v9;
	_ =	sdelay $0x1  }
0x106: {  	v10 =	vmul.f32 v10, v7  }
0x107: {  	s28 =	sadd.s32 $0x2, s24  }
0x108: {  	[tilespmem:v8+s1+$0x0] =	vst.idx.msk $0xffff, v10;
	v8 =	vmov s28  }
0x109: {  	v10 =	vld.idx.msk [tilespmem:v9+s1+$0x0], $0xffff;
	v8 =	vand.u32 $0x1E, v8  }
0x10a: {  	v8 =	vbroadcast v8, $0x0;
	_ =	sdelay $0x1  }
0x10b: {  	v8 =	vor.u32 v4, v8;
	_ =	sdelay $0x1  }
0x10c: {  	v10 =	vmul.f32 v10, v7  }
0x10d: {  	s29 =	sadd.s32 $0x3, s24  }
0x10e: {  	[tilespmem:v9+s1+$0x0] =	vst.idx.msk $0xffff, v10;
	v9 =	vmov s29  }
0x10f: {  	v10 =	vld.idx.msk [tilespmem:v8+s1+$0x0], $0xffff;
	v9 =	vand.u32 $0x1F, v9  }
0x110: {  	v9 =	vbroadcast v9, $0x0;
	_ =	sdelay $0x1  }
0x111: {  	v9 =	vor.u32 v4, v9;
	_ =	sdelay $0x1  }
0x112: {  	v10 =	vmul.f32 v10, v7;
	_ =	sdelay $0x1  }
0x113: {  	[tilespmem:v8+s1+$0x0] =	vst.idx.msk $0xffff, v10  }
0x114: {  	v8 =	vld.idx.msk [tilespmem:v9+s1+$0x0], $0xffff;
	_ =	sdelay $0x2  }
0x115: {  	v5 =	vor.u32 $0x1, v5  }
0x116: {  	v6 =	vor.u32 $0x1, v6  }
0x117: {  	v7 =	vmul.f32 v8, v7;
	_ =	sdelay $0x1  }
0x118: {  	s25 =	simm.s32 $0x0;
	[tilespmem:v9+s1+$0x0] =	vst.idx.msk $0xffff, v7  }
0x119: {  	v5 =	vld.idx.msk [tilespmem:v5+s25+$0x0], $0xffff  }
0x11a: {  	v7 =	vld.idx.msk [tilespmem:v6+s31+$0x0], $0xffff;
	_ =	sdelay $0x4  }
0x11b: {  	v5 =	vadd.f32 v7, v5;
	_ =	sdelay $0x1  }
0x11c: {  	v7 =	vmul.f32 $2.000000030e-01, v5  }
0x11d: {  	vm0 =	vge.f32 v5, $0.0e+00  }
0x11e: {  	v5 =	vsel vm0, v5, v7  }
0x11f: {  	v5 =	vmul.f32 $1.442695020e+00, v5;
	_ =	sdelay $0x1  }
0x120: {  	(erf) = vpow2.f32 v5  }
0x121: {  	v5 =	vmov s25  }
0x122: {  	v5 =	vadd.s32 $0x20, v5  }
0x123: {  	v5 =	vand.u32 $0x3C, v5  }
0x124: {  	v5 =	vbroadcast v5, $0x0;
	_ =	sdelay $0x1  }
0x125: {  	v7 =	vor.u32 v4, v5;
	_ =	sdelay $0x1  }
0x126: {  	s26 =	simm.s32 $0x1  }
0x127: {  	v8 =	vmov s26;
	v5 =	vpop (erf)  }
0x128: {  	[tilespmem:v6+s2+$0x0] =	vst.idx.add.f32.msk $0xffff, v5;
	v6 =	vadd.s32 $0x20, v8  }
0x129: {  	v8 =	vld.idx.msk [tilespmem:v7+s1+$0x0], $0xffff;
	v6 =	vand.u32 $0x3D, v6  }
0x12a: {  	v6 =	vbroadcast v6, $0x0;
	_ =	sdelay $0x1  }
0x12b: {  	v6 =	vor.u32 v4, v6;
	_ =	sdelay $0x1  }
0x12c: {  	s28 =	simm.s32 $0x2;
	v8 =	vmul.f32 v8, v5  }
0x12d: {  	v9 =	vmov s28  }
0x12e: {  	[tilespmem:v7+s1+$0x0] =	vst.idx.msk $0xffff, v8;
	v7 =	vadd.s32 $0x20, v9  }
0x12f: {  	v8 =	vld.idx.msk [tilespmem:v6+s1+$0x0], $0xffff;
	v7 =	vand.u32 $0x3E, v7  }
0x130: {  	v7 =	vbroadcast v7, $0x0;
	_ =	sdelay $0x1  }
0x131: {  	v9 =	vor.u32 v4, v7;
	_ =	sdelay $0x1  }
0x132: {  	v7 =	vmul.f32 v8, v5  }
0x133: {  	s29 =	simm.s32 $0x3  }
0x134: {  	v8 =	vmov s29;
	[tilespmem:v6+s1+$0x0] =	vst.idx.msk $0xffff, v7  }
0x135: {  	v6 =	vadd.s32 $0x20, v8;
	v8 =	vld.idx.msk [tilespmem:v9+s1+$0x0], $0xffff  }
0x136: {  	v6 =	vand.u32 $0x3F, v6  }
0x137: {  	v6 =	vbroadcast v6, $0x0;
	_ =	sdelay $0x1  }
0x138: {  	v7 =	vor.u32 v4, v6  }
0x139: {  	v6 =	vmul.f32 v8, v5  }
0x13a: {  	s24 =	simm.s32 $0x4  }
0x13b: {  	[tilespmem:v9+s1+$0x0] =	vst.idx.msk $0xffff, v6;
	v6 =	vmov s24  }
0x13c: {  	v6 =	vadd.s32 $0x20, v6  }
0x13d: {  	v8 =	vld.idx.msk [tilespmem:v7+s1+$0x0], $0xffff;
	v6 =	vand.u32 $0x3C, v6  }
0x13e: {  	v6 =	vbroadcast v6, $0x0;
	_ =	sdelay $0x1  }
0x13f: {  	v6 =	vor.u32 v4, v6;
	_ =	sdelay $0x1  }
0x140: {  	v8 =	vmul.f32 v8, v5  }
0x141: {  	s26 =	simm.s32 $0x5;
	s25 =	simm.s32 $0x8  }
.LBB2_12:
0x142: {  	p0 =	slt.u32 s25, $0x1C;
	v9 =	vmov s26;
	[tilespmem:v7+s1+$0x0] =	vst.idx.msk $0xffff, v8;
	s26 =	smov.u32 s25;
	s25 =	sadd.s32 $0x4, s25  }
0x143: {  	v7 =	vld.idx.msk [tilespmem:v6+s1+$0x0], $0xffff;
	v8 =	vadd.s32 $0x20, v9  }
0x144: {  	v8 =	vand.u32 $0x3D, v8  }
0x145: {  	v8 =	vbroadcast v8, $0x0;
	_ =	sdelay $0x1  }
0x146: {  	v8 =	vor.u32 v4, v8;
	_ =	sdelay $0x1  }
0x147: {  	v7 =	vmul.f32 v7, v5  }
0x148: {  	s28 =	sadd.s32 $0x2, s24  }
0x149: {  	[tilespmem:v6+s1+$0x0] =	vst.idx.msk $0xffff, v7;
	v6 =	vmov s28  }
0x14a: {  	v7 =	vld.idx.msk [tilespmem:v8+s1+$0x0], $0xffff;
	v6 =	vadd.s32 $0x20, v6  }
0x14b: {  	v6 =	vand.u32 $0x3E, v6  }
0x14c: {  	v6 =	vbroadcast v6, $0x0;
	_ =	sdelay $0x1  }
0x14d: {  	v6 =	vor.u32 v4, v6;
	_ =	sdelay $0x1  }
0x14e: {  	v7 =	vmul.f32 v7, v5  }
0x14f: {  	s28 =	sadd.s32 $0x3, s24;
	s24 =	smov.u32 s26  }
0x150: {  	[tilespmem:v8+s1+$0x0] =	vst.idx.msk $0xffff, v7;
	v7 =	vmov s28  }
0x151: {  	v8 =	vld.idx.msk [tilespmem:v6+s1+$0x0], $0xffff;
	v7 =	vadd.s32 $0x20, v7  }
0x152: {  	v7 =	vand.u32 $0x3F, v7  }
0x153: {  	v7 =	vbroadcast v7, $0x0;
	_ =	sdelay $0x1  }
0x154: {  	v7 =	vor.u32 v4, v7;
	_ =	sdelay $0x1  }
0x155: {  	v8 =	vmul.f32 v8, v5;
	_ =	sdelay $0x1  }
0x156: {  	v9 =	vmov s24;
	[tilespmem:v6+s1+$0x0] =	vst.idx.msk $0xffff, v8  }
0x157: {  	v6 =	vadd.s32 $0x20, v9;
	v8 =	vld.idx.msk [tilespmem:v7+s1+$0x0], $0xffff  }
0x158: {  	v6 =	vand.u32 $0x3C, v6  }
0x159: {  	v6 =	vbroadcast v6, $0x0  }
.Ltmp6:
0x15a: {  	(pc) =	sbr.rel @p0 .LBB2_12-.Ltmp6, $3  }
0x15b: {  	v6 =	vor.u32 v4, v6;
	_ =	sdelay $0x1  }
0x15c: {  	v8 =	vmul.f32 v8, v5  }
0x15d: {  	s26 =	sadd.s32 $0x1, s24  }
0x15e: {  	_ =	sdelay $0x2  }
0x15f: {  	v9 =	vmov s26  }
0x160: {  	[tilespmem:v7+s1+$0x0] =	vst.idx.msk $0xffff, v8;
	v58 =	vadd.s32 $0x20, v9  }
0x161: {  	v8 =	vld.idx.msk [tilespmem:v6+s1+$0x0], $0xffff;
	v7 =	vand.u32 $0x3D, v58  }
0x162: {  	v7 =	vbroadcast v7, $0x0;
	_ =	sdelay $0x1  }
0x163: {  	v7 =	vor.u32 v4, v7;
	_ =	sdelay $0x1  }
0x164: {  	s25 =	sadd.s32 $0x2, s24;
	v8 =	vmul.f32 v8, v5  }
0x165: {  	v59 =	vmov s25  }
0x166: {  	v60 =	vadd.s32 $0x20, v59;
	[tilespmem:v6+s1+$0x0] =	vst.idx.msk $0xffff, v8  }
0x167: {  	v6 =	vand.u32 $0x3E, v60;
	v8 =	vld.idx.msk [tilespmem:v7+s1+$0x0], $0xffff  }
0x168: {  	v6 =	vbroadcast v6, $0x0;
	_ =	sdelay $0x1  }
0x169: {  	v6 =	vor.u32 v4, v6;
	_ =	sdelay $0x1  }
0x16a: {  	s29 =	sadd.s32 $0x3, s24;
	v8 =	vmul.f32 v8, v5  }
0x16b: {  	v61 =	vmov s29  }
0x16c: {  	v62 =	vadd.s32 $0x20, v61;
	[tilespmem:v7+s1+$0x0] =	vst.idx.msk $0xffff, v8  }
0x16d: {  	v7 =	vand.u32 $0x3F, v62;
	v8 =	vld.idx.msk [tilespmem:v6+s1+$0x0], $0xffff  }
0x16e: {  	v7 =	vbroadcast v7, $0x0;
	_ =	sdelay $0x1  }
0x16f: {  	v4 =	vor.u32 v4, v7;
	_ =	sdelay $0x1  }
0x170: {  	v63 =	vmul.f32 v8, v5;
	_ =	sdelay $0x1  }
0x171: {  	[tilespmem:v6+s1+$0x0] =	vst.idx.msk $0xffff, v63  }
0x172: {  	v6 =	vld.idx.msk [tilespmem:v4+s1+$0x0], $0xffff  }
0x173: {  	s23 =	sadd.s32 $0x1, s23  }
0x174: {  	p0 =	sne.s32 s23, $0x5  }
.Ltmp7:
0x175: {  	_ = 	snop;
	(pc) =	sbr.rel @p0 .LBB2_9-.Ltmp7, $3  }
0x176: {  	_ = 	snop  }
0x177: {  	v5 =	vmul.f32 v6, v5;
	_ =	sdelay $0x1  }
0x178: {  	[tilespmem:v4+s1+$0x0] =	vst.idx.msk $0xffff, v5  }
0x179: {  	p0 =	seq.s32 s22, $0x7C  }
0x17a: {  	s23 =	smul.u32 @!p0 $0xA0, s22  }
0x17b: {  	[spmem:s3] =	stream.indirect.scatter.add.f32 [tilespmem:s1], [sflag:$0x3], $0x40, s8, s9, $0xb8;
	[tilespmem:$0x1BDA0] =	vst v63  }
0x17c: {  	_ =	swait.ge [sflag:s30], $0x1400;
	s23 =	sadd.s32 @!p0 s23, s15  }
0x17d: {  	s25 =	simm.s32 @!p0 $0x0;
	[sflag:s30] =	ssyncset.done $0x0;
	s23 =	sshrl.u32 @!p0 s23, $0x3  }
0x17e: {  	s26 =	simm.s32 @!p0 $0x9C40;
	[sflag:s30] =	ssyncadd.s32 $0xFFFFEC00;
	s24 =	sadd.s32 @!p0 s6, s23  }
0x17f: {  	[tilespmem:s26], [sflag:$0x3] =	stream.linear.gather @!p0 [hbm4b:s24+s25], $0x50, $0x38;
	[tilespmem:$0x1BDA0] =	vst v63  }
0x180: {  	s24 =	simm.s32 @!p0 $0x3  }
0x181: {  	_ =	swait.ge @!p0 [sflag:s24], $0x50  }
0x182: {  	[sflag:s24] =	ssyncset.done @!p0 $0x0  }
0x183: {  	s23 =	sadd.s32 @!p0 s7, s23;
	s26 =	simm.s32 @!p0 $0x9D80;
	[sflag:s24] =	ssyncadd.s32 @!p0 $0xFFFFFFB0  }
0x184: {  	[tilespmem:s26], [sflag:$0x3] =	stream.linear.gather @!p0 [hbm4b:s23+s25], $0x50, $0x38;
	[tilespmem:$0x1BDA0] =	vst v63  }
0x185: {  	_ =	swait.ge @!p0 [sflag:s24], $0x50  }
0x186: {  	[sflag:s24] =	ssyncset.done @!p0 $0x0  }
0x187: {  	[sflag:s24] =	ssyncadd.s32 @!p0 $0xFFFFFFB0  }
0x188: {  	v4 =	vld @!p0 [tilespmem:$0x9C40]  }
0x189: {  	v5 =	vld @!p0 [tilespmem:$0x9C50]  }
0x18a: {  	v6 =	vld @!p0 [tilespmem:$0x9C60]  }
0x18b: {  	v7 =	vld @!p0 [tilespmem:$0x9C70]  }
0x18c: {  	v8 =	vld @!p0 [tilespmem:$0x9C80]  }
0x18d: {  	v4 =	vshll.u32 @!p0 v4, $0x1  }
0x18e: {  	v5 =	vshll.u32 @!p0 v5, $0x1;
	v4 =	vor.u32 @!p0 v1, v4  }
0x18f: {  	[tilespmem:$0x9CE0] =	vst @!p0 v4;
	v4 =	vor.u32 @!p0 v1, v5;
	v5 =	vshll.u32 @!p0 v6, $0x1  }
0x190: {  	[tilespmem:$0x9CF0] =	vst @!p0 v4;
	v4 =	vor.u32 @!p0 v1, v5;
	v5 =	vshll.u32 @!p0 v7, $0x1  }
0x191: {  	[tilespmem:$0x9D00] =	vst @!p0 v4;
	v4 =	vor.u32 @!p0 v1, v5;
	v5 =	vshll.u32 @!p0 v8, $0x1  }
0x192: {  	[tilespmem:$0x9D10] =	vst @!p0 v4;
	v4 =	vor.u32 @!p0 v1, v5  }
0x193: {  	s23 =	simm.s32 @!p0 $0x50;
	s25 =	simm.s32 @!p0 $0xA0A0;
	s24 =	simm.s32 @!p0 $0x9CE0;
	[tilespmem:$0x9D20] =	vst @!p0 v4  }
0x194: {  	[tilespmem:s25], [sflag:$0x1] =	stream.indirect.gather @!p0 [hbm4b:s0+s23], $0x40, s24, s23, $0xb8;
	[tilespmem:$0x1BDA0] =	vst v63  }
0x195: {  	_ =	swait.ge [sflag:s18], $0x1400  }
0x196: {  	[sflag:s18] =	ssyncset.done $0x0  }
0x197: {  	s23 =	simm.s32 $0x0;
	s24 =	simm.s32 $0x0;
	[sflag:s18] =	ssyncadd.s32 $0xFFFFEC00  }
.LBB2_15:
0x198: {  	s25 =	sshll.u32 s24, $0x4  }
0x199: {  	v4 =	vld [tilespmem:s25+$0x9C90]  }
0x19a: {  	v6 =	vld [tilespmem:s25+$0x9DD0];
	_ =	sdelay $0x3  }
0x19b: {  	v5 =	vshll.u32 v4, $0x1  }
0x19c: {  	v6 =	vshll.u32 v6, $0x1;
	_ =	sdelay $0x3  }
0x19d: {  	v4 =	vld.idx.msk [tilespmem:v5+s23+$0x0], $0xffff  }
0x19e: {  	v7 =	vld.idx.msk [tilespmem:v6+s31+$0x0], $0xffff;
	_ =	sdelay $0x4  }
0x19f: {  	v4 =	vadd.f32 v7, v4;
	_ =	sdelay $0x1  }
0x1a0: {  	v7 =	vmul.f32 $2.000000030e-01, v4  }
0x1a1: {  	vm0 =	vge.f32 v4, $0.0e+00  }
0x1a2: {  	v4 =	vsel vm0, v4, v7  }
0x1a3: {  	v4 =	vmul.f32 $1.442695020e+00, v4;
	_ =	sdelay $0x1  }
0x1a4: {  	(erf) = vpow2.f32 v4;
	_ =	sdelay $0x1  }
0x1a5: {  	v4 =	vmov s23  }
0x1a6: {  	v7 =	vmov s25;
	v4 =	vand.u32 $0x1C, v4  }
0x1a7: {  	v7 =	vshll.u32 v7, $0x6;
	v8 =	vbroadcast v4, $0x0  }
0x1a8: {  	v4 =	vor.u32 v3, v7  }
0x1a9: {  	v8 =	vor.u32 v4, v8;
	_ =	sdelay $0x2  }
0x1aa: {  	s26 =	simm.s32 $0x1;
	v7 =	vpop (erf)  }
0x1ab: {  	v9 =	vmov s26;
	[tilespmem:v6+s2+$0x0] =	vst.idx.add.f32.msk $0xffff, v7  }
0x1ac: {  	v9 =	vand.u32 $0x1D, v9;
	v10 =	vld.idx.msk [tilespmem:v8+s14+$0x0], $0xffff  }
0x1ad: {  	v9 =	vbroadcast v9, $0x0;
	_ =	sdelay $0x1  }
0x1ae: {  	v9 =	vor.u32 v4, v9;
	_ =	sdelay $0x1  }
0x1af: {  	v10 =	vmul.f32 v10, v7  }
0x1b0: {  	s28 =	simm.s32 $0x2  }
0x1b1: {  	[tilespmem:v8+s14+$0x0] =	vst.idx.msk $0xffff, v10;
	v8 =	vmov s28  }
0x1b2: {  	v10 =	vld.idx.msk [tilespmem:v9+s14+$0x0], $0xffff;
	v8 =	vand.u32 $0x1E, v8  }
0x1b3: {  	v8 =	vbroadcast v8, $0x0;
	_ =	sdelay $0x1  }
0x1b4: {  	v8 =	vor.u32 v4, v8;
	_ =	sdelay $0x1  }
0x1b5: {  	v10 =	vmul.f32 v10, v7  }
0x1b6: {  	s29 =	simm.s32 $0x3  }
0x1b7: {  	[tilespmem:v9+s14+$0x0] =	vst.idx.msk $0xffff, v10;
	v9 =	vmov s29  }
0x1b8: {  	v10 =	vld.idx.msk [tilespmem:v8+s14+$0x0], $0xffff;
	v9 =	vand.u32 $0x1F, v9  }
0x1b9: {  	v9 =	vbroadcast v9, $0x0;
	_ =	sdelay $0x1  }
0x1ba: {  	v9 =	vor.u32 v4, v9;
	_ =	sdelay $0x1  }
0x1bb: {  	v10 =	vmul.f32 v10, v7  }
0x1bc: {  	s25 =	simm.s32 $0x4  }
0x1bd: {  	[tilespmem:v8+s14+$0x0] =	vst.idx.msk $0xffff, v10;
	v8 =	vmov s25  }
0x1be: {  	v10 =	vld.idx.msk [tilespmem:v9+s14+$0x0], $0xffff;
	v8 =	vand.u32 $0x1C, v8  }
0x1bf: {  	v8 =	vbroadcast v8, $0x0;
	_ =	sdelay $0x1  }
0x1c0: {  	v8 =	vor.u32 v4, v8;
	_ =	sdelay $0x1  }
0x1c1: {  	s26 =	simm.s32 $0x8;
	v10 =	vmul.f32 v10, v7  }
.LBB2_16:
0x1c2: {  	p1 =	slt.u32 s26, $0x1C  }
0x1c3: {  	s28 =	sadd.s32 $0x1, s25;
	s29 =	smov.u32 s26;
	s26 =	sadd.s32 $0x4, s26;
	[tilespmem:v9+s14+$0x0] =	vst.idx.msk $0xffff, v10  }
0x1c4: {  	v10 =	vmov s28;
	v9 =	vld.idx.msk [tilespmem:v8+s14+$0x0], $0xffff  }
0x1c5: {  	v10 =	vand.u32 $0x1D, v10  }
0x1c6: {  	v10 =	vbroadcast v10, $0x0;
	_ =	sdelay $0x1  }
0x1c7: {  	v10 =	vor.u32 v4, v10;
	_ =	sdelay $0x1  }
0x1c8: {  	v9 =	vmul.f32 v9, v7;
	_ =	sdelay $0x1  }
0x1c9: {  	s28 =	sadd.s32 $0x2, s25;
	[tilespmem:v8+s14+$0x0] =	vst.idx.msk $0xffff, v9  }
0x1ca: {  	v9 =	vmov s28;
	v8 =	vld.idx.msk [tilespmem:v10+s14+$0x0], $0xffff  }
0x1cb: {  	v9 =	vand.u32 $0x1E, v9  }
0x1cc: {  	v9 =	vbroadcast v9, $0x0;
	_ =	sdelay $0x1  }
0x1cd: {  	v11 =	vor.u32 v4, v9;
	_ =	sdelay $0x1  }
0x1ce: {  	v8 =	vmul.f32 v8, v7;
	_ =	sdelay $0x1  }
0x1cf: {  	s28 =	sadd.s32 $0x3, s25;
	s25 =	smov.u32 s29;
	[tilespmem:v10+s14+$0x0] =	vst.idx.msk $0xffff, v8  }
0x1d0: {  	v9 =	vmov s28;
	v8 =	vld.idx.msk [tilespmem:v11+s14+$0x0], $0xffff  }
0x1d1: {  	v9 =	vand.u32 $0x1F, v9  }
0x1d2: {  	v9 =	vbroadcast v9, $0x0;
	_ =	sdelay $0x1  }
0x1d3: {  	v9 =	vor.u32 v4, v9;
	_ =	sdelay $0x1  }
0x1d4: {  	v8 =	vmul.f32 v8, v7;
	_ =	sdelay $0x1  }
0x1d5: {  	[tilespmem:v11+s14+$0x0] =	vst.idx.msk $0xffff, v8  }
0x1d6: {  	v8 =	vmov s25;
	v10 =	vld.idx.msk [tilespmem:v9+s14+$0x0], $0xffff  }
0x1d7: {  	v8 =	vand.u32 $0x1C, v8  }
.Ltmp8:
0x1d8: {  	v8 =	vbroadcast v8, $0x0;
	(pc) =	sbr.rel @p1 .LBB2_16-.Ltmp8, $3  }
0x1d9: {  	_ = 	snop  }
0x1da: {  	v8 =	vor.u32 v4, v8;
	_ =	sdelay $0x1  }
0x1db: {  	v10 =	vmul.f32 v10, v7  }
0x1dc: {  	_ =	sdelay $0x2  }
0x1dd: {  	s26 =	sadd.s32 $0x1, s25  }
0x1de: {  	[tilespmem:v9+s14+$0x0] =	vst.idx.msk $0xffff, v10;
	v9 =	vmov s26  }
0x1df: {  	v10 =	vld.idx.msk [tilespmem:v8+s14+$0x0], $0xffff;
	v9 =	vand.u32 $0x1D, v9  }
0x1e0: {  	v9 =	vbroadcast v9, $0x0;
	_ =	sdelay $0x1  }
0x1e1: {  	v9 =	vor.u32 v4, v9;
	_ =	sdelay $0x1  }
0x1e2: {  	v10 =	vmul.f32 v10, v7  }
0x1e3: {  	s29 =	sadd.s32 $0x2, s25  }
0x1e4: {  	[tilespmem:v8+s14+$0x0] =	vst.idx.msk $0xffff, v10;
	v8 =	vmov s29  }
0x1e5: {  	v10 =	vld.idx.msk [tilespmem:v9+s14+$0x0], $0xffff;
	v8 =	vand.u32 $0x1E, v8  }
0x1e6: {  	v8 =	vbroadcast v8, $0x0;
	_ =	sdelay $0x1  }
0x1e7: {  	v8 =	vor.u32 v4, v8;
	_ =	sdelay $0x1  }
0x1e8: {  	v10 =	vmul.f32 v10, v7  }
0x1e9: {  	s29 =	sadd.s32 $0x3, s25  }
0x1ea: {  	[tilespmem:v9+s14+$0x0] =	vst.idx.msk $0xffff, v10;
	v9 =	vmov s29  }
0x1eb: {  	v10 =	vld.idx.msk [tilespmem:v8+s14+$0x0], $0xffff;
	v9 =	vand.u32 $0x1F, v9  }
0x1ec: {  	v9 =	vbroadcast v9, $0x0;
	_ =	sdelay $0x1  }
0x1ed: {  	v9 =	vor.u32 v4, v9;
	_ =	sdelay $0x1  }
0x1ee: {  	v10 =	vmul.f32 v10, v7;
	_ =	sdelay $0x1  }
0x1ef: {  	[tilespmem:v8+s14+$0x0] =	vst.idx.msk $0xffff, v10  }
0x1f0: {  	v8 =	vld.idx.msk [tilespmem:v9+s14+$0x0], $0xffff;
	_ =	sdelay $0x2  }
0x1f1: {  	v5 =	vor.u32 $0x1, v5  }
0x1f2: {  	v6 =	vor.u32 $0x1, v6  }
0x1f3: {  	v7 =	vmul.f32 v8, v7;
	_ =	sdelay $0x1  }
0x1f4: {  	s26 =	simm.s32 $0x0;
	[tilespmem:v9+s14+$0x0] =	vst.idx.msk $0xffff, v7  }
0x1f5: {  	v5 =	vld.idx.msk [tilespmem:v5+s26+$0x0], $0xffff  }
0x1f6: {  	v7 =	vld.idx.msk [tilespmem:v6+s31+$0x0], $0xffff;
	_ =	sdelay $0x4  }
0x1f7: {  	v5 =	vadd.f32 v7, v5;
	_ =	sdelay $0x1  }
0x1f8: {  	v7 =	vmul.f32 $2.000000030e-01, v5  }
0x1f9: {  	vm0 =	vge.f32 v5, $0.0e+00  }
0x1fa: {  	v5 =	vsel vm0, v5, v7  }
0x1fb: {  	v5 =	vmul.f32 $1.442695020e+00, v5;
	_ =	sdelay $0x1  }
0x1fc: {  	(erf) = vpow2.f32 v5  }
0x1fd: {  	v5 =	vmov s26  }
0x1fe: {  	v5 =	vadd.s32 $0x20, v5  }
0x1ff: {  	v5 =	vand.u32 $0x3C, v5  }
0x200: {  	v5 =	vbroadcast v5, $0x0;
	_ =	sdelay $0x1  }
0x201: {  	v7 =	vor.u32 v4, v5;
	_ =	sdelay $0x1  }
0x202: {  	s29 =	simm.s32 $0x1  }
0x203: {  	v8 =	vmov s29;
	v5 =	vpop (erf)  }
0x204: {  	[tilespmem:v6+s2+$0x0] =	vst.idx.add.f32.msk $0xffff, v5;
	v6 =	vadd.s32 $0x20, v8  }
0x205: {  	v8 =	vld.idx.msk [tilespmem:v7+s14+$0x0], $0xffff;
	v6 =	vand.u32 $0x3D, v6  }
0x206: {  	v6 =	vbroadcast v6, $0x0;
	_ =	sdelay $0x1  }
0x207: {  	v6 =	vor.u32 v4, v6;
	_ =	sdelay $0x1  }
0x208: {  	s26 =	simm.s32 $0x2;
	v8 =	vmul.f32 v8, v5  }
0x209: {  	v9 =	vmov s26  }
0x20a: {  	[tilespmem:v7+s14+$0x0] =	vst.idx.msk $0xffff, v8;
	v7 =	vadd.s32 $0x20, v9  }
0x20b: {  	v8 =	vld.idx.msk [tilespmem:v6+s14+$0x0], $0xffff;
	v7 =	vand.u32 $0x3E, v7  }
0x20c: {  	v7 =	vbroadcast v7, $0x0;
	_ =	sdelay $0x1  }
0x20d: {  	v9 =	vor.u32 v4, v7;
	_ =	sdelay $0x1  }
0x20e: {  	v7 =	vmul.f32 v8, v5  }
0x20f: {  	s29 =	simm.s32 $0x3  }
0x210: {  	v8 =	vmov s29;
	[tilespmem:v6+s14+$0x0] =	vst.idx.msk $0xffff, v7  }
0x211: {  	v6 =	vadd.s32 $0x20, v8;
	v8 =	vld.idx.msk [tilespmem:v9+s14+$0x0], $0xffff  }
0x212: {  	v6 =	vand.u32 $0x3F, v6  }
0x213: {  	v6 =	vbroadcast v6, $0x0;
	_ =	sdelay $0x1  }
0x214: {  	v7 =	vor.u32 v4, v6  }
0x215: {  	v6 =	vmul.f32 v8, v5  }
0x216: {  	s25 =	simm.s32 $0x4  }
0x217: {  	[tilespmem:v9+s14+$0x0] =	vst.idx.msk $0xffff, v6;
	v6 =	vmov s25  }
0x218: {  	v6 =	vadd.s32 $0x20, v6  }
0x219: {  	v8 =	vld.idx.msk [tilespmem:v7+s14+$0x0], $0xffff;
	v6 =	vand.u32 $0x3C, v6  }
0x21a: {  	v6 =	vbroadcast v6, $0x0;
	_ =	sdelay $0x1  }
0x21b: {  	v6 =	vor.u32 v4, v6;
	_ =	sdelay $0x1  }
0x21c: {  	v8 =	vmul.f32 v8, v5  }
0x21d: {  	s28 =	simm.s32 $0x5;
	s26 =	simm.s32 $0x8  }
.LBB2_18:
0x21e: {  	p1 =	slt.u32 s26, $0x1C;
	v9 =	vmov s28;
	[tilespmem:v7+s14+$0x0] =	vst.idx.msk $0xffff, v8;
	s28 =	smov.u32 s26;
	s26 =	sadd.s32 $0x4, s26  }
0x21f: {  	v7 =	vld.idx.msk [tilespmem:v6+s14+$0x0], $0xffff;
	v8 =	vadd.s32 $0x20, v9  }
0x220: {  	v8 =	vand.u32 $0x3D, v8  }
0x221: {  	v8 =	vbroadcast v8, $0x0;
	_ =	sdelay $0x1  }
0x222: {  	v8 =	vor.u32 v4, v8;
	_ =	sdelay $0x1  }
0x223: {  	v7 =	vmul.f32 v7, v5  }
0x224: {  	s29 =	sadd.s32 $0x2, s25  }
0x225: {  	[tilespmem:v6+s14+$0x0] =	vst.idx.msk $0xffff, v7;
	v6 =	vmov s29  }
0x226: {  	v7 =	vld.idx.msk [tilespmem:v8+s14+$0x0], $0xffff;
	v6 =	vadd.s32 $0x20, v6  }
0x227: {  	v6 =	vand.u32 $0x3E, v6  }
0x228: {  	v6 =	vbroadcast v6, $0x0;
	_ =	sdelay $0x1  }
0x229: {  	v6 =	vor.u32 v4, v6;
	_ =	sdelay $0x1  }
0x22a: {  	v7 =	vmul.f32 v7, v5  }
0x22b: {  	s29 =	sadd.s32 $0x3, s25;
	s25 =	smov.u32 s28  }
0x22c: {  	[tilespmem:v8+s14+$0x0] =	vst.idx.msk $0xffff, v7;
	v7 =	vmov s29  }
0x22d: {  	v8 =	vld.idx.msk [tilespmem:v6+s14+$0x0], $0xffff;
	v7 =	vadd.s32 $0x20, v7  }
0x22e: {  	v7 =	vand.u32 $0x3F, v7  }
0x22f: {  	v7 =	vbroadcast v7, $0x0;
	_ =	sdelay $0x1  }
0x230: {  	v7 =	vor.u32 v4, v7;
	_ =	sdelay $0x1  }
0x231: {  	v8 =	vmul.f32 v8, v5;
	_ =	sdelay $0x1  }
0x232: {  	v9 =	vmov s25;
	[tilespmem:v6+s14+$0x0] =	vst.idx.msk $0xffff, v8  }
0x233: {  	v6 =	vadd.s32 $0x20, v9;
	v8 =	vld.idx.msk [tilespmem:v7+s14+$0x0], $0xffff  }
0x234: {  	v6 =	vand.u32 $0x3C, v6  }
0x235: {  	v6 =	vbroadcast v6, $0x0  }
.Ltmp9:
0x236: {  	(pc) =	sbr.rel @p1 .LBB2_18-.Ltmp9, $3  }
0x237: {  	v6 =	vor.u32 v4, v6;
	_ =	sdelay $0x1  }
0x238: {  	v8 =	vmul.f32 v8, v5  }
0x239: {  	s28 =	sadd.s32 $0x1, s25  }
0x23a: {  	_ =	sdelay $0x2  }
0x23b: {  	v9 =	vmov s28  }
0x23c: {  	[tilespmem:v7+s14+$0x0] =	vst.idx.msk $0xffff, v8;
	v58 =	vadd.s32 $0x20, v9  }
0x23d: {  	v8 =	vld.idx.msk [tilespmem:v6+s14+$0x0], $0xffff;
	v7 =	vand.u32 $0x3D, v58  }
0x23e: {  	v7 =	vbroadcast v7, $0x0;
	_ =	sdelay $0x1  }
0x23f: {  	v7 =	vor.u32 v4, v7;
	_ =	sdelay $0x1  }
0x240: {  	s26 =	sadd.s32 $0x2, s25;
	v8 =	vmul.f32 v8, v5  }
0x241: {  	v59 =	vmov s26  }
0x242: {  	v60 =	vadd.s32 $0x20, v59;
	[tilespmem:v6+s14+$0x0] =	vst.idx.msk $0xffff, v8  }
0x243: {  	v6 =	vand.u32 $0x3E, v60;
	v8 =	vld.idx.msk [tilespmem:v7+s14+$0x0], $0xffff  }
0x244: {  	v6 =	vbroadcast v6, $0x0;
	_ =	sdelay $0x1  }
0x245: {  	v6 =	vor.u32 v4, v6;
	_ =	sdelay $0x1  }
0x246: {  	s29 =	sadd.s32 $0x3, s25;
	v8 =	vmul.f32 v8, v5  }
0x247: {  	v61 =	vmov s29  }
0x248: {  	v62 =	vadd.s32 $0x20, v61;
	[tilespmem:v7+s14+$0x0] =	vst.idx.msk $0xffff, v8  }
0x249: {  	v7 =	vand.u32 $0x3F, v62;
	v8 =	vld.idx.msk [tilespmem:v6+s14+$0x0], $0xffff  }
0x24a: {  	v7 =	vbroadcast v7, $0x0;
	_ =	sdelay $0x1  }
0x24b: {  	v4 =	vor.u32 v4, v7;
	_ =	sdelay $0x1  }
0x24c: {  	v63 =	vmul.f32 v8, v5;
	_ =	sdelay $0x1  }
0x24d: {  	[tilespmem:v6+s14+$0x0] =	vst.idx.msk $0xffff, v63  }
0x24e: {  	v6 =	vld.idx.msk [tilespmem:v4+s14+$0x0], $0xffff  }
0x24f: {  	s24 =	sadd.s32 $0x1, s24  }
0x250: {  	p1 =	sne.s32 s24, $0x5  }
.Ltmp10:
0x251: {  	_ = 	snop;
	(pc) =	sbr.rel @p1 .LBB2_15-.Ltmp10, $3  }
0x252: {  	_ = 	snop  }
0x253: {  	v5 =	vmul.f32 v6, v5;
	_ =	sdelay $0x1  }
0x254: {  	[tilespmem:v4+s14+$0x0] =	vst.idx.msk $0xffff, v5  }
.Ltmp11:
0x255: {  	(pc) =	sbr.rel @p0 .LBB2_22-.Ltmp11, $4  }
0x256: {  	[spmem:s3] =	stream.indirect.scatter.add.f32 [tilespmem:s14], [sflag:$0x3], $0x40, s12, s9, $0xb8;
	[tilespmem:$0x1BDA0] =	vst v63  }
0x257: {  	_ =	swait.ge [sflag:s30], $0x1400  }
0x258: {  	[sflag:s30] =	ssyncset.done $0x0  }
0x259: {  	[sflag:s30] =	ssyncadd.s32 $0xFFFFEC00  }
0x25a: {  	s23 =	smul.u32 $0xA0, s22;
	_ =	sdelay $0x1  }
0x25b: {  	s23 =	sadd.s32 s23, s16  }
0x25c: {  	s23 =	sshrl.u32 s23, $0x3  }
0x25d: {  	s24 =	sadd.s32 s6, s23  }
0x25e: {  	[tilespmem:s11], [sflag:$0x3] =	stream.linear.gather [hbm4b:s24+s5], $0x50, $0x38;
	[tilespmem:$0x1BDA0] =	vst v63  }
0x25f: {  	_ =	swait.ge [sflag:s30], $0x50  }
0x260: {  	[sflag:s30] =	ssyncset.done $0x0  }
0x261: {  	s23 =	sadd.s32 s7, s23;
	[sflag:s30] =	ssyncadd.s32 $0xFFFFFFB0  }
0x262: {  	[tilespmem:s12], [sflag:$0x3] =	stream.linear.gather [hbm4b:s23+s5], $0x50, $0x38;
	[tilespmem:$0x1BDA0] =	vst v63  }
0x263: {  	_ =	swait.ge [sflag:s30], $0x50  }
0x264: {  	[sflag:s30] =	ssyncset.done $0x0  }
0x265: {  	[sflag:s30] =	ssyncadd.s32 $0xFFFFFFB0  }
0x266: {  	v4 =	vld [tilespmem:$0x9C90]  }
0x267: {  	v5 =	vld [tilespmem:$0x9CA0]  }
0x268: {  	v6 =	vld [tilespmem:$0x9CB0]  }
0x269: {  	v7 =	vld [tilespmem:$0x9CC0]  }
0x26a: {  	v8 =	vld [tilespmem:$0x9CD0]  }
0x26b: {  	v4 =	vshll.u32 v4, $0x1  }
0x26c: {  	v5 =	vshll.u32 v5, $0x1;
	v4 =	vor.u32 v1, v4  }
0x26d: {  	[tilespmem:$0x9D30] =	vst v4;
	v4 =	vor.u32 v1, v5;
	v5 =	vshll.u32 v6, $0x1  }
.Ltmp12:
0x26e: {  	[tilespmem:$0x9D40] =	vst v4;
	v4 =	vor.u32 v1, v5;
	v5 =	vshll.u32 v7, $0x1;
	(pc) =	sbr.rel .LBB2_8-.Ltmp12, $4  }
0x26f: {  	[tilespmem:$0x9D50] =	vst v4;
	v4 =	vor.u32 v1, v5;
	v5 =	vshll.u32 v8, $0x1  }
0x270: {  	[tilespmem:$0x9D60] =	vst v4;
	v4 =	vor.u32 v1, v5  }
0x271: {  	s22 =	sadd.s32 $0x1, s22;
	[tilespmem:$0x9D70] =	vst v4  }
0x272: {  	[tilespmem:s14], [sflag:$0x2] =	stream.indirect.gather [hbm4b:s0+s9], $0x40, s13, s9, $0xb8;
	[tilespmem:$0x1BDA0] =	vst v63  }
.LBB2_23:
0x273: {  	_ =	sfence.sel $0x180000  }
0x274: {  	[bflag:$0x0] =	sbarrier.arrive $0xFFFF  }
0x275: {  	_ =	strace $0x90000047  }
0x276: {  	s0 =	stileid.u32;
	[bflag:$0x2] =	sbarrier.arrive $0xFFFF  }
0x277: {  	p0 =	sne.s32 s0, $0x0;
	s0 =	rddreg [dreg:$0x4]  }
0x278: {  	s0 =	sadd.s32 @!p0 $0x100000, s0  }
0x279: {  	[sflag:s0] =	ssyncadd.tile.s32 @!p0 $0x1;
	_ =	shalt  }
.Lfunc_end2:
_tile_overlayer_lowered:
.L_overlay_start_2:
0x27a: {  	(tag) =	ssettag $0x2  }
0x27b: {  	s0 =	rddreg [dreg:$0x0];
	s2 =	stileid.u32  }
0x27c: {  	s1 =	rddreg [dreg:$0x1];
	p0 =	sne.s32 s2, $0x0  }
0x27d: {  	s3 =	rddreg [dreg:$0x2];
	[bflag:$0x3] =	sbarrier.arrive $0xFFFF;
	s2 =	simm.s32 @!p0 $0x1C03  }
0x27e: {  	[timem:s3], [sflag:s2] =	dma.local @!p0 [hbm:s0], s1  }
0x27f: {  	s0 =	simm.s32 @!p0 $0x3  }
0x280: {  	_ =	swait.ge @!p0 [sflag:s0], s1  }
0x281: {  	s1 =	ssub.s32 @!p0 $0x0, s1;
	[sflag:s0] =	ssyncset.done @!p0 $0x0  }
0x282: {  	[sflag:s0] =	ssyncadd.s32 @!p0 s1  }
0x283: {  	[bflag:$0x3] =	sbarrier.arrive $0xFFFF  }
0x284: {  	_ =	shalt  }

</sc_bundles>
